<compile_context>
chip_gen: v7x
topology: tpu7x:2x2x1
jax: 0.10.2.dev20260603
libtpu: 0.0.44.dev20260713+nightly
codegen_flags: <defaults>
</compile_context>

<pallas_src>
import functools

import jax
import jax.numpy as jnp
from jax import lax
from jax.experimental import pallas as pl
from jax.experimental.pallas import tpu as pltpu
from jax.experimental.pallas import tpu_sc as plsc

N_NODES = 10000
N_EDGES = 320000
D_IN = 128
D_HID = 128
D_OUT = 64
EPS = 1e-5

_NC = 2
_NS = 16
_NW = _NC * _NS
_EPW = N_EDGES // _NW
_CH = 80
_NCHUNK = _EPW // _CH
_RPT = 624
_TAIL0 = _NS * _RPT
_ZROWS = 16
_D = 128


def _fill_f32(ref, rows, width, val):
    vec = jnp.full((16,), val, jnp.float32)

    def body(i, _):
        for k in range(width // 16):
            ref[i, pl.ds(k * 16, 16)] = vec
        return 0

    lax.fori_loop(0, rows, body, 0)


def _mesh():
    return plsc.VectorSubcoreMesh(core_axis_name="c", subcore_axis_name="s",
                                  num_cores=_NC, num_subcores=_NS)


def _zero_acc(sid, r0, zbuf, acc):
    _fill_f32(zbuf, _ZROWS, _D, 0.0)

    def zloop(j, _):
        pltpu.sync_copy(zbuf, acc.at[pl.ds(r0 + j * _ZROWS, _ZROWS)])
        return 0

    lax.fori_loop(0, _RPT // _ZROWS, zloop, 0)

    @pl.when(sid == _NS - 1)
    def _():
        pltpu.sync_copy(zbuf, acc.at[pl.ds(_TAIL0, _ZROWS)])


def _publish(sid, cid, r0, acc, out):
    pltpu.sync_copy(acc.at[pl.ds(r0, _RPT)], out.at[cid, pl.ds(r0, _RPT)])

    @pl.when(sid == _NS - 1)
    def _():
        pltpu.sync_copy(acc.at[pl.ds(_TAIL0, _ZROWS)],
                        out.at[cid, pl.ds(_TAIL0, _ZROWS)])


def _unpack_lo(pk, i, dst_ref, buf=None):
    for k in range(_CH // 16):
        v = pk[pl.ds(i * _CH + k * 16, 16)]
        lo = lax.bitwise_and(v, jnp.int32(0xFFFF))
        if buf is None:
            dst_ref[pl.ds(k * 16, 16)] = lo
        else:
            dst_ref[buf, pl.ds(k * 16, 16)] = lo


def _unpack_hi(pk, i, dst_ref):
    for k in range(_CH // 16):
        v = pk[pl.ds(i * _CH + k * 16, 16)]
        dst_ref[pl.ds(k * 16, 16)] = lax.shift_right_logical(v, 16)


def _seg_phase(x_hbm, acc, pk, sidx, didxa, didxb, rows, semg, sems):
    _unpack_lo(pk, 0, sidx, 0)
    pltpu.async_copy(x_hbm.at[sidx.at[0]], rows.at[0], semg)
    _unpack_lo(pk, 1, sidx, 1)
    pltpu.async_copy(x_hbm.at[sidx.at[1]], rows.at[1], semg)

    def eloop(i, _):
        gbuf = lax.rem(i, 3)
        pltpu.make_async_copy(x_hbm.at[sidx.at[0]], rows.at[gbuf], semg).wait()

        @pl.when(lax.rem(i, 2) == 0)
        def _():
            _unpack_hi(pk, i, didxa)
            pltpu.async_copy(rows.at[gbuf], acc.at[didxa], sems, add=True)

        @pl.when(lax.rem(i, 2) == 1)
        def _():
            _unpack_hi(pk, i, didxb)
            pltpu.async_copy(rows.at[gbuf], acc.at[didxb], sems, add=True)

        @pl.when(i >= 1)
        def _():
            pltpu.make_async_copy(rows.at[0], acc.at[didxa], sems).wait()

        @pl.when(i + 2 < _NCHUNK)
        def _():
            sbuf = lax.rem(i, 2)
            _unpack_lo(pk, i + 2, sidx, sbuf)
            pltpu.async_copy(x_hbm.at[sidx.at[sbuf]],
                             rows.at[lax.rem(i + 2, 3)], semg)

        return 0

    lax.fori_loop(0, _NCHUNK, eloop, 0)
    pltpu.make_async_copy(rows.at[0], acc.at[didxa], sems).wait()


def _cnt_phase(acc, pk, ones_src, didxa, didxb, didxc, sems):
    def eloop(i, _):
        @pl.when(lax.rem(i, 3) == 0)
        def _():
            _unpack_hi(pk, i, didxa)
            pltpu.async_copy(ones_src, acc.at[didxa], sems, add=True)

        @pl.when(lax.rem(i, 3) == 1)
        def _():
            _unpack_hi(pk, i, didxb)
            pltpu.async_copy(ones_src, acc.at[didxb], sems, add=True)

        @pl.when(lax.rem(i, 3) == 2)
        def _():
            _unpack_hi(pk, i, didxc)
            pltpu.async_copy(ones_src, acc.at[didxc], sems, add=True)

        @pl.when(i >= 2)
        def _():
            pltpu.make_async_copy(ones_src, acc.at[didxa], sems).wait()

        return 0

    lax.fori_loop(0, _NCHUNK, eloop, 0)
    pltpu.make_async_copy(ones_src, acc.at[didxa], sems).wait()
    pltpu.make_async_copy(ones_src, acc.at[didxa], sems).wait()


_CW = _D


def _sc_scratch():
    return [
        pltpu.VMEM_SHARED((N_NODES, _D), jnp.float32),
        pltpu.VMEM((_ZROWS, _D), jnp.float32),
        pltpu.VMEM((_EPW,), jnp.int32),
        pltpu.VMEM((2, _CH), jnp.int32),
        pltpu.VMEM((_CH,), jnp.int32),
        pltpu.VMEM((_CH,), jnp.int32),
        pltpu.VMEM((_CH,), jnp.int32),
        pltpu.VMEM((3, _CH, _D), jnp.float32),
        pltpu.SemaphoreType.DMA,
        pltpu.SemaphoreType.DMA,
    ]


@functools.lru_cache(maxsize=None)
def _make_seg0_cnt():
    out_type = [jax.ShapeDtypeStruct((_NC, N_NODES, _D), jnp.float32),
                jax.ShapeDtypeStruct((_NC, N_NODES, _CW), jnp.float32)]

    def body(x_hbm, pk_hbm, sum_out, cnt_out, acc, zbuf, pk, sidx,
             didxa, didxb, didxc, rows, semg, sems):
        cid = lax.axis_index("c")
        sid = lax.axis_index("s")
        wid = sid * _NC + cid
        r0 = sid * _RPT
        pltpu.sync_copy(pk_hbm.at[wid, 0], pk)
        _zero_acc(sid, r0, zbuf, acc)
        _fill_f32(rows.at[2], _CH, _D, 1.0)
        plsc.subcore_barrier()
        _cnt_phase(acc, pk, rows.at[2], didxa, didxb, didxc, sems)
        plsc.subcore_barrier()
        _publish(sid, cid, r0, acc, cnt_out)
        _zero_acc(sid, r0, zbuf, acc)
        plsc.subcore_barrier()
        _seg_phase(x_hbm, acc, pk, sidx, didxa, didxb, rows, semg, sems)
        plsc.subcore_barrier()
        _publish(sid, cid, r0, acc, sum_out)

    return pl.kernel(body, out_type=out_type, mesh=_mesh(),
                     scratch_types=_sc_scratch())


@functools.lru_cache(maxsize=None)
def _make_seg_sum():
    out_type = [jax.ShapeDtypeStruct((_NC, N_NODES, _D), jnp.float32)]

    def body(x_hbm, pk_hbm, sum_out, acc, zbuf, pk, sidx,
             didxa, didxb, didxc, rows, semg, sems):
        cid = lax.axis_index("c")
        sid = lax.axis_index("s")
        wid = sid * _NC + cid
        r0 = sid * _RPT
        pltpu.sync_copy(pk_hbm.at[wid, 0], pk)
        _zero_acc(sid, r0, zbuf, acc)
        plsc.subcore_barrier()
        _seg_phase(x_hbm, acc, pk, sidx, didxa, didxb, rows, semg, sems)
        plsc.subcore_barrier()
        _publish(sid, cid, r0, acc, sum_out)

    return pl.kernel(body, out_type=out_type, mesh=_mesh(),
                     scratch_types=_sc_scratch())


_RB = 2000
_GRID = N_NODES // _RB


def _tc0_body(sum_ref, cnt_ref, x_ref, wl_ref, bl_ref, wr_ref, g_ref, be_ref,
              h_ref, inv_ref, hpre_ref, st_ref):
    p = pl.program_id(0)
    i = pl.program_id(1)

    @pl.when(p == 0)
    def _():
        s = sum_ref[0] + sum_ref[1]
        c = cnt_ref[0, :, 0:1] + cnt_ref[1, :, 0:1]
        inv = 1.0 / jnp.maximum(c, 1.0)
        inv_ref[...] = inv
        mean = s * inv
        h = (jnp.dot(mean, wl_ref[...], preferred_element_type=jnp.float32)
             + bl_ref[...]
             + jnp.dot(x_ref[...], wr_ref[...],
                       preferred_element_type=jnp.float32))
        hpre_ref[pl.ds(i * _RB, _RB), :] = h

        @pl.when(i == 0)
        def _():
            st_ref[...] = jnp.zeros_like(st_ref)

        st_ref[0:1, :] += jnp.sum(h, axis=0, keepdims=True)
        st_ref[1:2, :] += jnp.sum(h * h, axis=0, keepdims=True)

    @pl.when(p == 1)
    def _():
        mu = st_ref[0:1, :] * (1.0 / N_NODES)
        var = st_ref[1:2, :] * (1.0 / N_NODES) - mu * mu
        hp = hpre_ref[pl.ds(i * _RB, _RB), :]
        h_ref[...] = jnp.maximum(
            (hp - mu) * lax.rsqrt(var + EPS) * g_ref[...] + be_ref[...], 0.0)


_tc0 = pl.pallas_call(
    _tc0_body,
    grid=(2, _GRID),
    in_specs=[
        pl.BlockSpec((_NC, _RB, _D), lambda p, i: (0, jnp.where(p == 0, i, _GRID - 1), 0)),
        pl.BlockSpec((_NC, _RB, _CW), lambda p, i: (0, jnp.where(p == 0, i, _GRID - 1), 0)),
        pl.BlockSpec((_RB, D_IN), lambda p, i: (jnp.where(p == 0, i, _GRID - 1), 0)),
        pl.BlockSpec((D_IN, D_HID), lambda p, i: (0, 0)),
        pl.BlockSpec((1, D_HID), lambda p, i: (0, 0)),
        pl.BlockSpec((D_IN, D_HID), lambda p, i: (0, 0)),
        pl.BlockSpec((1, D_HID), lambda p, i: (0, 0)),
        pl.BlockSpec((1, D_HID), lambda p, i: (0, 0)),
    ],
    out_specs=[
        pl.BlockSpec((_RB, D_HID), lambda p, i: (jnp.where(p == 0, 0, i), 0)),
        pl.BlockSpec((_RB, 1), lambda p, i: (jnp.where(p == 0, i, _GRID - 1), 0)),
    ],
    out_shape=[
        jax.ShapeDtypeStruct((N_NODES, D_HID), jnp.float32),
        jax.ShapeDtypeStruct((N_NODES, 1), jnp.float32),
    ],
    scratch_shapes=[
        pltpu.VMEM((N_NODES, D_HID), jnp.float32),
        pltpu.VMEM((2, D_HID), jnp.float32),
    ],
)


def _tc1a_body(h_ref, wr_ref, bl_ref, o_ref):
    o_ref[...] = jnp.dot(h_ref[...], wr_ref[...],
                         preferred_element_type=jnp.float32) + bl_ref[...]


_tc1a = pl.pallas_call(
    _tc1a_body,
    grid=(_GRID,),
    in_specs=[
        pl.BlockSpec((_RB, D_HID), lambda i: (i, 0)),
        pl.BlockSpec((D_HID, D_OUT), lambda i: (0, 0)),
        pl.BlockSpec((1, D_OUT), lambda i: (0, 0)),
    ],
    out_specs=pl.BlockSpec((_RB, D_OUT), lambda i: (i, 0)),
    out_shape=jax.ShapeDtypeStruct((N_NODES, D_OUT), jnp.float32),
)


def _tc1_body(sum_ref, inv_ref, hr_ref, wl_ref, o_ref):
    s = sum_ref[0] + sum_ref[1]
    mean = s * inv_ref[...]
    o = (jnp.dot(mean, wl_ref[...], preferred_element_type=jnp.float32)
         + hr_ref[...])
    m = jnp.max(o, axis=-1, keepdims=True)
    z = o - m
    lse = jnp.log(jnp.sum(jnp.exp(z), axis=-1, keepdims=True))
    o_ref[...] = z - lse


_tc1 = pl.pallas_call(
    _tc1_body,
    grid=(_GRID,),
    in_specs=[
        pl.BlockSpec((_NC, _RB, _D), lambda i: (0, i, 0)),
        pl.BlockSpec((_RB, 1), lambda i: (i, 0)),
        pl.BlockSpec((_RB, D_OUT), lambda i: (i, 0)),
        pl.BlockSpec((D_HID, D_OUT), lambda i: (0, 0)),
    ],
    out_specs=pl.BlockSpec((_RB, D_OUT), lambda i: (i, 0)),
    out_shape=jax.ShapeDtypeStruct((N_NODES, D_OUT), jnp.float32),
)


def kernel(x, edge_index, Wl0, bl0, Wr0, gamma0, beta0, Wl1, bl1, Wr1):
    packed = (edge_index[0] | (edge_index[1] << 16)).reshape(_NW, 1, _EPW)
    sum0p, cntp = _make_seg0_cnt()(x, packed)
    h, inv = _tc0(sum0p, cntp, x, Wl0.T, bl0.reshape(1, -1), Wr0.T,
                  gamma0.reshape(1, -1), beta0.reshape(1, -1))
    hr = _tc1a(h, Wr1.T, bl1.reshape(1, -1))
    (sum1p,) = _make_seg_sum()(h, packed)
    return _tc1(sum1p, inv, hr, Wl1.T)

# --- scband reference (transcript-rebuilt; emitter-appended) ---
"""Pipeline reference for scband-cluster-gcn-20968030339121 (READ-ONLY COPY).

The authoritative reference and input builder live on the scoring server;
editing this copy changes nothing except your own understanding.
"""

import jax, jax.numpy as jnp
import numpy as np

N_NODES = 10000
N_EDGES = 320000
D_IN = 128
D_HID = 128
D_OUT = 64
EPS = 1e-5


def setup_inputs(seed: int = 0) -> dict:
    key = jax.random.key(seed)
    ks = jax.random.split(key, 12)
    x = jax.random.normal(ks[0], (N_NODES, D_IN), dtype=jnp.float32)
    edge_index = jax.random.randint(ks[1], (2, N_EDGES), 0, N_NODES, dtype=jnp.int32)
    # SAGEConv layer 0 params (lin_l has bias, lin_r no bias, per PyG defaults)
    Wl0 = jax.random.normal(ks[2], (D_HID, D_IN), dtype=jnp.float32) * 0.05
    bl0 = jnp.zeros((D_HID,), dtype=jnp.float32)
    Wr0 = jax.random.normal(ks[3], (D_HID, D_IN), dtype=jnp.float32) * 0.05
    # BatchNorm 0 params
    gamma0 = jnp.ones((D_HID,), dtype=jnp.float32)
    beta0 = jnp.zeros((D_HID,), dtype=jnp.float32)
    # SAGEConv layer 1 params (last layer, bn skipped since reduce_dims is None)
    Wl1 = jax.random.normal(ks[4], (D_OUT, D_HID), dtype=jnp.float32) * 0.05
    bl1 = jnp.zeros((D_OUT,), dtype=jnp.float32)
    Wr1 = jax.random.normal(ks[5], (D_OUT, D_HID), dtype=jnp.float32) * 0.05
    return {"x": x, "edge_index": edge_index, "Wl0": Wl0, "bl0": bl0, "Wr0": Wr0,
            "gamma0": gamma0, "beta0": beta0, "Wl1": Wl1, "bl1": bl1, "Wr1": Wr1}


def _sage_conv(x, edge_index, Wl, bl, Wr):
    # mean aggregation of source-node features per destination node
    src = edge_index[0]
    dst = edge_index[1]
    gathered = jnp.take(x, src, axis=0)
    summed = jax.ops.segment_sum(gathered, dst, num_segments=x.shape[0])
    cnt = jax.ops.segment_sum(jnp.ones((src.shape[0], 1), dtype=x.dtype), dst,
                              num_segments=x.shape[0])
    mean = summed / jnp.maximum(cnt, 1.0)
    return mean @ Wl.T + bl + x @ Wr.T


def _batch_norm(h, gamma, beta):
    mu = jnp.mean(h, axis=0)
    var = jnp.var(h, axis=0)
    return (h - mu) / jnp.sqrt(var + EPS) * gamma + beta


def reference(x, edge_index, Wl0, bl0, Wr0, gamma0, beta0, Wl1, bl1, Wr1):
    # layer 0: conv -> bn -> relu -> dropout(p=0.0, no-op)
    h = _sage_conv(x, edge_index, Wl0, bl0, Wr0)
    h = _batch_norm(h, gamma0, beta0)
    h = jax.nn.relu(h)
    # layer 1 (last, reduce_dims is None): conv only
    h = _sage_conv(h, edge_index, Wl1, bl1, Wr1)
    return jax.nn.log_softmax(h, axis=-1)

if __name__ == "__main__":
    import jax
    _d = setup_inputs()
    print(jax.jit(kernel)(*tuple(_d.values())))

</pallas_src>

<mosaic_0001>
#map = affine_map<(d0, d1) -> (0, 0)>
#map1 = affine_map<(d0, d1) -> (0, 0, 0)>
module attributes {stable_mosaic.version = 14 : i64} {
  func.func @body(%arg0: i32, %arg1: i32, %arg2: memref<10000x128xf32, #tpu.memory_space<hbm>>, %arg3: memref<32x1x10000xi32, #tpu.memory_space<hbm>>, %arg4: memref<2x10000x128xf32, #tpu.memory_space<hbm>>, %arg5: memref<2x10000x128xf32, #tpu.memory_space<hbm>>, %arg6: memref<10000x128xf32, #tpu.memory_space<vmem_shared>>, %arg7: memref<16x128xf32, #tpu.memory_space<vmem>>, %arg8: memref<10000xi32, #tpu.memory_space<vmem>>, %arg9: memref<2x80xi32, #tpu.memory_space<vmem>>, %arg10: memref<80xi32, #tpu.memory_space<vmem>>, %arg11: memref<80xi32, #tpu.memory_space<vmem>>, %arg12: memref<80xi32, #tpu.memory_space<vmem>>, %arg13: memref<3x80x128xf32, #tpu.memory_space<vmem>>, %arg14: memref<!tpu.dma_semaphore, #tpu.memory_space<semaphore_mem>>, %arg15: memref<!tpu.dma_semaphore, #tpu.memory_space<semaphore_mem>>) attributes {dimension_semantics = [#tpu.dimension_semantics<core_parallel>, #tpu.dimension_semantics<subcore_parallel>], iteration_bounds = array<i64: 2, 16>, scalar_prefetch = 0 : i64, scratch_operands = 10 : i64, tpu.core_type = #tpu.core_type<sc_vector_subcore>, window_params = [{transform_indices = #map}, {transform_indices = #map1}, {transform_indices = #map1}, {transform_indices = #map1}]} {
    %mul3A = arith.constant 2 : i32
    %mul3A_0 = arith.muli %arg1, %mul3A : i32
    %add3A = arith.addi %mul3A_0, %arg0 : i32
    %mul3A_1 = arith.constant 624 : i32
    %mul3A_2 = arith.muli %arg1, %mul3A_1 : i32
    %run_scoped3A = arith.constant 0 : i32
    "tpu.region"() ({
      %run_scoped3A_241 = tpu.sem_alloc : memref<!tpu.dma_semaphore, #tpu.memory_space<semaphore_mem>>
      %dma_start3A_242 = arith.constant 0 : i32
      %dma_start3A_243 = tpu.memref_slice %arg3[%add3A, %run_scoped3A, %dma_start3A_242] : memref<32x1x10000xi32, #tpu.memory_space<hbm>> -> memref<1x1x10000xi32, #tpu.memory_space<hbm>>
      %dma_start3A_244 = tpu.memref_squeeze %dma_start3A_243 : memref<1x1x10000xi32, #tpu.memory_space<hbm>> -> memref<10000xi32, #tpu.memory_space<hbm>>
      %dma_start3A_245 = arith.constant 0 : i32
      %dma_start3A_246 = tpu.memref_slice %arg3[%add3A, %run_scoped3A, %dma_start3A_245] : memref<32x1x10000xi32, #tpu.memory_space<hbm>> -> memref<1x1x10000xi32, #tpu.memory_space<hbm>>
      %dma_start3A_247 = tpu.memref_squeeze %dma_start3A_246 : memref<1x1x10000xi32, #tpu.memory_space<hbm>> -> memref<10000xi32, #tpu.memory_space<hbm>>
      tpu.enqueue_dma source(%dma_start3A_247 : memref<10000xi32, #tpu.memory_space<hbm>>) target(%arg8 : memref<10000xi32, #tpu.memory_space<vmem>>) target_semaphore(%run_scoped3A_241 : memref<!tpu.dma_semaphore, #tpu.memory_space<semaphore_mem>>)
      %dma_wait3A_248 = arith.constant 0 : i32
      %dma_wait3A_249 = tpu.memref_slice %arg3[%add3A, %run_scoped3A, %dma_wait3A_248] : memref<32x1x10000xi32, #tpu.memory_space<hbm>> -> memref<1x1x10000xi32, #tpu.memory_space<hbm>>
      %dma_wait3A_250 = tpu.memref_squeeze %dma_wait3A_249 : memref<1x1x10000xi32, #tpu.memory_space<hbm>> -> memref<10000xi32, #tpu.memory_space<hbm>>
      %dma_wait3A_251 = arith.constant 0 : i32
      %dma_wait3A_252 = tpu.memref_slice %arg3[%add3A, %run_scoped3A, %dma_wait3A_251] : memref<32x1x10000xi32, #tpu.memory_space<hbm>> -> memref<1x1x10000xi32, #tpu.memory_space<hbm>>
      %dma_wait3A_253 = tpu.memref_squeeze %dma_wait3A_252 : memref<1x1x10000xi32, #tpu.memory_space<hbm>> -> memref<10000xi32, #tpu.memory_space<hbm>>
      tpu.wait_dma2 semaphore(%run_scoped3A_241 : memref<!tpu.dma_semaphore, #tpu.memory_space<semaphore_mem>>) src(%dma_wait3A_253 : memref<10000xi32, #tpu.memory_space<hbm>>) dst(%arg8 : memref<10000xi32, #tpu.memory_space<vmem>>)
      tpu.yield
    }) : () -> ()
    %broadcast_in_dim3A = arith.constant 0.000000e+00 : f32
    %broadcast_in_dim3A_3 = vector.broadcast %broadcast_in_dim3A : f32 to vector<16xf32>
    %scan3A = arith.constant 0 : i32
    %scan3A_4 = arith.constant 0 : i32
    %scan3A_5 = arith.constant 16 : i32
    %scan3A_6 = arith.addi %scan3A_4, %scan3A_5 : i32
    %scan3A_7 = arith.constant 1 : i32
    %scan3A_8 = scf.for %scan3A_241 = %scan3A_4 to %scan3A_6 step %scan3A_7 iter_args(%scan3A_242 = %scan3A) -> (i32)  : i32 {
      %swap3A_243 = arith.index_cast %scan3A_241 : i32 to index
      %swap3A_244 = arith.constant 0 : index
      %swap3A_245 = tpu.vector_load %arg7[%swap3A_243, %swap3A_244] {strides = array<i32>} : memref<16x128xf32, #tpu.memory_space<vmem>>, vector<1x16xf32>,
      %swap3A_246 = vector.shape_cast %swap3A_245 : vector<1x16xf32> to vector<16xf32>
      %swap3A_247 = vector.shape_cast %broadcast_in_dim3A_3 : vector<16xf32> to vector<1x16xf32>
      tpu.vector_store %arg7[%swap3A_243, %swap3A_244], %swap3A_247 {strides = array<i32>} : memref<16x128xf32, #tpu.memory_space<vmem>>, vector<1x16xf32>,
      %swap3A_248 = arith.index_cast %scan3A_241 : i32 to index
      %swap3A_249 = arith.constant 16 : index
      %swap3A_250 = tpu.vector_load %arg7[%swap3A_248, %swap3A_249] {strides = array<i32>} : memref<16x128xf32, #tpu.memory_space<vmem>>, vector<1x16xf32>,
      %swap3A_251 = vector.shape_cast %swap3A_250 : vector<1x16xf32> to vector<16xf32>
      %swap3A_252 = vector.shape_cast %broadcast_in_dim3A_3 : vector<16xf32> to vector<1x16xf32>
      tpu.vector_store %arg7[%swap3A_248, %swap3A_249], %swap3A_252 {strides = array<i32>} : memref<16x128xf32, #tpu.memory_space<vmem>>, vector<1x16xf32>,
      %swap3A_253 = arith.index_cast %scan3A_241 : i32 to index
      %swap3A_254 = arith.constant 32 : index
      %swap3A_255 = tpu.vector_load %arg7[%swap3A_253, %swap3A_254] {strides = array<i32>} : memref<16x128xf32, #tpu.memory_space<vmem>>, vector<1x16xf32>,
      %swap3A_256 = vector.shape_cast %swap3A_255 : vector<1x16xf32> to vector<16xf32>
      %swap3A_257 = vector.shape_cast %broadcast_in_dim3A_3 : vector<16xf32> to vector<1x16xf32>
      tpu.vector_store %arg7[%swap3A_253, %swap3A_254], %swap3A_257 {strides = array<i32>} : memref<16x128xf32, #tpu.memory_space<vmem>>, vector<1x16xf32>,
      %swap3A_258 = arith.index_cast %scan3A_241 : i32 to index
      %swap3A_259 = arith.constant 48 : index
      %swap3A_260 = tpu.vector_load %arg7[%swap3A_258, %swap3A_259] {strides = array<i32>} : memref<16x128xf32, #tpu.memory_space<vmem>>, vector<1x16xf32>,
      %swap3A_261 = vector.shape_cast %swap3A_260 : vector<1x16xf32> to vector<16xf32>
      %swap3A_262 = vector.shape_cast %broadcast_in_dim3A_3 : vector<16xf32> to vector<1x16xf32>
      tpu.vector_store %arg7[%swap3A_258, %swap3A_259], %swap3A_262 {strides = array<i32>} : memref<16x128xf32, #tpu.memory_space<vmem>>, vector<1x16xf32>,
      %swap3A_263 = arith.index_cast %scan3A_241 : i32 to index
      %swap3A_264 = arith.constant 64 : index
      %swap3A_265 = tpu.vector_load %arg7[%swap3A_263, %swap3A_264] {strides = array<i32>} : memref<16x128xf32, #tpu.memory_space<vmem>>, vector<1x16xf32>,
      %swap3A_266 = vector.shape_cast %swap3A_265 : vector<1x16xf32> to vector<16xf32>
      %swap3A_267 = vector.shape_cast %broadcast_in_dim3A_3 : vector<16xf32> to vector<1x16xf32>
      tpu.vector_store %arg7[%swap3A_263, %swap3A_264], %swap3A_267 {strides = array<i32>} : memref<16x128xf32, #tpu.memory_space<vmem>>, vector<1x16xf32>,
      %swap3A_268 = arith.index_cast %scan3A_241 : i32 to index
      %swap3A_269 = arith.constant 80 : index
      %swap3A_270 = tpu.vector_load %arg7[%swap3A_268, %swap3A_269] {strides = array<i32>} : memref<16x128xf32, #tpu.memory_space<vmem>>, vector<1x16xf32>,
      %swap3A_271 = vector.shape_cast %swap3A_270 : vector<1x16xf32> to vector<16xf32>
      %swap3A_272 = vector.shape_cast %broadcast_in_dim3A_3 : vector<16xf32> to vector<1x16xf32>
      tpu.vector_store %arg7[%swap3A_268, %swap3A_269], %swap3A_272 {strides = array<i32>} : memref<16x128xf32, #tpu.memory_space<vmem>>, vector<1x16xf32>,
      %swap3A_273 = arith.index_cast %scan3A_241 : i32 to index
      %swap3A_274 = arith.constant 96 : index
      %swap3A_275 = tpu.vector_load %arg7[%swap3A_273, %swap3A_274] {strides = array<i32>} : memref<16x128xf32, #tpu.memory_space<vmem>>, vector<1x16xf32>,
      %swap3A_276 = vector.shape_cast %swap3A_275 : vector<1x16xf32> to vector<16xf32>
      %swap3A_277 = vector.shape_cast %broadcast_in_dim3A_3 : vector<16xf32> to vector<1x16xf32>
      tpu.vector_store %arg7[%swap3A_273, %swap3A_274], %swap3A_277 {strides = array<i32>} : memref<16x128xf32, #tpu.memory_space<vmem>>, vector<1x16xf32>,
      %swap3A_278 = arith.index_cast %scan3A_241 : i32 to index
      %swap3A_279 = arith.constant 112 : index
      %swap3A_280 = tpu.vector_load %arg7[%swap3A_278, %swap3A_279] {strides = array<i32>} : memref<16x128xf32, #tpu.memory_space<vmem>>, vector<1x16xf32>,
      %swap3A_281 = vector.shape_cast %swap3A_280 : vector<1x16xf32> to vector<16xf32>
      %swap3A_282 = vector.shape_cast %broadcast_in_dim3A_3 : vector<16xf32> to vector<1x16xf32>
      tpu.vector_store %arg7[%swap3A_278, %swap3A_279], %swap3A_282 {strides = array<i32>} : memref<16x128xf32, #tpu.memory_space<vmem>>, vector<1x16xf32>,
      %scan3A_283 = arith.constant 0 : i32
      scf.yield %scan3A_283 : i32
    }
    %scan3A_9 = arith.constant 16 : i32
    %scan3A_10 = arith.constant 0 : i32
    %scan3A_11 = arith.constant 0 : i32
    %scan3A_12 = arith.constant 39 : i32
    %scan3A_13 = arith.addi %scan3A_11, %scan3A_12 : i32
    %scan3A_14 = arith.constant 1 : i32
    %scan3A_15 = scf.for %scan3A_241 = %scan3A_11 to %scan3A_13 step %scan3A_14 iter_args(%scan3A_242 = %scan3A_10) -> (i32)  : i32 {
      %mul3A_243 = arith.constant 16 : i32
      %mul3A_244 = arith.muli %scan3A_241, %mul3A_243 : i32
      %add3A_245 = arith.addi %mul3A_2, %mul3A_244 : i32
      "tpu.region"() ({
        %run_scoped3A_247 = tpu.sem_alloc : memref<!tpu.dma_semaphore, #tpu.memory_space<semaphore_mem>>
        %dma_start3A_248 = arith.constant 0 : i32
        %dma_start3A_249 = tpu.memref_slice %arg6[%add3A_245, %dma_start3A_248] : memref<10000x128xf32, #tpu.memory_space<vmem_shared>> -> memref<16x128xf32, #tpu.memory_space<vmem_shared>>
        %dma_start3A_250 = arith.constant 0 : i32
        %dma_start3A_251 = tpu.memref_slice %arg6[%add3A_245, %dma_start3A_250] : memref<10000x128xf32, #tpu.memory_space<vmem_shared>> -> memref<16x128xf32, #tpu.memory_space<vmem_shared>>
        tpu.enqueue_dma source(%arg7 : memref<16x128xf32, #tpu.memory_space<vmem>>) target(%dma_start3A_251 : memref<16x128xf32, #tpu.memory_space<vmem_shared>>) target_semaphore(%run_scoped3A_247 : memref<!tpu.dma_semaphore, #tpu.memory_space<semaphore_mem>>)
        %dma_wait3A_252 = arith.constant 0 : i32
        %dma_wait3A_253 = tpu.memref_slice %arg6[%add3A_245, %dma_wait3A_252] : memref<10000x128xf32, #tpu.memory_space<vmem_shared>> -> memref<16x128xf32, #tpu.memory_space<vmem_shared>>
        %dma_wait3A_254 = arith.constant 0 : i32
        %dma_wait3A_255 = tpu.memref_slice %arg6[%add3A_245, %dma_wait3A_254] : memref<10000x128xf32, #tpu.memory_space<vmem_shared>> -> memref<16x128xf32, #tpu.memory_space<vmem_shared>>
        tpu.wait_dma2 semaphore(%run_scoped3A_247 : memref<!tpu.dma_semaphore, #tpu.memory_space<semaphore_mem>>) src(%arg7 : memref<16x128xf32, #tpu.memory_space<vmem>>) dst(%dma_wait3A_255 : memref<16x128xf32, #tpu.memory_space<vmem_shared>>)
        tpu.yield
      }) : () -> ()
      %scan3A_246 = arith.constant 0 : i32
      scf.yield %scan3A_246 : i32
    }
    %scan3A_16 = arith.constant 39 : i32
    %eq3A = arith.constant 15 : i32
    %eq3A_17 = arith.cmpi eq, %arg1, %eq3A : i32
    %convert_element_type3A = arith.extui %eq3A_17 : i1 to i32
    %cond3A = arith.constant 0 : i32
    %cond3A_18 = arith.cmpi ne, %convert_element_type3A, %cond3A : i32
    scf.if %cond3A_18 {
      "tpu.region"() ({
        %run_scoped3A_241 = tpu.sem_alloc : memref<!tpu.dma_semaphore, #tpu.memory_space<semaphore_mem>>
        %dma_start3A_242 = arith.constant 9984 : i32
        %dma_start3A_243 = arith.constant 0 : i32
        %dma_start3A_244 = tpu.memref_slice %arg6[%dma_start3A_242, %dma_start3A_243] : memref<10000x128xf32, #tpu.memory_space<vmem_shared>> -> memref<16x128xf32, #tpu.memory_space<vmem_shared>>
        %dma_start3A_245 = arith.constant 9984 : i32
        %dma_start3A_246 = arith.constant 0 : i32
        %dma_start3A_247 = tpu.memref_slice %arg6[%dma_start3A_245, %dma_start3A_246] : memref<10000x128xf32, #tpu.memory_space<vmem_shared>> -> memref<16x128xf32, #tpu.memory_space<vmem_shared>>
        tpu.enqueue_dma source(%arg7 : memref<16x128xf32, #tpu.memory_space<vmem>>) target(%dma_start3A_247 : memref<16x128xf32, #tpu.memory_space<vmem_shared>>) target_semaphore(%run_scoped3A_241 : memref<!tpu.dma_semaphore, #tpu.memory_space<semaphore_mem>>)
        %dma_wait3A_248 = arith.constant 9984 : i32
        %dma_wait3A_249 = arith.constant 0 : i32
        %dma_wait3A_250 = tpu.memref_slice %arg6[%dma_wait3A_248, %dma_wait3A_249] : memref<10000x128xf32, #tpu.memory_space<vmem_shared>> -> memref<16x128xf32, #tpu.memory_space<vmem_shared>>
        %dma_wait3A_251 = arith.constant 9984 : i32
        %dma_wait3A_252 = arith.constant 0 : i32
        %dma_wait3A_253 = tpu.memref_slice %arg6[%dma_wait3A_251, %dma_wait3A_252] : memref<10000x128xf32, #tpu.memory_space<vmem_shared>> -> memref<16x128xf32, #tpu.memory_space<vmem_shared>>
        tpu.wait_dma2 semaphore(%run_scoped3A_241 : memref<!tpu.dma_semaphore, #tpu.memory_space<semaphore_mem>>) src(%arg7 : memref<16x128xf32, #tpu.memory_space<vmem>>) dst(%dma_wait3A_253 : memref<16x128xf32, #tpu.memory_space<vmem_shared>>)
        tpu.yield
      }) : () -> ()
    } else {
    }
    %broadcast_in_dim3A_19 = arith.constant 1.000000e+00 : f32
    %broadcast_in_dim3A_20 = vector.broadcast %broadcast_in_dim3A_19 : f32 to vector<16xf32>
    %scan3A_21 = arith.constant 2 : i32
    %scan3A_22 = arith.constant 0 : i32
    %scan3A_23 = arith.constant 0 : i32
    %scan3A_24 = arith.constant 80 : i32
    %scan3A_25 = arith.addi %scan3A_23, %scan3A_24 : i32
    %scan3A_26 = arith.constant 1 : i32
    %scan3A_27 = scf.for %scan3A_241 = %scan3A_23 to %scan3A_25 step %scan3A_26 iter_args(%scan3A_242 = %scan3A_22) -> (i32)  : i32 {
      %swap3A_243 = arith.constant 0 : i32
      %swap3A_244 = arith.constant 0 : i32
      %swap3A_245 = tpu.memref_slice %arg13[%scan3A_21, %swap3A_243, %swap3A_244] : memref<3x80x128xf32, #tpu.memory_space<vmem>> -> memref<1x80x128xf32, #tpu.memory_space<vmem>>
      %swap3A_246 = tpu.memref_squeeze %swap3A_245 : memref<1x80x128xf32, #tpu.memory_space<vmem>> -> memref<80x128xf32, #tpu.memory_space<vmem>>
      %swap3A_247 = arith.index_cast %scan3A_241 : i32 to index
      %swap3A_248 = arith.constant 0 : index
      %swap3A_249 = tpu.vector_load %swap3A_246[%swap3A_247, %swap3A_248] {strides = array<i32>} : memref<80x128xf32, #tpu.memory_space<vmem>>, vector<1x16xf32>,
      %swap3A_250 = vector.shape_cast %swap3A_249 : vector<1x16xf32> to vector<16xf32>
      %swap3A_251 = vector.shape_cast %broadcast_in_dim3A_20 : vector<16xf32> to vector<1x16xf32>
      tpu.vector_store %swap3A_246[%swap3A_247, %swap3A_248], %swap3A_251 {strides = array<i32>} : memref<80x128xf32, #tpu.memory_space<vmem>>, vector<1x16xf32>,
      %swap3A_252 = arith.constant 0 : i32
      %swap3A_253 = arith.constant 0 : i32
      %swap3A_254 = tpu.memref_slice %arg13[%scan3A_21, %swap3A_252, %swap3A_253] : memref<3x80x128xf32, #tpu.memory_space<vmem>> -> memref<1x80x128xf32, #tpu.memory_space<vmem>>
      %swap3A_255 = tpu.memref_squeeze %swap3A_254 : memref<1x80x128xf32, #tpu.memory_space<vmem>> -> memref<80x128xf32, #tpu.memory_space<vmem>>
      %swap3A_256 = arith.index_cast %scan3A_241 : i32 to index
      %swap3A_257 = arith.constant 16 : index
      %swap3A_258 = tpu.vector_load %swap3A_255[%swap3A_256, %swap3A_257] {strides = array<i32>} : memref<80x128xf32, #tpu.memory_space<vmem>>, vector<1x16xf32>,
      %swap3A_259 = vector.shape_cast %swap3A_258 : vector<1x16xf32> to vector<16xf32>
      %swap3A_260 = vector.shape_cast %broadcast_in_dim3A_20 : vector<16xf32> to vector<1x16xf32>
      tpu.vector_store %swap3A_255[%swap3A_256, %swap3A_257], %swap3A_260 {strides = array<i32>} : memref<80x128xf32, #tpu.memory_space<vmem>>, vector<1x16xf32>,
      %swap3A_261 = arith.constant 0 : i32
      %swap3A_262 = arith.constant 0 : i32
      %swap3A_263 = tpu.memref_slice %arg13[%scan3A_21, %swap3A_261, %swap3A_262] : memref<3x80x128xf32, #tpu.memory_space<vmem>> -> memref<1x80x128xf32, #tpu.memory_space<vmem>>
      %swap3A_264 = tpu.memref_squeeze %swap3A_263 : memref<1x80x128xf32, #tpu.memory_space<vmem>> -> memref<80x128xf32, #tpu.memory_space<vmem>>
      %swap3A_265 = arith.index_cast %scan3A_241 : i32 to index
      %swap3A_266 = arith.constant 32 : index
      %swap3A_267 = tpu.vector_load %swap3A_264[%swap3A_265, %swap3A_266] {strides = array<i32>} : memref<80x128xf32, #tpu.memory_space<vmem>>, vector<1x16xf32>,
      %swap3A_268 = vector.shape_cast %swap3A_267 : vector<1x16xf32> to vector<16xf32>
      %swap3A_269 = vector.shape_cast %broadcast_in_dim3A_20 : vector<16xf32> to vector<1x16xf32>
      tpu.vector_store %swap3A_264[%swap3A_265, %swap3A_266], %swap3A_269 {strides = array<i32>} : memref<80x128xf32, #tpu.memory_space<vmem>>, vector<1x16xf32>,
      %swap3A_270 = arith.constant 0 : i32
      %swap3A_271 = arith.constant 0 : i32
      %swap3A_272 = tpu.memref_slice %arg13[%scan3A_21, %swap3A_270, %swap3A_271] : memref<3x80x128xf32, #tpu.memory_space<vmem>> -> memref<1x80x128xf32, #tpu.memory_space<vmem>>
      %swap3A_273 = tpu.memref_squeeze %swap3A_272 : memref<1x80x128xf32, #tpu.memory_space<vmem>> -> memref<80x128xf32, #tpu.memory_space<vmem>>
      %swap3A_274 = arith.index_cast %scan3A_241 : i32 to index
      %swap3A_275 = arith.constant 48 : index
      %swap3A_276 = tpu.vector_load %swap3A_273[%swap3A_274, %swap3A_275] {strides = array<i32>} : memref<80x128xf32, #tpu.memory_space<vmem>>, vector<1x16xf32>,
      %swap3A_277 = vector.shape_cast %swap3A_276 : vector<1x16xf32> to vector<16xf32>
      %swap3A_278 = vector.shape_cast %broadcast_in_dim3A_20 : vector<16xf32> to vector<1x16xf32>
      tpu.vector_store %swap3A_273[%swap3A_274, %swap3A_275], %swap3A_278 {strides = array<i32>} : memref<80x128xf32, #tpu.memory_space<vmem>>, vector<1x16xf32>,
      %swap3A_279 = arith.constant 0 : i32
      %swap3A_280 = arith.constant 0 : i32
      %swap3A_281 = tpu.memref_slice %arg13[%scan3A_21, %swap3A_279, %swap3A_280] : memref<3x80x128xf32, #tpu.memory_space<vmem>> -> memref<1x80x128xf32, #tpu.memory_space<vmem>>
      %swap3A_282 = tpu.memref_squeeze %swap3A_281 : memref<1x80x128xf32, #tpu.memory_space<vmem>> -> memref<80x128xf32, #tpu.memory_space<vmem>>
      %swap3A_283 = arith.index_cast %scan3A_241 : i32 to index
      %swap3A_284 = arith.constant 64 : index
      %swap3A_285 = tpu.vector_load %swap3A_282[%swap3A_283, %swap3A_284] {strides = array<i32>} : memref<80x128xf32, #tpu.memory_space<vmem>>, vector<1x16xf32>,
      %swap3A_286 = vector.shape_cast %swap3A_285 : vector<1x16xf32> to vector<16xf32>
      %swap3A_287 = vector.shape_cast %broadcast_in_dim3A_20 : vector<16xf32> to vector<1x16xf32>
      tpu.vector_store %swap3A_282[%swap3A_283, %swap3A_284], %swap3A_287 {strides = array<i32>} : memref<80x128xf32, #tpu.memory_space<vmem>>, vector<1x16xf32>,
      %swap3A_288 = arith.constant 0 : i32
      %swap3A_289 = arith.constant 0 : i32
      %swap3A_290 = tpu.memref_slice %arg13[%scan3A_21, %swap3A_288, %swap3A_289] : memref<3x80x128xf32, #tpu.memory_space<vmem>> -> memref<1x80x128xf32, #tpu.memory_space<vmem>>
      %swap3A_291 = tpu.memref_squeeze %swap3A_290 : memref<1x80x128xf32, #tpu.memory_space<vmem>> -> memref<80x128xf32, #tpu.memory_space<vmem>>
      %swap3A_292 = arith.index_cast %scan3A_241 : i32 to index
      %swap3A_293 = arith.constant 80 : index
      %swap3A_294 = tpu.vector_load %swap3A_291[%swap3A_292, %swap3A_293] {strides = array<i32>} : memref<80x128xf32, #tpu.memory_space<vmem>>, vector<1x16xf32>,
      %swap3A_295 = vector.shape_cast %swap3A_294 : vector<1x16xf32> to vector<16xf32>
      %swap3A_296 = vector.shape_cast %broadcast_in_dim3A_20 : vector<16xf32> to vector<1x16xf32>
      tpu.vector_store %swap3A_291[%swap3A_292, %swap3A_293], %swap3A_296 {strides = array<i32>} : memref<80x128xf32, #tpu.memory_space<vmem>>, vector<1x16xf32>,
      %swap3A_297 = arith.constant 0 : i32
      %swap3A_298 = arith.constant 0 : i32
      %swap3A_299 = tpu.memref_slice %arg13[%scan3A_21, %swap3A_297, %swap3A_298] : memref<3x80x128xf32, #tpu.memory_space<vmem>> -> memref<1x80x128xf32, #tpu.memory_space<vmem>>
      %swap3A_300 = tpu.memref_squeeze %swap3A_299 : memref<1x80x128xf32, #tpu.memory_space<vmem>> -> memref<80x128xf32, #tpu.memory_space<vmem>>
      %swap3A_301 = arith.index_cast %scan3A_241 : i32 to index
      %swap3A_302 = arith.constant 96 : index
      %swap3A_303 = tpu.vector_load %swap3A_300[%swap3A_301, %swap3A_302] {strides = array<i32>} : memref<80x128xf32, #tpu.memory_space<vmem>>, vector<1x16xf32>,
      %swap3A_304 = vector.shape_cast %swap3A_303 : vector<1x16xf32> to vector<16xf32>
      %swap3A_305 = vector.shape_cast %broadcast_in_dim3A_20 : vector<16xf32> to vector<1x16xf32>
      tpu.vector_store %swap3A_300[%swap3A_301, %swap3A_302], %swap3A_305 {strides = array<i32>} : memref<80x128xf32, #tpu.memory_space<vmem>>, vector<1x16xf32>,
      %swap3A_306 = arith.constant 0 : i32
      %swap3A_307 = arith.constant 0 : i32
      %swap3A_308 = tpu.memref_slice %arg13[%scan3A_21, %swap3A_306, %swap3A_307] : memref<3x80x128xf32, #tpu.memory_space<vmem>> -> memref<1x80x128xf32, #tpu.memory_space<vmem>>
      %swap3A_309 = tpu.memref_squeeze %swap3A_308 : memref<1x80x128xf32, #tpu.memory_space<vmem>> -> memref<80x128xf32, #tpu.memory_space<vmem>>
      %swap3A_310 = arith.index_cast %scan3A_241 : i32 to index
      %swap3A_311 = arith.constant 112 : index
      %swap3A_312 = tpu.vector_load %swap3A_309[%swap3A_310, %swap3A_311] {strides = array<i32>} : memref<80x128xf32, #tpu.memory_space<vmem>>, vector<1x16xf32>,
      %swap3A_313 = vector.shape_cast %swap3A_312 : vector<1x16xf32> to vector<16xf32>
      %swap3A_314 = vector.shape_cast %broadcast_in_dim3A_20 : vector<16xf32> to vector<1x16xf32>
      tpu.vector_store %swap3A_309[%swap3A_310, %swap3A_311], %swap3A_314 {strides = array<i32>} : memref<80x128xf32, #tpu.memory_space<vmem>>, vector<1x16xf32>,
      %scan3A_315 = arith.constant 0 : i32
      scf.yield %scan3A_315 : i32
    }
    %scan3A_28 = arith.constant 80 : i32
    %barrier3A = arith.constant 0 : index
    tpu.barrier barrier_id(%barrier3A)
    %scan3A_29 = arith.constant 2 : i32
    %scan3A_30 = arith.constant 0 : i32
    %scan3A_31 = arith.constant 0 : i32
    %scan3A_32 = arith.constant 125 : i32
    %scan3A_33 = arith.addi %scan3A_31, %scan3A_32 : i32
    %scan3A_34 = arith.constant 1 : i32
    %scan3A_35 = scf.for %scan3A_241 = %scan3A_31 to %scan3A_33 step %scan3A_34 iter_args(%scan3A_242 = %scan3A_30) -> (i32)  : i32 {
      %rem3A = arith.constant 3 : i32
      %rem3A_243 = arith.remsi %scan3A_241, %rem3A : i32
      %eq3A_244 = arith.constant 0 : i32
      %eq3A_245 = arith.cmpi eq, %rem3A_243, %eq3A_244 : i32
      %convert_element_type3A_246 = arith.extui %eq3A_245 : i1 to i32
      %cond3A_247 = arith.constant 0 : i32
      %cond3A_248 = arith.cmpi ne, %convert_element_type3A_246, %cond3A_247 : i32
      scf.if %cond3A_248 {
        %mul3A_268 = arith.constant 80 : i32
        %mul3A_269 = arith.muli %scan3A_241, %mul3A_268 : i32
        %add3A_270 = arith.constant 0 : i32
        %add3A_271 = arith.addi %mul3A_269, %add3A_270 : i32
        %get3A_272 = arith.index_cast %add3A_271 : i32 to index
        %get3A_273 = tpu.vector_load %arg8[%get3A_272] {strides = array<i32>} : memref<10000xi32, #tpu.memory_space<vmem>>, vector<16xi32>,
        %get3A_274 = vector.shape_cast %get3A_273 : vector<16xi32> to vector<16xi32>
        %shift_right_logical3A = arith.constant 16 : i32
        %shift_right_logical3A_275 = vector.broadcast %shift_right_logical3A : i32 to vector<16xi32>
        %shift_right_logical3A_276 = arith.shrui %get3A_274, %shift_right_logical3A_275 : vector<16xi32>
        %swap3A_277 = arith.constant 0 : index
        %swap3A_278 = tpu.vector_load %arg10[%swap3A_277] {strides = array<i32>} : memref<80xi32, #tpu.memory_space<vmem>>, vector<16xi32>,
        %swap3A_279 = vector.shape_cast %swap3A_278 : vector<16xi32> to vector<16xi32>
        %swap3A_280 = vector.shape_cast %shift_right_logical3A_276 : vector<16xi32> to vector<16xi32>
        tpu.vector_store %arg10[%swap3A_277], %swap3A_280 {strides = array<i32>} : memref<80xi32, #tpu.memory_space<vmem>>, vector<16xi32>,
        %mul3A_281 = arith.constant 80 : i32
        %mul3A_282 = arith.muli %scan3A_241, %mul3A_281 : i32
        %add3A_283 = arith.constant 16 : i32
        %add3A_284 = arith.addi %mul3A_282, %add3A_283 : i32
        %get3A_285 = arith.index_cast %add3A_284 : i32 to index
        %get3A_286 = tpu.vector_load %arg8[%get3A_285] {strides = array<i32>} : memref<10000xi32, #tpu.memory_space<vmem>>, vector<16xi32>,
        %get3A_287 = vector.shape_cast %get3A_286 : vector<16xi32> to vector<16xi32>
        %shift_right_logical3A_288 = arith.constant 16 : i32
        %shift_right_logical3A_289 = vector.broadcast %shift_right_logical3A_288 : i32 to vector<16xi32>
        %shift_right_logical3A_290 = arith.shrui %get3A_287, %shift_right_logical3A_289 : vector<16xi32>
        %swap3A_291 = arith.constant 16 : index
        %swap3A_292 = tpu.vector_load %arg10[%swap3A_291] {strides = array<i32>} : memref<80xi32, #tpu.memory_space<vmem>>, vector<16xi32>,
        %swap3A_293 = vector.shape_cast %swap3A_292 : vector<16xi32> to vector<16xi32>
        %swap3A_294 = vector.shape_cast %shift_right_logical3A_290 : vector<16xi32> to vector<16xi32>
        tpu.vector_store %arg10[%swap3A_291], %swap3A_294 {strides = array<i32>} : memref<80xi32, #tpu.memory_space<vmem>>, vector<16xi32>,
        %mul3A_295 = arith.constant 80 : i32
        %mul3A_296 = arith.muli %scan3A_241, %mul3A_295 : i32
        %add3A_297 = arith.constant 32 : i32
        %add3A_298 = arith.addi %mul3A_296, %add3A_297 : i32
        %get3A_299 = arith.index_cast %add3A_298 : i32 to index
        %get3A_300 = tpu.vector_load %arg8[%get3A_299] {strides = array<i32>} : memref<10000xi32, #tpu.memory_space<vmem>>, vector<16xi32>,
        %get3A_301 = vector.shape_cast %get3A_300 : vector<16xi32> to vector<16xi32>
        %shift_right_logical3A_302 = arith.constant 16 : i32
        %shift_right_logical3A_303 = vector.broadcast %shift_right_logical3A_302 : i32 to vector<16xi32>
        %shift_right_logical3A_304 = arith.shrui %get3A_301, %shift_right_logical3A_303 : vector<16xi32>
        %swap3A_305 = arith.constant 32 : index
        %swap3A_306 = tpu.vector_load %arg10[%swap3A_305] {strides = array<i32>} : memref<80xi32, #tpu.memory_space<vmem>>, vector<16xi32>,
        %swap3A_307 = vector.shape_cast %swap3A_306 : vector<16xi32> to vector<16xi32>
        %swap3A_308 = vector.shape_cast %shift_right_logical3A_304 : vector<16xi32> to vector<16xi32>
        tpu.vector_store %arg10[%swap3A_305], %swap3A_308 {strides = array<i32>} : memref<80xi32, #tpu.memory_space<vmem>>, vector<16xi32>,
        %mul3A_309 = arith.constant 80 : i32
        %mul3A_310 = arith.muli %scan3A_241, %mul3A_309 : i32
        %add3A_311 = arith.constant 48 : i32
        %add3A_312 = arith.addi %mul3A_310, %add3A_311 : i32
        %get3A_313 = arith.index_cast %add3A_312 : i32 to index
        %get3A_314 = tpu.vector_load %arg8[%get3A_313] {strides = array<i32>} : memref<10000xi32, #tpu.memory_space<vmem>>, vector<16xi32>,
        %get3A_315 = vector.shape_cast %get3A_314 : vector<16xi32> to vector<16xi32>
        %shift_right_logical3A_316 = arith.constant 16 : i32
        %shift_right_logical3A_317 = vector.broadcast %shift_right_logical3A_316 : i32 to vector<16xi32>
        %shift_right_logical3A_318 = arith.shrui %get3A_315, %shift_right_logical3A_317 : vector<16xi32>
        %swap3A_319 = arith.constant 48 : index
        %swap3A_320 = tpu.vector_load %arg10[%swap3A_319] {strides = array<i32>} : memref<80xi32, #tpu.memory_space<vmem>>, vector<16xi32>,
        %swap3A_321 = vector.shape_cast %swap3A_320 : vector<16xi32> to vector<16xi32>
        %swap3A_322 = vector.shape_cast %shift_right_logical3A_318 : vector<16xi32> to vector<16xi32>
        tpu.vector_store %arg10[%swap3A_319], %swap3A_322 {strides = array<i32>} : memref<80xi32, #tpu.memory_space<vmem>>, vector<16xi32>,
        %mul3A_323 = arith.constant 80 : i32
        %mul3A_324 = arith.muli %scan3A_241, %mul3A_323 : i32
        %add3A_325 = arith.constant 64 : i32
        %add3A_326 = arith.addi %mul3A_324, %add3A_325 : i32
        %get3A_327 = arith.index_cast %add3A_326 : i32 to index
        %get3A_328 = tpu.vector_load %arg8[%get3A_327] {strides = array<i32>} : memref<10000xi32, #tpu.memory_space<vmem>>, vector<16xi32>,
        %get3A_329 = vector.shape_cast %get3A_328 : vector<16xi32> to vector<16xi32>
        %shift_right_logical3A_330 = arith.constant 16 : i32
        %shift_right_logical3A_331 = vector.broadcast %shift_right_logical3A_330 : i32 to vector<16xi32>
        %shift_right_logical3A_332 = arith.shrui %get3A_329, %shift_right_logical3A_331 : vector<16xi32>
        %swap3A_333 = arith.constant 64 : index
        %swap3A_334 = tpu.vector_load %arg10[%swap3A_333] {strides = array<i32>} : memref<80xi32, #tpu.memory_space<vmem>>, vector<16xi32>,
        %swap3A_335 = vector.shape_cast %swap3A_334 : vector<16xi32> to vector<16xi32>
        %swap3A_336 = vector.shape_cast %shift_right_logical3A_332 : vector<16xi32> to vector<16xi32>
        tpu.vector_store %arg10[%swap3A_333], %swap3A_336 {strides = array<i32>} : memref<80xi32, #tpu.memory_space<vmem>>, vector<16xi32>,
        %dma_start3A_337 = arith.constant 0 : i32
        %dma_start3A_338 = arith.constant 0 : i32
        %dma_start3A_339 = tpu.memref_slice %arg13[%scan3A_29, %dma_start3A_337, %dma_start3A_338] : memref<3x80x128xf32, #tpu.memory_space<vmem>> -> memref<1x80x128xf32, #tpu.memory_space<vmem>>
        %dma_start3A_340 = tpu.memref_squeeze %dma_start3A_339 : memref<1x80x128xf32, #tpu.memory_space<vmem>> -> memref<80x128xf32, #tpu.memory_space<vmem>>
        %dma_start3A_341 = arith.constant 0 : i32
        %dma_start3A_342 = arith.constant 0 : i32
        %dma_start3A_343 = tpu.memref_slice %arg6[%dma_start3A_341, %dma_start3A_342] : memref<10000x128xf32, #tpu.memory_space<vmem_shared>> -> memref<10000x128xf32, #tpu.memory_space<vmem_shared>>
        tpu.enqueue_indirect_dma source(%dma_start3A_340 : memref<80x128xf32, #tpu.memory_space<vmem>>) target(%dma_start3A_343 : memref<10000x128xf32, #tpu.memory_space<vmem_shared>>) offsets(%arg10 : memref<80xi32, #tpu.memory_space<vmem>>) semaphore(%arg15 : memref<!tpu.dma_semaphore, #tpu.memory_space<semaphore_mem>>) {add = true}
      } else {
      }
      %rem3A_249 = arith.constant 3 : i32
      %rem3A_250 = arith.remsi %scan3A_241, %rem3A_249 : i32
      %eq3A_251 = arith.constant 1 : i32
      %eq3A_252 = arith.cmpi eq, %rem3A_250, %eq3A_251 : i32
      %convert_element_type3A_253 = arith.extui %eq3A_252 : i1 to i32
      %cond3A_254 = arith.constant 0 : i32
      %cond3A_255 = arith.cmpi ne, %convert_element_type3A_253, %cond3A_254 : i32
      scf.if %cond3A_255 {
        %mul3A_268 = arith.constant 80 : i32
        %mul3A_269 = arith.muli %scan3A_241, %mul3A_268 : i32
        %add3A_270 = arith.constant 0 : i32
        %add3A_271 = arith.addi %mul3A_269, %add3A_270 : i32
        %get3A_272 = arith.index_cast %add3A_271 : i32 to index
        %get3A_273 = tpu.vector_load %arg8[%get3A_272] {strides = array<i32>} : memref<10000xi32, #tpu.memory_space<vmem>>, vector<16xi32>,
        %get3A_274 = vector.shape_cast %get3A_273 : vector<16xi32> to vector<16xi32>
        %shift_right_logical3A = arith.constant 16 : i32
        %shift_right_logical3A_275 = vector.broadcast %shift_right_logical3A : i32 to vector<16xi32>
        %shift_right_logical3A_276 = arith.shrui %get3A_274, %shift_right_logical3A_275 : vector<16xi32>
        %swap3A_277 = arith.constant 0 : index
        %swap3A_278 = tpu.vector_load %arg11[%swap3A_277] {strides = array<i32>} : memref<80xi32, #tpu.memory_space<vmem>>, vector<16xi32>,
        %swap3A_279 = vector.shape_cast %swap3A_278 : vector<16xi32> to vector<16xi32>
        %swap3A_280 = vector.shape_cast %shift_right_logical3A_276 : vector<16xi32> to vector<16xi32>
        tpu.vector_store %arg11[%swap3A_277], %swap3A_280 {strides = array<i32>} : memref<80xi32, #tpu.memory_space<vmem>>, vector<16xi32>,
        %mul3A_281 = arith.constant 80 : i32
        %mul3A_282 = arith.muli %scan3A_241, %mul3A_281 : i32
        %add3A_283 = arith.constant 16 : i32
        %add3A_284 = arith.addi %mul3A_282, %add3A_283 : i32
        %get3A_285 = arith.index_cast %add3A_284 : i32 to index
        %get3A_286 = tpu.vector_load %arg8[%get3A_285] {strides = array<i32>} : memref<10000xi32, #tpu.memory_space<vmem>>, vector<16xi32>,
        %get3A_287 = vector.shape_cast %get3A_286 : vector<16xi32> to vector<16xi32>
        %shift_right_logical3A_288 = arith.constant 16 : i32
        %shift_right_logical3A_289 = vector.broadcast %shift_right_logical3A_288 : i32 to vector<16xi32>
        %shift_right_logical3A_290 = arith.shrui %get3A_287, %shift_right_logical3A_289 : vector<16xi32>
        %swap3A_291 = arith.constant 16 : index
        %swap3A_292 = tpu.vector_load %arg11[%swap3A_291] {strides = array<i32>} : memref<80xi32, #tpu.memory_space<vmem>>, vector<16xi32>,
        %swap3A_293 = vector.shape_cast %swap3A_292 : vector<16xi32> to vector<16xi32>
        %swap3A_294 = vector.shape_cast %shift_right_logical3A_290 : vector<16xi32> to vector<16xi32>
        tpu.vector_store %arg11[%swap3A_291], %swap3A_294 {strides = array<i32>} : memref<80xi32, #tpu.memory_space<vmem>>, vector<16xi32>,
        %mul3A_295 = arith.constant 80 : i32
        %mul3A_296 = arith.muli %scan3A_241, %mul3A_295 : i32
        %add3A_297 = arith.constant 32 : i32
        %add3A_298 = arith.addi %mul3A_296, %add3A_297 : i32
        %get3A_299 = arith.index_cast %add3A_298 : i32 to index
        %get3A_300 = tpu.vector_load %arg8[%get3A_299] {strides = array<i32>} : memref<10000xi32, #tpu.memory_space<vmem>>, vector<16xi32>,
        %get3A_301 = vector.shape_cast %get3A_300 : vector<16xi32> to vector<16xi32>
        %shift_right_logical3A_302 = arith.constant 16 : i32
        %shift_right_logical3A_303 = vector.broadcast %shift_right_logical3A_302 : i32 to vector<16xi32>
        %shift_right_logical3A_304 = arith.shrui %get3A_301, %shift_right_logical3A_303 : vector<16xi32>
        %swap3A_305 = arith.constant 32 : index
        %swap3A_306 = tpu.vector_load %arg11[%swap3A_305] {strides = array<i32>} : memref<80xi32, #tpu.memory_space<vmem>>, vector<16xi32>,
        %swap3A_307 = vector.shape_cast %swap3A_306 : vector<16xi32> to vector<16xi32>
        %swap3A_308 = vector.shape_cast %shift_right_logical3A_304 : vector<16xi32> to vector<16xi32>
        tpu.vector_store %arg11[%swap3A_305], %swap3A_308 {strides = array<i32>} : memref<80xi32, #tpu.memory_space<vmem>>, vector<16xi32>,
        %mul3A_309 = arith.constant 80 : i32
        %mul3A_310 = arith.muli %scan3A_241, %mul3A_309 : i32
        %add3A_311 = arith.constant 48 : i32
        %add3A_312 = arith.addi %mul3A_310, %add3A_311 : i32
        %get3A_313 = arith.index_cast %add3A_312 : i32 to index
        %get3A_314 = tpu.vector_load %arg8[%get3A_313] {strides = array<i32>} : memref<10000xi32, #tpu.memory_space<vmem>>, vector<16xi32>,
        %get3A_315 = vector.shape_cast %get3A_314 : vector<16xi32> to vector<16xi32>
        %shift_right_logical3A_316 = arith.constant 16 : i32
        %shift_right_logical3A_317 = vector.broadcast %shift_right_logical3A_316 : i32 to vector<16xi32>
        %shift_right_logical3A_318 = arith.shrui %get3A_315, %shift_right_logical3A_317 : vector<16xi32>
        %swap3A_319 = arith.constant 48 : index
        %swap3A_320 = tpu.vector_load %arg11[%swap3A_319] {strides = array<i32>} : memref<80xi32, #tpu.memory_space<vmem>>, vector<16xi32>,
        %swap3A_321 = vector.shape_cast %swap3A_320 : vector<16xi32> to vector<16xi32>
        %swap3A_322 = vector.shape_cast %shift_right_logical3A_318 : vector<16xi32> to vector<16xi32>
        tpu.vector_store %arg11[%swap3A_319], %swap3A_322 {strides = array<i32>} : memref<80xi32, #tpu.memory_space<vmem>>, vector<16xi32>,
        %mul3A_323 = arith.constant 80 : i32
        %mul3A_324 = arith.muli %scan3A_241, %mul3A_323 : i32
        %add3A_325 = arith.constant 64 : i32
        %add3A_326 = arith.addi %mul3A_324, %add3A_325 : i32
        %get3A_327 = arith.index_cast %add3A_326 : i32 to index
        %get3A_328 = tpu.vector_load %arg8[%get3A_327] {strides = array<i32>} : memref<10000xi32, #tpu.memory_space<vmem>>, vector<16xi32>,
        %get3A_329 = vector.shape_cast %get3A_328 : vector<16xi32> to vector<16xi32>
        %shift_right_logical3A_330 = arith.constant 16 : i32
        %shift_right_logical3A_331 = vector.broadcast %shift_right_logical3A_330 : i32 to vector<16xi32>
        %shift_right_logical3A_332 = arith.shrui %get3A_329, %shift_right_logical3A_331 : vector<16xi32>
        %swap3A_333 = arith.constant 64 : index
        %swap3A_334 = tpu.vector_load %arg11[%swap3A_333] {strides = array<i32>} : memref<80xi32, #tpu.memory_space<vmem>>, vector<16xi32>,
        %swap3A_335 = vector.shape_cast %swap3A_334 : vector<16xi32> to vector<16xi32>
        %swap3A_336 = vector.shape_cast %shift_right_logical3A_332 : vector<16xi32> to vector<16xi32>
        tpu.vector_store %arg11[%swap3A_333], %swap3A_336 {strides = array<i32>} : memref<80xi32, #tpu.memory_space<vmem>>, vector<16xi32>,
        %dma_start3A_337 = arith.constant 0 : i32
        %dma_start3A_338 = arith.constant 0 : i32
        %dma_start3A_339 = tpu.memref_slice %arg13[%scan3A_29, %dma_start3A_337, %dma_start3A_338] : memref<3x80x128xf32, #tpu.memory_space<vmem>> -> memref<1x80x128xf32, #tpu.memory_space<vmem>>
        %dma_start3A_340 = tpu.memref_squeeze %dma_start3A_339 : memref<1x80x128xf32, #tpu.memory_space<vmem>> -> memref<80x128xf32, #tpu.memory_space<vmem>>
        %dma_start3A_341 = arith.constant 0 : i32
        %dma_start3A_342 = arith.constant 0 : i32
        %dma_start3A_343 = tpu.memref_slice %arg6[%dma_start3A_341, %dma_start3A_342] : memref<10000x128xf32, #tpu.memory_space<vmem_shared>> -> memref<10000x128xf32, #tpu.memory_space<vmem_shared>>
        tpu.enqueue_indirect_dma source(%dma_start3A_340 : memref<80x128xf32, #tpu.memory_space<vmem>>) target(%dma_start3A_343 : memref<10000x128xf32, #tpu.memory_space<vmem_shared>>) offsets(%arg11 : memref<80xi32, #tpu.memory_space<vmem>>) semaphore(%arg15 : memref<!tpu.dma_semaphore, #tpu.memory_space<semaphore_mem>>) {add = true}
      } else {
      }
      %rem3A_256 = arith.constant 3 : i32
      %rem3A_257 = arith.remsi %scan3A_241, %rem3A_256 : i32
      %eq3A_258 = arith.constant 2 : i32
      %eq3A_259 = arith.cmpi eq, %rem3A_257, %eq3A_258 : i32
      %convert_element_type3A_260 = arith.extui %eq3A_259 : i1 to i32
      %cond3A_261 = arith.constant 0 : i32
      %cond3A_262 = arith.cmpi ne, %convert_element_type3A_260, %cond3A_261 : i32
      scf.if %cond3A_262 {
        %mul3A_268 = arith.constant 80 : i32
        %mul3A_269 = arith.muli %scan3A_241, %mul3A_268 : i32
        %add3A_270 = arith.constant 0 : i32
        %add3A_271 = arith.addi %mul3A_269, %add3A_270 : i32
        %get3A_272 = arith.index_cast %add3A_271 : i32 to index
        %get3A_273 = tpu.vector_load %arg8[%get3A_272] {strides = array<i32>} : memref<10000xi32, #tpu.memory_space<vmem>>, vector<16xi32>,
        %get3A_274 = vector.shape_cast %get3A_273 : vector<16xi32> to vector<16xi32>
        %shift_right_logical3A = arith.constant 16 : i32
        %shift_right_logical3A_275 = vector.broadcast %shift_right_logical3A : i32 to vector<16xi32>
        %shift_right_logical3A_276 = arith.shrui %get3A_274, %shift_right_logical3A_275 : vector<16xi32>
        %swap3A_277 = arith.constant 0 : index
        %swap3A_278 = tpu.vector_load %arg12[%swap3A_277] {strides = array<i32>} : memref<80xi32, #tpu.memory_space<vmem>>, vector<16xi32>,
        %swap3A_279 = vector.shape_cast %swap3A_278 : vector<16xi32> to vector<16xi32>
        %swap3A_280 = vector.shape_cast %shift_right_logical3A_276 : vector<16xi32> to vector<16xi32>
        tpu.vector_store %arg12[%swap3A_277], %swap3A_280 {strides = array<i32>} : memref<80xi32, #tpu.memory_space<vmem>>, vector<16xi32>,
        %mul3A_281 = arith.constant 80 : i32
        %mul3A_282 = arith.muli %scan3A_241, %mul3A_281 : i32
        %add3A_283 = arith.constant 16 : i32
        %add3A_284 = arith.addi %mul3A_282, %add3A_283 : i32
        %get3A_285 = arith.index_cast %add3A_284 : i32 to index
        %get3A_286 = tpu.vector_load %arg8[%get3A_285] {strides = array<i32>} : memref<10000xi32, #tpu.memory_space<vmem>>, vector<16xi32>,
        %get3A_287 = vector.shape_cast %get3A_286 : vector<16xi32> to vector<16xi32>
        %shift_right_logical3A_288 = arith.constant 16 : i32
        %shift_right_logical3A_289 = vector.broadcast %shift_right_logical3A_288 : i32 to vector<16xi32>
        %shift_right_logical3A_290 = arith.shrui %get3A_287, %shift_right_logical3A_289 : vector<16xi32>
        %swap3A_291 = arith.constant 16 : index
        %swap3A_292 = tpu.vector_load %arg12[%swap3A_291] {strides = array<i32>} : memref<80xi32, #tpu.memory_space<vmem>>, vector<16xi32>,
        %swap3A_293 = vector.shape_cast %swap3A_292 : vector<16xi32> to vector<16xi32>
        %swap3A_294 = vector.shape_cast %shift_right_logical3A_290 : vector<16xi32> to vector<16xi32>
        tpu.vector_store %arg12[%swap3A_291], %swap3A_294 {strides = array<i32>} : memref<80xi32, #tpu.memory_space<vmem>>, vector<16xi32>,
        %mul3A_295 = arith.constant 80 : i32
        %mul3A_296 = arith.muli %scan3A_241, %mul3A_295 : i32
        %add3A_297 = arith.constant 32 : i32
        %add3A_298 = arith.addi %mul3A_296, %add3A_297 : i32
        %get3A_299 = arith.index_cast %add3A_298 : i32 to index
        %get3A_300 = tpu.vector_load %arg8[%get3A_299] {strides = array<i32>} : memref<10000xi32, #tpu.memory_space<vmem>>, vector<16xi32>,
        %get3A_301 = vector.shape_cast %get3A_300 : vector<16xi32> to vector<16xi32>
        %shift_right_logical3A_302 = arith.constant 16 : i32
        %shift_right_logical3A_303 = vector.broadcast %shift_right_logical3A_302 : i32 to vector<16xi32>
        %shift_right_logical3A_304 = arith.shrui %get3A_301, %shift_right_logical3A_303 : vector<16xi32>
        %swap3A_305 = arith.constant 32 : index
        %swap3A_306 = tpu.vector_load %arg12[%swap3A_305] {strides = array<i32>} : memref<80xi32, #tpu.memory_space<vmem>>, vector<16xi32>,
        %swap3A_307 = vector.shape_cast %swap3A_306 : vector<16xi32> to vector<16xi32>
        %swap3A_308 = vector.shape_cast %shift_right_logical3A_304 : vector<16xi32> to vector<16xi32>
        tpu.vector_store %arg12[%swap3A_305], %swap3A_308 {strides = array<i32>} : memref<80xi32, #tpu.memory_space<vmem>>, vector<16xi32>,
        %mul3A_309 = arith.constant 80 : i32
        %mul3A_310 = arith.muli %scan3A_241, %mul3A_309 : i32
        %add3A_311 = arith.constant 48 : i32
        %add3A_312 = arith.addi %mul3A_310, %add3A_311 : i32
        %get3A_313 = arith.index_cast %add3A_312 : i32 to index
        %get3A_314 = tpu.vector_load %arg8[%get3A_313] {strides = array<i32>} : memref<10000xi32, #tpu.memory_space<vmem>>, vector<16xi32>,
        %get3A_315 = vector.shape_cast %get3A_314 : vector<16xi32> to vector<16xi32>
        %shift_right_logical3A_316 = arith.constant 16 : i32
        %shift_right_logical3A_317 = vector.broadcast %shift_right_logical3A_316 : i32 to vector<16xi32>
        %shift_right_logical3A_318 = arith.shrui %get3A_315, %shift_right_logical3A_317 : vector<16xi32>
        %swap3A_319 = arith.constant 48 : index
        %swap3A_320 = tpu.vector_load %arg12[%swap3A_319] {strides = array<i32>} : memref<80xi32, #tpu.memory_space<vmem>>, vector<16xi32>,
        %swap3A_321 = vector.shape_cast %swap3A_320 : vector<16xi32> to vector<16xi32>
        %swap3A_322 = vector.shape_cast %shift_right_logical3A_318 : vector<16xi32> to vector<16xi32>
        tpu.vector_store %arg12[%swap3A_319], %swap3A_322 {strides = array<i32>} : memref<80xi32, #tpu.memory_space<vmem>>, vector<16xi32>,
        %mul3A_323 = arith.constant 80 : i32
        %mul3A_324 = arith.muli %scan3A_241, %mul3A_323 : i32
        %add3A_325 = arith.constant 64 : i32
        %add3A_326 = arith.addi %mul3A_324, %add3A_325 : i32
        %get3A_327 = arith.index_cast %add3A_326 : i32 to index
        %get3A_328 = tpu.vector_load %arg8[%get3A_327] {strides = array<i32>} : memref<10000xi32, #tpu.memory_space<vmem>>, vector<16xi32>,
        %get3A_329 = vector.shape_cast %get3A_328 : vector<16xi32> to vector<16xi32>
        %shift_right_logical3A_330 = arith.constant 16 : i32
        %shift_right_logical3A_331 = vector.broadcast %shift_right_logical3A_330 : i32 to vector<16xi32>
        %shift_right_logical3A_332 = arith.shrui %get3A_329, %shift_right_logical3A_331 : vector<16xi32>
        %swap3A_333 = arith.constant 64 : index
        %swap3A_334 = tpu.vector_load %arg12[%swap3A_333] {strides = array<i32>} : memref<80xi32, #tpu.memory_space<vmem>>, vector<16xi32>,
        %swap3A_335 = vector.shape_cast %swap3A_334 : vector<16xi32> to vector<16xi32>
        %swap3A_336 = vector.shape_cast %shift_right_logical3A_332 : vector<16xi32> to vector<16xi32>
        tpu.vector_store %arg12[%swap3A_333], %swap3A_336 {strides = array<i32>} : memref<80xi32, #tpu.memory_space<vmem>>, vector<16xi32>,
        %dma_start3A_337 = arith.constant 0 : i32
        %dma_start3A_338 = arith.constant 0 : i32
        %dma_start3A_339 = tpu.memref_slice %arg13[%scan3A_29, %dma_start3A_337, %dma_start3A_338] : memref<3x80x128xf32, #tpu.memory_space<vmem>> -> memref<1x80x128xf32, #tpu.memory_space<vmem>>
        %dma_start3A_340 = tpu.memref_squeeze %dma_start3A_339 : memref<1x80x128xf32, #tpu.memory_space<vmem>> -> memref<80x128xf32, #tpu.memory_space<vmem>>
        %dma_start3A_341 = arith.constant 0 : i32
        %dma_start3A_342 = arith.constant 0 : i32
        %dma_start3A_343 = tpu.memref_slice %arg6[%dma_start3A_341, %dma_start3A_342] : memref<10000x128xf32, #tpu.memory_space<vmem_shared>> -> memref<10000x128xf32, #tpu.memory_space<vmem_shared>>
        tpu.enqueue_indirect_dma source(%dma_start3A_340 : memref<80x128xf32, #tpu.memory_space<vmem>>) target(%dma_start3A_343 : memref<10000x128xf32, #tpu.memory_space<vmem_shared>>) offsets(%arg12 : memref<80xi32, #tpu.memory_space<vmem>>) semaphore(%arg15 : memref<!tpu.dma_semaphore, #tpu.memory_space<semaphore_mem>>) {add = true}
      } else {
      }
      %ge3A = arith.constant 2 : i32
      %ge3A_263 = arith.cmpi sge, %scan3A_241, %ge3A : i32
      %convert_element_type3A_264 = arith.extui %ge3A_263 : i1 to i32
      %cond3A_265 = arith.constant 0 : i32
      %cond3A_266 = arith.cmpi ne, %convert_element_type3A_264, %cond3A_265 : i32
      scf.if %cond3A_266 {
        %dma_wait3A_268 = arith.constant 0 : i32
        %dma_wait3A_269 = arith.constant 0 : i32
        %dma_wait3A_270 = tpu.memref_slice %arg13[%scan3A_29, %dma_wait3A_268, %dma_wait3A_269] : memref<3x80x128xf32, #tpu.memory_space<vmem>> -> memref<1x80x128xf32, #tpu.memory_space<vmem>>
        %dma_wait3A_271 = tpu.memref_squeeze %dma_wait3A_270 : memref<1x80x128xf32, #tpu.memory_space<vmem>> -> memref<80x128xf32, #tpu.memory_space<vmem>>
        %dma_wait3A_272 = arith.constant 0 : i32
        %dma_wait3A_273 = arith.constant 0 : i32
        %dma_wait3A_274 = tpu.memref_slice %arg6[%dma_wait3A_272, %dma_wait3A_273] : memref<10000x128xf32, #tpu.memory_space<vmem_shared>> -> memref<10000x128xf32, #tpu.memory_space<vmem_shared>>
        tpu.wait_indirect_dma semaphore(%arg15 : memref<!tpu.dma_semaphore, #tpu.memory_space<semaphore_mem>>) src(%dma_wait3A_271 : memref<80x128xf32, #tpu.memory_space<vmem>>) dst(%dma_wait3A_274 : memref<10000x128xf32, #tpu.memory_space<vmem_shared>>)
      } else {
      }
      %scan3A_267 = arith.constant 0 : i32
      scf.yield %scan3A_267 : i32
    }
    %scan3A_36 = arith.constant 125 : i32
    %dma_wait3A = arith.constant 2 : i32
    %dma_wait3A_37 = arith.constant 0 : i32
    %dma_wait3A_38 = arith.constant 0 : i32
    %dma_wait3A_39 = tpu.memref_slice %arg13[%dma_wait3A, %dma_wait3A_37, %dma_wait3A_38] : memref<3x80x128xf32, #tpu.memory_space<vmem>> -> memref<1x80x128xf32, #tpu.memory_space<vmem>>
    %dma_wait3A_40 = tpu.memref_squeeze %dma_wait3A_39 : memref<1x80x128xf32, #tpu.memory_space<vmem>> -> memref<80x128xf32, #tpu.memory_space<vmem>>
    %dma_wait3A_41 = arith.constant 0 : i32
    %dma_wait3A_42 = arith.constant 0 : i32
    %dma_wait3A_43 = tpu.memref_slice %arg6[%dma_wait3A_41, %dma_wait3A_42] : memref<10000x128xf32, #tpu.memory_space<vmem_shared>> -> memref<10000x128xf32, #tpu.memory_space<vmem_shared>>
    tpu.wait_indirect_dma semaphore(%arg15 : memref<!tpu.dma_semaphore, #tpu.memory_space<semaphore_mem>>) src(%dma_wait3A_40 : memref<80x128xf32, #tpu.memory_space<vmem>>) dst(%dma_wait3A_43 : memref<10000x128xf32, #tpu.memory_space<vmem_shared>>)
    %dma_wait3A_44 = arith.constant 2 : i32
    %dma_wait3A_45 = arith.constant 0 : i32
    %dma_wait3A_46 = arith.constant 0 : i32
    %dma_wait3A_47 = tpu.memref_slice %arg13[%dma_wait3A_44, %dma_wait3A_45, %dma_wait3A_46] : memref<3x80x128xf32, #tpu.memory_space<vmem>> -> memref<1x80x128xf32, #tpu.memory_space<vmem>>
    %dma_wait3A_48 = tpu.memref_squeeze %dma_wait3A_47 : memref<1x80x128xf32, #tpu.memory_space<vmem>> -> memref<80x128xf32, #tpu.memory_space<vmem>>
    %dma_wait3A_49 = arith.constant 0 : i32
    %dma_wait3A_50 = arith.constant 0 : i32
    %dma_wait3A_51 = tpu.memref_slice %arg6[%dma_wait3A_49, %dma_wait3A_50] : memref<10000x128xf32, #tpu.memory_space<vmem_shared>> -> memref<10000x128xf32, #tpu.memory_space<vmem_shared>>
    tpu.wait_indirect_dma semaphore(%arg15 : memref<!tpu.dma_semaphore, #tpu.memory_space<semaphore_mem>>) src(%dma_wait3A_48 : memref<80x128xf32, #tpu.memory_space<vmem>>) dst(%dma_wait3A_51 : memref<10000x128xf32, #tpu.memory_space<vmem_shared>>)
    %barrier3A_52 = arith.constant 0 : index
    tpu.barrier barrier_id(%barrier3A_52)
    "tpu.region"() ({
      %run_scoped3A_241 = tpu.sem_alloc : memref<!tpu.dma_semaphore, #tpu.memory_space<semaphore_mem>>
      %dma_start3A_242 = arith.constant 0 : i32
      %dma_start3A_243 = tpu.memref_slice %arg5[%arg0, %mul3A_2, %dma_start3A_242] : memref<2x10000x128xf32, #tpu.memory_space<hbm>> -> memref<1x624x128xf32, #tpu.memory_space<hbm>>
      %dma_start3A_244 = tpu.memref_squeeze %dma_start3A_243 : memref<1x624x128xf32, #tpu.memory_space<hbm>> -> memref<624x128xf32, #tpu.memory_space<hbm>>
      %dma_start3A_245 = arith.constant 0 : i32
      %dma_start3A_246 = tpu.memref_slice %arg6[%mul3A_2, %dma_start3A_245] : memref<10000x128xf32, #tpu.memory_space<vmem_shared>> -> memref<624x128xf32, #tpu.memory_space<vmem_shared>>
      tpu.enqueue_dma source(%dma_start3A_246 : memref<624x128xf32, #tpu.memory_space<vmem_shared>>) target(%dma_start3A_244 : memref<624x128xf32, #tpu.memory_space<hbm>>) target_semaphore(%run_scoped3A_241 : memref<!tpu.dma_semaphore, #tpu.memory_space<semaphore_mem>>)
      %dma_wait3A_247 = arith.constant 0 : i32
      %dma_wait3A_248 = tpu.memref_slice %arg5[%arg0, %mul3A_2, %dma_wait3A_247] : memref<2x10000x128xf32, #tpu.memory_space<hbm>> -> memref<1x624x128xf32, #tpu.memory_space<hbm>>
      %dma_wait3A_249 = tpu.memref_squeeze %dma_wait3A_248 : memref<1x624x128xf32, #tpu.memory_space<hbm>> -> memref<624x128xf32, #tpu.memory_space<hbm>>
      %dma_wait3A_250 = arith.constant 0 : i32
      %dma_wait3A_251 = tpu.memref_slice %arg6[%mul3A_2, %dma_wait3A_250] : memref<10000x128xf32, #tpu.memory_space<vmem_shared>> -> memref<624x128xf32, #tpu.memory_space<vmem_shared>>
      tpu.wait_dma2 semaphore(%run_scoped3A_241 : memref<!tpu.dma_semaphore, #tpu.memory_space<semaphore_mem>>) src(%dma_wait3A_251 : memref<624x128xf32, #tpu.memory_space<vmem_shared>>) dst(%dma_wait3A_249 : memref<624x128xf32, #tpu.memory_space<hbm>>)
      tpu.yield
    }) : () -> ()
    %eq3A_53 = arith.constant 15 : i32
    %eq3A_54 = arith.cmpi eq, %arg1, %eq3A_53 : i32
    %convert_element_type3A_55 = arith.extui %eq3A_54 : i1 to i32
    %cond3A_56 = arith.constant 0 : i32
    %cond3A_57 = arith.cmpi ne, %convert_element_type3A_55, %cond3A_56 : i32
    scf.if %cond3A_57 {
      "tpu.region"() ({
        %run_scoped3A_241 = tpu.sem_alloc : memref<!tpu.dma_semaphore, #tpu.memory_space<semaphore_mem>>
        %dma_start3A_242 = arith.constant 9984 : i32
        %dma_start3A_243 = arith.constant 0 : i32
        %dma_start3A_244 = tpu.memref_slice %arg5[%arg0, %dma_start3A_242, %dma_start3A_243] : memref<2x10000x128xf32, #tpu.memory_space<hbm>> -> memref<1x16x128xf32, #tpu.memory_space<hbm>>
        %dma_start3A_245 = tpu.memref_squeeze %dma_start3A_244 : memref<1x16x128xf32, #tpu.memory_space<hbm>> -> memref<16x128xf32, #tpu.memory_space<hbm>>
        %dma_start3A_246 = arith.constant 9984 : i32
        %dma_start3A_247 = arith.constant 0 : i32
        %dma_start3A_248 = tpu.memref_slice %arg6[%dma_start3A_246, %dma_start3A_247] : memref<10000x128xf32, #tpu.memory_space<vmem_shared>> -> memref<16x128xf32, #tpu.memory_space<vmem_shared>>
        tpu.enqueue_dma source(%dma_start3A_248 : memref<16x128xf32, #tpu.memory_space<vmem_shared>>) target(%dma_start3A_245 : memref<16x128xf32, #tpu.memory_space<hbm>>) target_semaphore(%run_scoped3A_241 : memref<!tpu.dma_semaphore, #tpu.memory_space<semaphore_mem>>)
        %dma_wait3A_249 = arith.constant 9984 : i32
        %dma_wait3A_250 = arith.constant 0 : i32
        %dma_wait3A_251 = tpu.memref_slice %arg5[%arg0, %dma_wait3A_249, %dma_wait3A_250] : memref<2x10000x128xf32, #tpu.memory_space<hbm>> -> memref<1x16x128xf32, #tpu.memory_space<hbm>>
        %dma_wait3A_252 = tpu.memref_squeeze %dma_wait3A_251 : memref<1x16x128xf32, #tpu.memory_space<hbm>> -> memref<16x128xf32, #tpu.memory_space<hbm>>
        %dma_wait3A_253 = arith.constant 9984 : i32
        %dma_wait3A_254 = arith.constant 0 : i32
        %dma_wait3A_255 = tpu.memref_slice %arg6[%dma_wait3A_253, %dma_wait3A_254] : memref<10000x128xf32, #tpu.memory_space<vmem_shared>> -> memref<16x128xf32, #tpu.memory_space<vmem_shared>>
        tpu.wait_dma2 semaphore(%run_scoped3A_241 : memref<!tpu.dma_semaphore, #tpu.memory_space<semaphore_mem>>) src(%dma_wait3A_255 : memref<16x128xf32, #tpu.memory_space<vmem_shared>>) dst(%dma_wait3A_252 : memref<16x128xf32, #tpu.memory_space<hbm>>)
        tpu.yield
      }) : () -> ()
    } else {
    }
    %broadcast_in_dim3A_58 = arith.constant 0.000000e+00 : f32
    %broadcast_in_dim3A_59 = vector.broadcast %broadcast_in_dim3A_58 : f32 to vector<16xf32>
    %scan3A_60 = arith.constant 0 : i32
    %scan3A_61 = arith.constant 0 : i32
    %scan3A_62 = arith.constant 16 : i32
    %scan3A_63 = arith.addi %scan3A_61, %scan3A_62 : i32
    %scan3A_64 = arith.constant 1 : i32
    %scan3A_65 = scf.for %scan3A_241 = %scan3A_61 to %scan3A_63 step %scan3A_64 iter_args(%scan3A_242 = %scan3A_60) -> (i32)  : i32 {
      %swap3A_243 = arith.index_cast %scan3A_241 : i32 to index
      %swap3A_244 = arith.constant 0 : index
      %swap3A_245 = tpu.vector_load %arg7[%swap3A_243, %swap3A_244] {strides = array<i32>} : memref<16x128xf32, #tpu.memory_space<vmem>>, vector<1x16xf32>,
      %swap3A_246 = vector.shape_cast %swap3A_245 : vector<1x16xf32> to vector<16xf32>
      %swap3A_247 = vector.shape_cast %broadcast_in_dim3A_59 : vector<16xf32> to vector<1x16xf32>
      tpu.vector_store %arg7[%swap3A_243, %swap3A_244], %swap3A_247 {strides = array<i32>} : memref<16x128xf32, #tpu.memory_space<vmem>>, vector<1x16xf32>,
      %swap3A_248 = arith.index_cast %scan3A_241 : i32 to index
      %swap3A_249 = arith.constant 16 : index
      %swap3A_250 = tpu.vector_load %arg7[%swap3A_248, %swap3A_249] {strides = array<i32>} : memref<16x128xf32, #tpu.memory_space<vmem>>, vector<1x16xf32>,
      %swap3A_251 = vector.shape_cast %swap3A_250 : vector<1x16xf32> to vector<16xf32>
      %swap3A_252 = vector.shape_cast %broadcast_in_dim3A_59 : vector<16xf32> to vector<1x16xf32>
      tpu.vector_store %arg7[%swap3A_248, %swap3A_249], %swap3A_252 {strides = array<i32>} : memref<16x128xf32, #tpu.memory_space<vmem>>, vector<1x16xf32>,
      %swap3A_253 = arith.index_cast %scan3A_241 : i32 to index
      %swap3A_254 = arith.constant 32 : index
      %swap3A_255 = tpu.vector_load %arg7[%swap3A_253, %swap3A_254] {strides = array<i32>} : memref<16x128xf32, #tpu.memory_space<vmem>>, vector<1x16xf32>,
      %swap3A_256 = vector.shape_cast %swap3A_255 : vector<1x16xf32> to vector<16xf32>
      %swap3A_257 = vector.shape_cast %broadcast_in_dim3A_59 : vector<16xf32> to vector<1x16xf32>
      tpu.vector_store %arg7[%swap3A_253, %swap3A_254], %swap3A_257 {strides = array<i32>} : memref<16x128xf32, #tpu.memory_space<vmem>>, vector<1x16xf32>,
      %swap3A_258 = arith.index_cast %scan3A_241 : i32 to index
      %swap3A_259 = arith.constant 48 : index
      %swap3A_260 = tpu.vector_load %arg7[%swap3A_258, %swap3A_259] {strides = array<i32>} : memref<16x128xf32, #tpu.memory_space<vmem>>, vector<1x16xf32>,
      %swap3A_261 = vector.shape_cast %swap3A_260 : vector<1x16xf32> to vector<16xf32>
      %swap3A_262 = vector.shape_cast %broadcast_in_dim3A_59 : vector<16xf32> to vector<1x16xf32>
      tpu.vector_store %arg7[%swap3A_258, %swap3A_259], %swap3A_262 {strides = array<i32>} : memref<16x128xf32, #tpu.memory_space<vmem>>, vector<1x16xf32>,
      %swap3A_263 = arith.index_cast %scan3A_241 : i32 to index
      %swap3A_264 = arith.constant 64 : index
      %swap3A_265 = tpu.vector_load %arg7[%swap3A_263, %swap3A_264] {strides = array<i32>} : memref<16x128xf32, #tpu.memory_space<vmem>>, vector<1x16xf32>,
      %swap3A_266 = vector.shape_cast %swap3A_265 : vector<1x16xf32> to vector<16xf32>
      %swap3A_267 = vector.shape_cast %broadcast_in_dim3A_59 : vector<16xf32> to vector<1x16xf32>
      tpu.vector_store %arg7[%swap3A_263, %swap3A_264], %swap3A_267 {strides = array<i32>} : memref<16x128xf32, #tpu.memory_space<vmem>>, vector<1x16xf32>,
      %swap3A_268 = arith.index_cast %scan3A_241 : i32 to index
      %swap3A_269 = arith.constant 80 : index
      %swap3A_270 = tpu.vector_load %arg7[%swap3A_268, %swap3A_269] {strides = array<i32>} : memref<16x128xf32, #tpu.memory_space<vmem>>, vector<1x16xf32>,
      %swap3A_271 = vector.shape_cast %swap3A_270 : vector<1x16xf32> to vector<16xf32>
      %swap3A_272 = vector.shape_cast %broadcast_in_dim3A_59 : vector<16xf32> to vector<1x16xf32>
      tpu.vector_store %arg7[%swap3A_268, %swap3A_269], %swap3A_272 {strides = array<i32>} : memref<16x128xf32, #tpu.memory_space<vmem>>, vector<1x16xf32>,
      %swap3A_273 = arith.index_cast %scan3A_241 : i32 to index
      %swap3A_274 = arith.constant 96 : index
      %swap3A_275 = tpu.vector_load %arg7[%swap3A_273, %swap3A_274] {strides = array<i32>} : memref<16x128xf32, #tpu.memory_space<vmem>>, vector<1x16xf32>,
      %swap3A_276 = vector.shape_cast %swap3A_275 : vector<1x16xf32> to vector<16xf32>
      %swap3A_277 = vector.shape_cast %broadcast_in_dim3A_59 : vector<16xf32> to vector<1x16xf32>
      tpu.vector_store %arg7[%swap3A_273, %swap3A_274], %swap3A_277 {strides = array<i32>} : memref<16x128xf32, #tpu.memory_space<vmem>>, vector<1x16xf32>,
      %swap3A_278 = arith.index_cast %scan3A_241 : i32 to index
      %swap3A_279 = arith.constant 112 : index
      %swap3A_280 = tpu.vector_load %arg7[%swap3A_278, %swap3A_279] {strides = array<i32>} : memref<16x128xf32, #tpu.memory_space<vmem>>, vector<1x16xf32>,
      %swap3A_281 = vector.shape_cast %swap3A_280 : vector<1x16xf32> to vector<16xf32>
      %swap3A_282 = vector.shape_cast %broadcast_in_dim3A_59 : vector<16xf32> to vector<1x16xf32>
      tpu.vector_store %arg7[%swap3A_278, %swap3A_279], %swap3A_282 {strides = array<i32>} : memref<16x128xf32, #tpu.memory_space<vmem>>, vector<1x16xf32>,
      %scan3A_283 = arith.constant 0 : i32
      scf.yield %scan3A_283 : i32
    }
    %scan3A_66 = arith.constant 16 : i32
    %scan3A_67 = arith.constant 0 : i32
    %scan3A_68 = arith.constant 0 : i32
    %scan3A_69 = arith.constant 39 : i32
    %scan3A_70 = arith.addi %scan3A_68, %scan3A_69 : i32
    %scan3A_71 = arith.constant 1 : i32
    %scan3A_72 = scf.for %scan3A_241 = %scan3A_68 to %scan3A_70 step %scan3A_71 iter_args(%scan3A_242 = %scan3A_67) -> (i32)  : i32 {
      %mul3A_243 = arith.constant 16 : i32
      %mul3A_244 = arith.muli %scan3A_241, %mul3A_243 : i32
      %add3A_245 = arith.addi %mul3A_2, %mul3A_244 : i32
      "tpu.region"() ({
        %run_scoped3A_247 = tpu.sem_alloc : memref<!tpu.dma_semaphore, #tpu.memory_space<semaphore_mem>>
        %dma_start3A_248 = arith.constant 0 : i32
        %dma_start3A_249 = tpu.memref_slice %arg6[%add3A_245, %dma_start3A_248] : memref<10000x128xf32, #tpu.memory_space<vmem_shared>> -> memref<16x128xf32, #tpu.memory_space<vmem_shared>>
        %dma_start3A_250 = arith.constant 0 : i32
        %dma_start3A_251 = tpu.memref_slice %arg6[%add3A_245, %dma_start3A_250] : memref<10000x128xf32, #tpu.memory_space<vmem_shared>> -> memref<16x128xf32, #tpu.memory_space<vmem_shared>>
        tpu.enqueue_dma source(%arg7 : memref<16x128xf32, #tpu.memory_space<vmem>>) target(%dma_start3A_251 : memref<16x128xf32, #tpu.memory_space<vmem_shared>>) target_semaphore(%run_scoped3A_247 : memref<!tpu.dma_semaphore, #tpu.memory_space<semaphore_mem>>)
        %dma_wait3A_252 = arith.constant 0 : i32
        %dma_wait3A_253 = tpu.memref_slice %arg6[%add3A_245, %dma_wait3A_252] : memref<10000x128xf32, #tpu.memory_space<vmem_shared>> -> memref<16x128xf32, #tpu.memory_space<vmem_shared>>
        %dma_wait3A_254 = arith.constant 0 : i32
        %dma_wait3A_255 = tpu.memref_slice %arg6[%add3A_245, %dma_wait3A_254] : memref<10000x128xf32, #tpu.memory_space<vmem_shared>> -> memref<16x128xf32, #tpu.memory_space<vmem_shared>>
        tpu.wait_dma2 semaphore(%run_scoped3A_247 : memref<!tpu.dma_semaphore, #tpu.memory_space<semaphore_mem>>) src(%arg7 : memref<16x128xf32, #tpu.memory_space<vmem>>) dst(%dma_wait3A_255 : memref<16x128xf32, #tpu.memory_space<vmem_shared>>)
        tpu.yield
      }) : () -> ()
      %scan3A_246 = arith.constant 0 : i32
      scf.yield %scan3A_246 : i32
    }
    %scan3A_73 = arith.constant 39 : i32
    %eq3A_74 = arith.constant 15 : i32
    %eq3A_75 = arith.cmpi eq, %arg1, %eq3A_74 : i32
    %convert_element_type3A_76 = arith.extui %eq3A_75 : i1 to i32
    %cond3A_77 = arith.constant 0 : i32
    %cond3A_78 = arith.cmpi ne, %convert_element_type3A_76, %cond3A_77 : i32
    scf.if %cond3A_78 {
      "tpu.region"() ({
        %run_scoped3A_241 = tpu.sem_alloc : memref<!tpu.dma_semaphore, #tpu.memory_space<semaphore_mem>>
        %dma_start3A_242 = arith.constant 9984 : i32
        %dma_start3A_243 = arith.constant 0 : i32
        %dma_start3A_244 = tpu.memref_slice %arg6[%dma_start3A_242, %dma_start3A_243] : memref<10000x128xf32, #tpu.memory_space<vmem_shared>> -> memref<16x128xf32, #tpu.memory_space<vmem_shared>>
        %dma_start3A_245 = arith.constant 9984 : i32
        %dma_start3A_246 = arith.constant 0 : i32
        %dma_start3A_247 = tpu.memref_slice %arg6[%dma_start3A_245, %dma_start3A_246] : memref<10000x128xf32, #tpu.memory_space<vmem_shared>> -> memref<16x128xf32, #tpu.memory_space<vmem_shared>>
        tpu.enqueue_dma source(%arg7 : memref<16x128xf32, #tpu.memory_space<vmem>>) target(%dma_start3A_247 : memref<16x128xf32, #tpu.memory_space<vmem_shared>>) target_semaphore(%run_scoped3A_241 : memref<!tpu.dma_semaphore, #tpu.memory_space<semaphore_mem>>)
        %dma_wait3A_248 = arith.constant 9984 : i32
        %dma_wait3A_249 = arith.constant 0 : i32
        %dma_wait3A_250 = tpu.memref_slice %arg6[%dma_wait3A_248, %dma_wait3A_249] : memref<10000x128xf32, #tpu.memory_space<vmem_shared>> -> memref<16x128xf32, #tpu.memory_space<vmem_shared>>
        %dma_wait3A_251 = arith.constant 9984 : i32
        %dma_wait3A_252 = arith.constant 0 : i32
        %dma_wait3A_253 = tpu.memref_slice %arg6[%dma_wait3A_251, %dma_wait3A_252] : memref<10000x128xf32, #tpu.memory_space<vmem_shared>> -> memref<16x128xf32, #tpu.memory_space<vmem_shared>>
        tpu.wait_dma2 semaphore(%run_scoped3A_241 : memref<!tpu.dma_semaphore, #tpu.memory_space<semaphore_mem>>) src(%arg7 : memref<16x128xf32, #tpu.memory_space<vmem>>) dst(%dma_wait3A_253 : memref<16x128xf32, #tpu.memory_space<vmem_shared>>)
        tpu.yield
      }) : () -> ()
    } else {
    }
    %barrier3A_79 = arith.constant 0 : index
    tpu.barrier barrier_id(%barrier3A_79)
    %get3A = arith.constant 0 : index
    %get3A_80 = tpu.vector_load %arg8[%get3A] {strides = array<i32>} : memref<10000xi32, #tpu.memory_space<vmem>>, vector<16xi32>,
    %get3A_81 = vector.shape_cast %get3A_80 : vector<16xi32> to vector<16xi32>
    %and3A = arith.constant 65535 : i32
    %and3A_82 = vector.broadcast %and3A : i32 to vector<16xi32>
    %and3A_83 = arith.andi %get3A_81, %and3A_82 : vector<16xi32>
    %swap3A = arith.constant 0 : i32
    %swap3A_84 = arith.index_cast %swap3A : i32 to index
    %swap3A_85 = arith.constant 0 : index
    %swap3A_86 = tpu.vector_load %arg9[%swap3A_84, %swap3A_85] {strides = array<i32>} : memref<2x80xi32, #tpu.memory_space<vmem>>, vector<1x16xi32>,
    %swap3A_87 = vector.shape_cast %swap3A_86 : vector<1x16xi32> to vector<16xi32>
    %swap3A_88 = vector.shape_cast %and3A_83 : vector<16xi32> to vector<1x16xi32>
    tpu.vector_store %arg9[%swap3A_84, %swap3A_85], %swap3A_88 {strides = array<i32>} : memref<2x80xi32, #tpu.memory_space<vmem>>, vector<1x16xi32>,
    %get3A_89 = arith.constant 16 : index
    %get3A_90 = tpu.vector_load %arg8[%get3A_89] {strides = array<i32>} : memref<10000xi32, #tpu.memory_space<vmem>>, vector<16xi32>,
    %get3A_91 = vector.shape_cast %get3A_90 : vector<16xi32> to vector<16xi32>
    %and3A_92 = arith.constant 65535 : i32
    %and3A_93 = vector.broadcast %and3A_92 : i32 to vector<16xi32>
    %and3A_94 = arith.andi %get3A_91, %and3A_93 : vector<16xi32>
    %swap3A_95 = arith.constant 0 : i32
    %swap3A_96 = arith.index_cast %swap3A_95 : i32 to index
    %swap3A_97 = arith.constant 16 : index
    %swap3A_98 = tpu.vector_load %arg9[%swap3A_96, %swap3A_97] {strides = array<i32>} : memref<2x80xi32, #tpu.memory_space<vmem>>, vector<1x16xi32>,
    %swap3A_99 = vector.shape_cast %swap3A_98 : vector<1x16xi32> to vector<16xi32>
    %swap3A_100 = vector.shape_cast %and3A_94 : vector<16xi32> to vector<1x16xi32>
    tpu.vector_store %arg9[%swap3A_96, %swap3A_97], %swap3A_100 {strides = array<i32>} : memref<2x80xi32, #tpu.memory_space<vmem>>, vector<1x16xi32>,
    %get3A_101 = arith.constant 32 : index
    %get3A_102 = tpu.vector_load %arg8[%get3A_101] {strides = array<i32>} : memref<10000xi32, #tpu.memory_space<vmem>>, vector<16xi32>,
    %get3A_103 = vector.shape_cast %get3A_102 : vector<16xi32> to vector<16xi32>
    %and3A_104 = arith.constant 65535 : i32
    %and3A_105 = vector.broadcast %and3A_104 : i32 to vector<16xi32>
    %and3A_106 = arith.andi %get3A_103, %and3A_105 : vector<16xi32>
    %swap3A_107 = arith.constant 0 : i32
    %swap3A_108 = arith.index_cast %swap3A_107 : i32 to index
    %swap3A_109 = arith.constant 32 : index
    %swap3A_110 = tpu.vector_load %arg9[%swap3A_108, %swap3A_109] {strides = array<i32>} : memref<2x80xi32, #tpu.memory_space<vmem>>, vector<1x16xi32>,
    %swap3A_111 = vector.shape_cast %swap3A_110 : vector<1x16xi32> to vector<16xi32>
    %swap3A_112 = vector.shape_cast %and3A_106 : vector<16xi32> to vector<1x16xi32>
    tpu.vector_store %arg9[%swap3A_108, %swap3A_109], %swap3A_112 {strides = array<i32>} : memref<2x80xi32, #tpu.memory_space<vmem>>, vector<1x16xi32>,
    %get3A_113 = arith.constant 48 : index
    %get3A_114 = tpu.vector_load %arg8[%get3A_113] {strides = array<i32>} : memref<10000xi32, #tpu.memory_space<vmem>>, vector<16xi32>,
    %get3A_115 = vector.shape_cast %get3A_114 : vector<16xi32> to vector<16xi32>
    %and3A_116 = arith.constant 65535 : i32
    %and3A_117 = vector.broadcast %and3A_116 : i32 to vector<16xi32>
    %and3A_118 = arith.andi %get3A_115, %and3A_117 : vector<16xi32>
    %swap3A_119 = arith.constant 0 : i32
    %swap3A_120 = arith.index_cast %swap3A_119 : i32 to index
    %swap3A_121 = arith.constant 48 : index
    %swap3A_122 = tpu.vector_load %arg9[%swap3A_120, %swap3A_121] {strides = array<i32>} : memref<2x80xi32, #tpu.memory_space<vmem>>, vector<1x16xi32>,
    %swap3A_123 = vector.shape_cast %swap3A_122 : vector<1x16xi32> to vector<16xi32>
    %swap3A_124 = vector.shape_cast %and3A_118 : vector<16xi32> to vector<1x16xi32>
    tpu.vector_store %arg9[%swap3A_120, %swap3A_121], %swap3A_124 {strides = array<i32>} : memref<2x80xi32, #tpu.memory_space<vmem>>, vector<1x16xi32>,
    %get3A_125 = arith.constant 64 : index
    %get3A_126 = tpu.vector_load %arg8[%get3A_125] {strides = array<i32>} : memref<10000xi32, #tpu.memory_space<vmem>>, vector<16xi32>,
    %get3A_127 = vector.shape_cast %get3A_126 : vector<16xi32> to vector<16xi32>
    %and3A_128 = arith.constant 65535 : i32
    %and3A_129 = vector.broadcast %and3A_128 : i32 to vector<16xi32>
    %and3A_130 = arith.andi %get3A_127, %and3A_129 : vector<16xi32>
    %swap3A_131 = arith.constant 0 : i32
    %swap3A_132 = arith.index_cast %swap3A_131 : i32 to index
    %swap3A_133 = arith.constant 64 : index
    %swap3A_134 = tpu.vector_load %arg9[%swap3A_132, %swap3A_133] {strides = array<i32>} : memref<2x80xi32, #tpu.memory_space<vmem>>, vector<1x16xi32>,
    %swap3A_135 = vector.shape_cast %swap3A_134 : vector<1x16xi32> to vector<16xi32>
    %swap3A_136 = vector.shape_cast %and3A_130 : vector<16xi32> to vector<1x16xi32>
    tpu.vector_store %arg9[%swap3A_132, %swap3A_133], %swap3A_136 {strides = array<i32>} : memref<2x80xi32, #tpu.memory_space<vmem>>, vector<1x16xi32>,
    %dma_start3A = arith.constant 0 : i32
    %dma_start3A_137 = arith.constant 0 : i32
    %dma_start3A_138 = arith.constant 0 : i32
    %dma_start3A_139 = arith.constant 0 : i32
    %dma_start3A_140 = tpu.memref_slice %arg13[%dma_start3A_137, %dma_start3A_138, %dma_start3A_139] : memref<3x80x128xf32, #tpu.memory_space<vmem>> -> memref<1x80x128xf32, #tpu.memory_space<vmem>>
    %dma_start3A_141 = tpu.memref_squeeze %dma_start3A_140 : memref<1x80x128xf32, #tpu.memory_space<vmem>> -> memref<80x128xf32, #tpu.memory_space<vmem>>
    %dma_start3A_142 = arith.constant 0 : i32
    %dma_start3A_143 = tpu.memref_slice %arg9[%dma_start3A, %dma_start3A_142] : memref<2x80xi32, #tpu.memory_space<vmem>> -> memref<1x80xi32, #tpu.memory_space<vmem>>
    %dma_start3A_144 = tpu.memref_squeeze %dma_start3A_143 : memref<1x80xi32, #tpu.memory_space<vmem>> -> memref<80xi32, #tpu.memory_space<vmem>>
    %dma_start3A_145 = arith.constant 0 : i32
    %dma_start3A_146 = arith.constant 0 : i32
    %dma_start3A_147 = tpu.memref_slice %arg2[%dma_start3A_145, %dma_start3A_146] : memref<10000x128xf32, #tpu.memory_space<hbm>> -> memref<10000x128xf32, #tpu.memory_space<hbm>>
    tpu.enqueue_indirect_dma source(%dma_start3A_147 : memref<10000x128xf32, #tpu.memory_space<hbm>>) target(%dma_start3A_141 : memref<80x128xf32, #tpu.memory_space<vmem>>) offsets(%dma_start3A_144 : memref<80xi32, #tpu.memory_space<vmem>>) semaphore(%arg14 : memref<!tpu.dma_semaphore, #tpu.memory_space<semaphore_mem>>)
    %get3A_148 = arith.constant 80 : index
    %get3A_149 = tpu.vector_load %arg8[%get3A_148] {strides = array<i32>} : memref<10000xi32, #tpu.memory_space<vmem>>, vector<16xi32>,
    %get3A_150 = vector.shape_cast %get3A_149 : vector<16xi32> to vector<16xi32>
    %and3A_151 = arith.constant 65535 : i32
    %and3A_152 = vector.broadcast %and3A_151 : i32 to vector<16xi32>
    %and3A_153 = arith.andi %get3A_150, %and3A_152 : vector<16xi32>
    %swap3A_154 = arith.constant 1 : i32
    %swap3A_155 = arith.index_cast %swap3A_154 : i32 to index
    %swap3A_156 = arith.constant 0 : index
    %swap3A_157 = tpu.vector_load %arg9[%swap3A_155, %swap3A_156] {strides = array<i32>} : memref<2x80xi32, #tpu.memory_space<vmem>>, vector<1x16xi32>,
    %swap3A_158 = vector.shape_cast %swap3A_157 : vector<1x16xi32> to vector<16xi32>
    %swap3A_159 = vector.shape_cast %and3A_153 : vector<16xi32> to vector<1x16xi32>
    tpu.vector_store %arg9[%swap3A_155, %swap3A_156], %swap3A_159 {strides = array<i32>} : memref<2x80xi32, #tpu.memory_space<vmem>>, vector<1x16xi32>,
    %get3A_160 = arith.constant 96 : index
    %get3A_161 = tpu.vector_load %arg8[%get3A_160] {strides = array<i32>} : memref<10000xi32, #tpu.memory_space<vmem>>, vector<16xi32>,
    %get3A_162 = vector.shape_cast %get3A_161 : vector<16xi32> to vector<16xi32>
    %and3A_163 = arith.constant 65535 : i32
    %and3A_164 = vector.broadcast %and3A_163 : i32 to vector<16xi32>
    %and3A_165 = arith.andi %get3A_162, %and3A_164 : vector<16xi32>
    %swap3A_166 = arith.constant 1 : i32
    %swap3A_167 = arith.index_cast %swap3A_166 : i32 to index
    %swap3A_168 = arith.constant 16 : index
    %swap3A_169 = tpu.vector_load %arg9[%swap3A_167, %swap3A_168] {strides = array<i32>} : memref<2x80xi32, #tpu.memory_space<vmem>>, vector<1x16xi32>,
    %swap3A_170 = vector.shape_cast %swap3A_169 : vector<1x16xi32> to vector<16xi32>
    %swap3A_171 = vector.shape_cast %and3A_165 : vector<16xi32> to vector<1x16xi32>
    tpu.vector_store %arg9[%swap3A_167, %swap3A_168], %swap3A_171 {strides = array<i32>} : memref<2x80xi32, #tpu.memory_space<vmem>>, vector<1x16xi32>,
    %get3A_172 = arith.constant 112 : index
    %get3A_173 = tpu.vector_load %arg8[%get3A_172] {strides = array<i32>} : memref<10000xi32, #tpu.memory_space<vmem>>, vector<16xi32>,
    %get3A_174 = vector.shape_cast %get3A_173 : vector<16xi32> to vector<16xi32>
    %and3A_175 = arith.constant 65535 : i32
    %and3A_176 = vector.broadcast %and3A_175 : i32 to vector<16xi32>
    %and3A_177 = arith.andi %get3A_174, %and3A_176 : vector<16xi32>
    %swap3A_178 = arith.constant 1 : i32
    %swap3A_179 = arith.index_cast %swap3A_178 : i32 to index
    %swap3A_180 = arith.constant 32 : index
    %swap3A_181 = tpu.vector_load %arg9[%swap3A_179, %swap3A_180] {strides = array<i32>} : memref<2x80xi32, #tpu.memory_space<vmem>>, vector<1x16xi32>,
    %swap3A_182 = vector.shape_cast %swap3A_181 : vector<1x16xi32> to vector<16xi32>
    %swap3A_183 = vector.shape_cast %and3A_177 : vector<16xi32> to vector<1x16xi32>
    tpu.vector_store %arg9[%swap3A_179, %swap3A_180], %swap3A_183 {strides = array<i32>} : memref<2x80xi32, #tpu.memory_space<vmem>>, vector<1x16xi32>,
    %get3A_184 = arith.constant 128 : index
    %get3A_185 = tpu.vector_load %arg8[%get3A_184] {strides = array<i32>} : memref<10000xi32, #tpu.memory_space<vmem>>, vector<16xi32>,
    %get3A_186 = vector.shape_cast %get3A_185 : vector<16xi32> to vector<16xi32>
    %and3A_187 = arith.constant 65535 : i32
    %and3A_188 = vector.broadcast %and3A_187 : i32 to vector<16xi32>
    %and3A_189 = arith.andi %get3A_186, %and3A_188 : vector<16xi32>
    %swap3A_190 = arith.constant 1 : i32
    %swap3A_191 = arith.index_cast %swap3A_190 : i32 to index
    %swap3A_192 = arith.constant 48 : index
    %swap3A_193 = tpu.vector_load %arg9[%swap3A_191, %swap3A_192] {strides = array<i32>} : memref<2x80xi32, #tpu.memory_space<vmem>>, vector<1x16xi32>,
    %swap3A_194 = vector.shape_cast %swap3A_193 : vector<1x16xi32> to vector<16xi32>
    %swap3A_195 = vector.shape_cast %and3A_189 : vector<16xi32> to vector<1x16xi32>
    tpu.vector_store %arg9[%swap3A_191, %swap3A_192], %swap3A_195 {strides = array<i32>} : memref<2x80xi32, #tpu.memory_space<vmem>>, vector<1x16xi32>,
    %get3A_196 = arith.constant 144 : index
    %get3A_197 = tpu.vector_load %arg8[%get3A_196] {strides = array<i32>} : memref<10000xi32, #tpu.memory_space<vmem>>, vector<16xi32>,
    %get3A_198 = vector.shape_cast %get3A_197 : vector<16xi32> to vector<16xi32>
    %and3A_199 = arith.constant 65535 : i32
    %and3A_200 = vector.broadcast %and3A_199 : i32 to vector<16xi32>
    %and3A_201 = arith.andi %get3A_198, %and3A_200 : vector<16xi32>
    %swap3A_202 = arith.constant 1 : i32
    %swap3A_203 = arith.index_cast %swap3A_202 : i32 to index
    %swap3A_204 = arith.constant 64 : index
    %swap3A_205 = tpu.vector_load %arg9[%swap3A_203, %swap3A_204] {strides = array<i32>} : memref<2x80xi32, #tpu.memory_space<vmem>>, vector<1x16xi32>,
    %swap3A_206 = vector.shape_cast %swap3A_205 : vector<1x16xi32> to vector<16xi32>
    %swap3A_207 = vector.shape_cast %and3A_201 : vector<16xi32> to vector<1x16xi32>
    tpu.vector_store %arg9[%swap3A_203, %swap3A_204], %swap3A_207 {strides = array<i32>} : memref<2x80xi32, #tpu.memory_space<vmem>>, vector<1x16xi32>,
    %dma_start3A_208 = arith.constant 1 : i32
    %dma_start3A_209 = arith.constant 1 : i32
    %dma_start3A_210 = arith.constant 0 : i32
    %dma_start3A_211 = arith.constant 0 : i32
    %dma_start3A_212 = tpu.memref_slice %arg13[%dma_start3A_209, %dma_start3A_210, %dma_start3A_211] : memref<3x80x128xf32, #tpu.memory_space<vmem>> -> memref<1x80x128xf32, #tpu.memory_space<vmem>>
    %dma_start3A_213 = tpu.memref_squeeze %dma_start3A_212 : memref<1x80x128xf32, #tpu.memory_space<vmem>> -> memref<80x128xf32, #tpu.memory_space<vmem>>
    %dma_start3A_214 = arith.constant 0 : i32
    %dma_start3A_215 = tpu.memref_slice %arg9[%dma_start3A_208, %dma_start3A_214] : memref<2x80xi32, #tpu.memory_space<vmem>> -> memref<1x80xi32, #tpu.memory_space<vmem>>
    %dma_start3A_216 = tpu.memref_squeeze %dma_start3A_215 : memref<1x80xi32, #tpu.memory_space<vmem>> -> memref<80xi32, #tpu.memory_space<vmem>>
    %dma_start3A_217 = arith.constant 0 : i32
    %dma_start3A_218 = arith.constant 0 : i32
    %dma_start3A_219 = tpu.memref_slice %arg2[%dma_start3A_217, %dma_start3A_218] : memref<10000x128xf32, #tpu.memory_space<hbm>> -> memref<10000x128xf32, #tpu.memory_space<hbm>>
    tpu.enqueue_indirect_dma source(%dma_start3A_219 : memref<10000x128xf32, #tpu.memory_space<hbm>>) target(%dma_start3A_213 : memref<80x128xf32, #tpu.memory_space<vmem>>) offsets(%dma_start3A_216 : memref<80xi32, #tpu.memory_space<vmem>>) semaphore(%arg14 : memref<!tpu.dma_semaphore, #tpu.memory_space<semaphore_mem>>)
    %scan3A_220 = arith.constant 0 : i32
    %scan3A_221 = arith.constant 0 : i32
    %scan3A_222 = arith.constant 125 : i32
    %scan3A_223 = arith.addi %scan3A_221, %scan3A_222 : i32
    %scan3A_224 = arith.constant 1 : i32
    %scan3A_225 = scf.for %scan3A_241 = %scan3A_221 to %scan3A_223 step %scan3A_224 iter_args(%scan3A_242 = %scan3A_220) -> (i32)  : i32 {
      %rem3A = arith.constant 3 : i32
      %rem3A_243 = arith.remsi %scan3A_241, %rem3A : i32
      %dma_wait3A_244 = arith.constant 0 : i32
      %dma_wait3A_245 = arith.constant 0 : i32
      %dma_wait3A_246 = arith.constant 0 : i32
      %dma_wait3A_247 = tpu.memref_slice %arg13[%rem3A_243, %dma_wait3A_245, %dma_wait3A_246] : memref<3x80x128xf32, #tpu.memory_space<vmem>> -> memref<1x80x128xf32, #tpu.memory_space<vmem>>
      %dma_wait3A_248 = tpu.memref_squeeze %dma_wait3A_247 : memref<1x80x128xf32, #tpu.memory_space<vmem>> -> memref<80x128xf32, #tpu.memory_space<vmem>>
      %dma_wait3A_249 = arith.constant 0 : i32
      %dma_wait3A_250 = tpu.memref_slice %arg9[%dma_wait3A_244, %dma_wait3A_249] : memref<2x80xi32, #tpu.memory_space<vmem>> -> memref<1x80xi32, #tpu.memory_space<vmem>>
      %dma_wait3A_251 = tpu.memref_squeeze %dma_wait3A_250 : memref<1x80xi32, #tpu.memory_space<vmem>> -> memref<80xi32, #tpu.memory_space<vmem>>
      %dma_wait3A_252 = arith.constant 0 : i32
      %dma_wait3A_253 = arith.constant 0 : i32
      %dma_wait3A_254 = tpu.memref_slice %arg2[%dma_wait3A_252, %dma_wait3A_253] : memref<10000x128xf32, #tpu.memory_space<hbm>> -> memref<10000x128xf32, #tpu.memory_space<hbm>>
      tpu.wait_indirect_dma semaphore(%arg14 : memref<!tpu.dma_semaphore, #tpu.memory_space<semaphore_mem>>) src(%dma_wait3A_254 : memref<10000x128xf32, #tpu.memory_space<hbm>>) dst(%dma_wait3A_248 : memref<80x128xf32, #tpu.memory_space<vmem>>)
      %rem3A_255 = arith.constant 2 : i32
      %rem3A_256 = arith.remsi %scan3A_241, %rem3A_255 : i32
      %eq3A_257 = arith.constant 0 : i32
      %eq3A_258 = arith.cmpi eq, %rem3A_256, %eq3A_257 : i32
      %convert_element_type3A_259 = arith.extui %eq3A_258 : i1 to i32
      %cond3A_260 = arith.constant 0 : i32
      %cond3A_261 = arith.cmpi ne, %convert_element_type3A_259, %cond3A_260 : i32
      scf.if %cond3A_261 {
        %mul3A_280 = arith.constant 80 : i32
        %mul3A_281 = arith.muli %scan3A_241, %mul3A_280 : i32
        %add3A_282 = arith.constant 0 : i32
        %add3A_283 = arith.addi %mul3A_281, %add3A_282 : i32
        %get3A_284 = arith.index_cast %add3A_283 : i32 to index
        %get3A_285 = tpu.vector_load %arg8[%get3A_284] {strides = array<i32>} : memref<10000xi32, #tpu.memory_space<vmem>>, vector<16xi32>,
        %get3A_286 = vector.shape_cast %get3A_285 : vector<16xi32> to vector<16xi32>
        %shift_right_logical3A = arith.constant 16 : i32
        %shift_right_logical3A_287 = vector.broadcast %shift_right_logical3A : i32 to vector<16xi32>
        %shift_right_logical3A_288 = arith.shrui %get3A_286, %shift_right_logical3A_287 : vector<16xi32>
        %swap3A_289 = arith.constant 0 : index
        %swap3A_290 = tpu.vector_load %arg10[%swap3A_289] {strides = array<i32>} : memref<80xi32, #tpu.memory_space<vmem>>, vector<16xi32>,
        %swap3A_291 = vector.shape_cast %swap3A_290 : vector<16xi32> to vector<16xi32>
        %swap3A_292 = vector.shape_cast %shift_right_logical3A_288 : vector<16xi32> to vector<16xi32>
        tpu.vector_store %arg10[%swap3A_289], %swap3A_292 {strides = array<i32>} : memref<80xi32, #tpu.memory_space<vmem>>, vector<16xi32>,
        %mul3A_293 = arith.constant 80 : i32
        %mul3A_294 = arith.muli %scan3A_241, %mul3A_293 : i32
        %add3A_295 = arith.constant 16 : i32
        %add3A_296 = arith.addi %mul3A_294, %add3A_295 : i32
        %get3A_297 = arith.index_cast %add3A_296 : i32 to index
        %get3A_298 = tpu.vector_load %arg8[%get3A_297] {strides = array<i32>} : memref<10000xi32, #tpu.memory_space<vmem>>, vector<16xi32>,
        %get3A_299 = vector.shape_cast %get3A_298 : vector<16xi32> to vector<16xi32>
        %shift_right_logical3A_300 = arith.constant 16 : i32
        %shift_right_logical3A_301 = vector.broadcast %shift_right_logical3A_300 : i32 to vector<16xi32>
        %shift_right_logical3A_302 = arith.shrui %get3A_299, %shift_right_logical3A_301 : vector<16xi32>
        %swap3A_303 = arith.constant 16 : index
        %swap3A_304 = tpu.vector_load %arg10[%swap3A_303] {strides = array<i32>} : memref<80xi32, #tpu.memory_space<vmem>>, vector<16xi32>,
        %swap3A_305 = vector.shape_cast %swap3A_304 : vector<16xi32> to vector<16xi32>
        %swap3A_306 = vector.shape_cast %shift_right_logical3A_302 : vector<16xi32> to vector<16xi32>
        tpu.vector_store %arg10[%swap3A_303], %swap3A_306 {strides = array<i32>} : memref<80xi32, #tpu.memory_space<vmem>>, vector<16xi32>,
        %mul3A_307 = arith.constant 80 : i32
        %mul3A_308 = arith.muli %scan3A_241, %mul3A_307 : i32
        %add3A_309 = arith.constant 32 : i32
        %add3A_310 = arith.addi %mul3A_308, %add3A_309 : i32
        %get3A_311 = arith.index_cast %add3A_310 : i32 to index
        %get3A_312 = tpu.vector_load %arg8[%get3A_311] {strides = array<i32>} : memref<10000xi32, #tpu.memory_space<vmem>>, vector<16xi32>,
        %get3A_313 = vector.shape_cast %get3A_312 : vector<16xi32> to vector<16xi32>
        %shift_right_logical3A_314 = arith.constant 16 : i32
        %shift_right_logical3A_315 = vector.broadcast %shift_right_logical3A_314 : i32 to vector<16xi32>
        %shift_right_logical3A_316 = arith.shrui %get3A_313, %shift_right_logical3A_315 : vector<16xi32>
        %swap3A_317 = arith.constant 32 : index
        %swap3A_318 = tpu.vector_load %arg10[%swap3A_317] {strides = array<i32>} : memref<80xi32, #tpu.memory_space<vmem>>, vector<16xi32>,
        %swap3A_319 = vector.shape_cast %swap3A_318 : vector<16xi32> to vector<16xi32>
        %swap3A_320 = vector.shape_cast %shift_right_logical3A_316 : vector<16xi32> to vector<16xi32>
        tpu.vector_store %arg10[%swap3A_317], %swap3A_320 {strides = array<i32>} : memref<80xi32, #tpu.memory_space<vmem>>, vector<16xi32>,
        %mul3A_321 = arith.constant 80 : i32
        %mul3A_322 = arith.muli %scan3A_241, %mul3A_321 : i32
        %add3A_323 = arith.constant 48 : i32
        %add3A_324 = arith.addi %mul3A_322, %add3A_323 : i32
        %get3A_325 = arith.index_cast %add3A_324 : i32 to index
        %get3A_326 = tpu.vector_load %arg8[%get3A_325] {strides = array<i32>} : memref<10000xi32, #tpu.memory_space<vmem>>, vector<16xi32>,
        %get3A_327 = vector.shape_cast %get3A_326 : vector<16xi32> to vector<16xi32>
        %shift_right_logical3A_328 = arith.constant 16 : i32
        %shift_right_logical3A_329 = vector.broadcast %shift_right_logical3A_328 : i32 to vector<16xi32>
        %shift_right_logical3A_330 = arith.shrui %get3A_327, %shift_right_logical3A_329 : vector<16xi32>
        %swap3A_331 = arith.constant 48 : index
        %swap3A_332 = tpu.vector_load %arg10[%swap3A_331] {strides = array<i32>} : memref<80xi32, #tpu.memory_space<vmem>>, vector<16xi32>,
        %swap3A_333 = vector.shape_cast %swap3A_332 : vector<16xi32> to vector<16xi32>
        %swap3A_334 = vector.shape_cast %shift_right_logical3A_330 : vector<16xi32> to vector<16xi32>
        tpu.vector_store %arg10[%swap3A_331], %swap3A_334 {strides = array<i32>} : memref<80xi32, #tpu.memory_space<vmem>>, vector<16xi32>,
        %mul3A_335 = arith.constant 80 : i32
        %mul3A_336 = arith.muli %scan3A_241, %mul3A_335 : i32
        %add3A_337 = arith.constant 64 : i32
        %add3A_338 = arith.addi %mul3A_336, %add3A_337 : i32
        %get3A_339 = arith.index_cast %add3A_338 : i32 to index
        %get3A_340 = tpu.vector_load %arg8[%get3A_339] {strides = array<i32>} : memref<10000xi32, #tpu.memory_space<vmem>>, vector<16xi32>,
        %get3A_341 = vector.shape_cast %get3A_340 : vector<16xi32> to vector<16xi32>
        %shift_right_logical3A_342 = arith.constant 16 : i32
        %shift_right_logical3A_343 = vector.broadcast %shift_right_logical3A_342 : i32 to vector<16xi32>
        %shift_right_logical3A_344 = arith.shrui %get3A_341, %shift_right_logical3A_343 : vector<16xi32>
        %swap3A_345 = arith.constant 64 : index
        %swap3A_346 = tpu.vector_load %arg10[%swap3A_345] {strides = array<i32>} : memref<80xi32, #tpu.memory_space<vmem>>, vector<16xi32>,
        %swap3A_347 = vector.shape_cast %swap3A_346 : vector<16xi32> to vector<16xi32>
        %swap3A_348 = vector.shape_cast %shift_right_logical3A_344 : vector<16xi32> to vector<16xi32>
        tpu.vector_store %arg10[%swap3A_345], %swap3A_348 {strides = array<i32>} : memref<80xi32, #tpu.memory_space<vmem>>, vector<16xi32>,
        %dma_start3A_349 = arith.constant 0 : i32
        %dma_start3A_350 = arith.constant 0 : i32
        %dma_start3A_351 = tpu.memref_slice %arg13[%rem3A_243, %dma_start3A_349, %dma_start3A_350] : memref<3x80x128xf32, #tpu.memory_space<vmem>> -> memref<1x80x128xf32, #tpu.memory_space<vmem>>
        %dma_start3A_352 = tpu.memref_squeeze %dma_start3A_351 : memref<1x80x128xf32, #tpu.memory_space<vmem>> -> memref<80x128xf32, #tpu.memory_space<vmem>>
        %dma_start3A_353 = arith.constant 0 : i32
        %dma_start3A_354 = arith.constant 0 : i32
        %dma_start3A_355 = tpu.memref_slice %arg6[%dma_start3A_353, %dma_start3A_354] : memref<10000x128xf32, #tpu.memory_space<vmem_shared>> -> memref<10000x128xf32, #tpu.memory_space<vmem_shared>>
        tpu.enqueue_indirect_dma source(%dma_start3A_352 : memref<80x128xf32, #tpu.memory_space<vmem>>) target(%dma_start3A_355 : memref<10000x128xf32, #tpu.memory_space<vmem_shared>>) offsets(%arg10 : memref<80xi32, #tpu.memory_space<vmem>>) semaphore(%arg15 : memref<!tpu.dma_semaphore, #tpu.memory_space<semaphore_mem>>) {add = true}
      } else {
      }
      %rem3A_262 = arith.constant 2 : i32
      %rem3A_263 = arith.remsi %scan3A_241, %rem3A_262 : i32
      %eq3A_264 = arith.constant 1 : i32
      %eq3A_265 = arith.cmpi eq, %rem3A_263, %eq3A_264 : i32
      %convert_element_type3A_266 = arith.extui %eq3A_265 : i1 to i32
      %cond3A_267 = arith.constant 0 : i32
      %cond3A_268 = arith.cmpi ne, %convert_element_type3A_266, %cond3A_267 : i32
      scf.if %cond3A_268 {
        %mul3A_280 = arith.constant 80 : i32
        %mul3A_281 = arith.muli %scan3A_241, %mul3A_280 : i32
        %add3A_282 = arith.constant 0 : i32
        %add3A_283 = arith.addi %mul3A_281, %add3A_282 : i32
        %get3A_284 = arith.index_cast %add3A_283 : i32 to index
        %get3A_285 = tpu.vector_load %arg8[%get3A_284] {strides = array<i32>} : memref<10000xi32, #tpu.memory_space<vmem>>, vector<16xi32>,
        %get3A_286 = vector.shape_cast %get3A_285 : vector<16xi32> to vector<16xi32>
        %shift_right_logical3A = arith.constant 16 : i32
        %shift_right_logical3A_287 = vector.broadcast %shift_right_logical3A : i32 to vector<16xi32>
        %shift_right_logical3A_288 = arith.shrui %get3A_286, %shift_right_logical3A_287 : vector<16xi32>
        %swap3A_289 = arith.constant 0 : index
        %swap3A_290 = tpu.vector_load %arg11[%swap3A_289] {strides = array<i32>} : memref<80xi32, #tpu.memory_space<vmem>>, vector<16xi32>,
        %swap3A_291 = vector.shape_cast %swap3A_290 : vector<16xi32> to vector<16xi32>
        %swap3A_292 = vector.shape_cast %shift_right_logical3A_288 : vector<16xi32> to vector<16xi32>
        tpu.vector_store %arg11[%swap3A_289], %swap3A_292 {strides = array<i32>} : memref<80xi32, #tpu.memory_space<vmem>>, vector<16xi32>,
        %mul3A_293 = arith.constant 80 : i32
        %mul3A_294 = arith.muli %scan3A_241, %mul3A_293 : i32
        %add3A_295 = arith.constant 16 : i32
        %add3A_296 = arith.addi %mul3A_294, %add3A_295 : i32
        %get3A_297 = arith.index_cast %add3A_296 : i32 to index
        %get3A_298 = tpu.vector_load %arg8[%get3A_297] {strides = array<i32>} : memref<10000xi32, #tpu.memory_space<vmem>>, vector<16xi32>,
        %get3A_299 = vector.shape_cast %get3A_298 : vector<16xi32> to vector<16xi32>
        %shift_right_logical3A_300 = arith.constant 16 : i32
        %shift_right_logical3A_301 = vector.broadcast %shift_right_logical3A_300 : i32 to vector<16xi32>
        %shift_right_logical3A_302 = arith.shrui %get3A_299, %shift_right_logical3A_301 : vector<16xi32>
        %swap3A_303 = arith.constant 16 : index
        %swap3A_304 = tpu.vector_load %arg11[%swap3A_303] {strides = array<i32>} : memref<80xi32, #tpu.memory_space<vmem>>, vector<16xi32>,
        %swap3A_305 = vector.shape_cast %swap3A_304 : vector<16xi32> to vector<16xi32>
        %swap3A_306 = vector.shape_cast %shift_right_logical3A_302 : vector<16xi32> to vector<16xi32>
        tpu.vector_store %arg11[%swap3A_303], %swap3A_306 {strides = array<i32>} : memref<80xi32, #tpu.memory_space<vmem>>, vector<16xi32>,
        %mul3A_307 = arith.constant 80 : i32
        %mul3A_308 = arith.muli %scan3A_241, %mul3A_307 : i32
        %add3A_309 = arith.constant 32 : i32
        %add3A_310 = arith.addi %mul3A_308, %add3A_309 : i32
        %get3A_311 = arith.index_cast %add3A_310 : i32 to index
        %get3A_312 = tpu.vector_load %arg8[%get3A_311] {strides = array<i32>} : memref<10000xi32, #tpu.memory_space<vmem>>, vector<16xi32>,
        %get3A_313 = vector.shape_cast %get3A_312 : vector<16xi32> to vector<16xi32>
        %shift_right_logical3A_314 = arith.constant 16 : i32
        %shift_right_logical3A_315 = vector.broadcast %shift_right_logical3A_314 : i32 to vector<16xi32>
        %shift_right_logical3A_316 = arith.shrui %get3A_313, %shift_right_logical3A_315 : vector<16xi32>
        %swap3A_317 = arith.constant 32 : index
        %swap3A_318 = tpu.vector_load %arg11[%swap3A_317] {strides = array<i32>} : memref<80xi32, #tpu.memory_space<vmem>>, vector<16xi32>,
        %swap3A_319 = vector.shape_cast %swap3A_318 : vector<16xi32> to vector<16xi32>
        %swap3A_320 = vector.shape_cast %shift_right_logical3A_316 : vector<16xi32> to vector<16xi32>
        tpu.vector_store %arg11[%swap3A_317], %swap3A_320 {strides = array<i32>} : memref<80xi32, #tpu.memory_space<vmem>>, vector<16xi32>,
        %mul3A_321 = arith.constant 80 : i32
        %mul3A_322 = arith.muli %scan3A_241, %mul3A_321 : i32
        %add3A_323 = arith.constant 48 : i32
        %add3A_324 = arith.addi %mul3A_322, %add3A_323 : i32
        %get3A_325 = arith.index_cast %add3A_324 : i32 to index
        %get3A_326 = tpu.vector_load %arg8[%get3A_325] {strides = array<i32>} : memref<10000xi32, #tpu.memory_space<vmem>>, vector<16xi32>,
        %get3A_327 = vector.shape_cast %get3A_326 : vector<16xi32> to vector<16xi32>
        %shift_right_logical3A_328 = arith.constant 16 : i32
        %shift_right_logical3A_329 = vector.broadcast %shift_right_logical3A_328 : i32 to vector<16xi32>
        %shift_right_logical3A_330 = arith.shrui %get3A_327, %shift_right_logical3A_329 : vector<16xi32>
        %swap3A_331 = arith.constant 48 : index
        %swap3A_332 = tpu.vector_load %arg11[%swap3A_331] {strides = array<i32>} : memref<80xi32, #tpu.memory_space<vmem>>, vector<16xi32>,
        %swap3A_333 = vector.shape_cast %swap3A_332 : vector<16xi32> to vector<16xi32>
        %swap3A_334 = vector.shape_cast %shift_right_logical3A_330 : vector<16xi32> to vector<16xi32>
        tpu.vector_store %arg11[%swap3A_331], %swap3A_334 {strides = array<i32>} : memref<80xi32, #tpu.memory_space<vmem>>, vector<16xi32>,
        %mul3A_335 = arith.constant 80 : i32
        %mul3A_336 = arith.muli %scan3A_241, %mul3A_335 : i32
        %add3A_337 = arith.constant 64 : i32
        %add3A_338 = arith.addi %mul3A_336, %add3A_337 : i32
        %get3A_339 = arith.index_cast %add3A_338 : i32 to index
        %get3A_340 = tpu.vector_load %arg8[%get3A_339] {strides = array<i32>} : memref<10000xi32, #tpu.memory_space<vmem>>, vector<16xi32>,
        %get3A_341 = vector.shape_cast %get3A_340 : vector<16xi32> to vector<16xi32>
        %shift_right_logical3A_342 = arith.constant 16 : i32
        %shift_right_logical3A_343 = vector.broadcast %shift_right_logical3A_342 : i32 to vector<16xi32>
        %shift_right_logical3A_344 = arith.shrui %get3A_341, %shift_right_logical3A_343 : vector<16xi32>
        %swap3A_345 = arith.constant 64 : index
        %swap3A_346 = tpu.vector_load %arg11[%swap3A_345] {strides = array<i32>} : memref<80xi32, #tpu.memory_space<vmem>>, vector<16xi32>,
        %swap3A_347 = vector.shape_cast %swap3A_346 : vector<16xi32> to vector<16xi32>
        %swap3A_348 = vector.shape_cast %shift_right_logical3A_344 : vector<16xi32> to vector<16xi32>
        tpu.vector_store %arg11[%swap3A_345], %swap3A_348 {strides = array<i32>} : memref<80xi32, #tpu.memory_space<vmem>>, vector<16xi32>,
        %dma_start3A_349 = arith.constant 0 : i32
        %dma_start3A_350 = arith.constant 0 : i32
        %dma_start3A_351 = tpu.memref_slice %arg13[%rem3A_243, %dma_start3A_349, %dma_start3A_350] : memref<3x80x128xf32, #tpu.memory_space<vmem>> -> memref<1x80x128xf32, #tpu.memory_space<vmem>>
        %dma_start3A_352 = tpu.memref_squeeze %dma_start3A_351 : memref<1x80x128xf32, #tpu.memory_space<vmem>> -> memref<80x128xf32, #tpu.memory_space<vmem>>
        %dma_start3A_353 = arith.constant 0 : i32
        %dma_start3A_354 = arith.constant 0 : i32
        %dma_start3A_355 = tpu.memref_slice %arg6[%dma_start3A_353, %dma_start3A_354] : memref<10000x128xf32, #tpu.memory_space<vmem_shared>> -> memref<10000x128xf32, #tpu.memory_space<vmem_shared>>
        tpu.enqueue_indirect_dma source(%dma_start3A_352 : memref<80x128xf32, #tpu.memory_space<vmem>>) target(%dma_start3A_355 : memref<10000x128xf32, #tpu.memory_space<vmem_shared>>) offsets(%arg11 : memref<80xi32, #tpu.memory_space<vmem>>) semaphore(%arg15 : memref<!tpu.dma_semaphore, #tpu.memory_space<semaphore_mem>>) {add = true}
      } else {
      }
      %ge3A = arith.constant 1 : i32
      %ge3A_269 = arith.cmpi sge, %scan3A_241, %ge3A : i32
      %convert_element_type3A_270 = arith.extui %ge3A_269 : i1 to i32
      %cond3A_271 = arith.constant 0 : i32
      %cond3A_272 = arith.cmpi ne, %convert_element_type3A_270, %cond3A_271 : i32
      scf.if %cond3A_272 {
        %dma_wait3A_280 = arith.constant 0 : i32
        %dma_wait3A_281 = arith.constant 0 : i32
        %dma_wait3A_282 = arith.constant 0 : i32
        %dma_wait3A_283 = tpu.memref_slice %arg13[%dma_wait3A_280, %dma_wait3A_281, %dma_wait3A_282] : memref<3x80x128xf32, #tpu.memory_space<vmem>> -> memref<1x80x128xf32, #tpu.memory_space<vmem>>
        %dma_wait3A_284 = tpu.memref_squeeze %dma_wait3A_283 : memref<1x80x128xf32, #tpu.memory_space<vmem>> -> memref<80x128xf32, #tpu.memory_space<vmem>>
        %dma_wait3A_285 = arith.constant 0 : i32
        %dma_wait3A_286 = arith.constant 0 : i32
        %dma_wait3A_287 = tpu.memref_slice %arg6[%dma_wait3A_285, %dma_wait3A_286] : memref<10000x128xf32, #tpu.memory_space<vmem_shared>> -> memref<10000x128xf32, #tpu.memory_space<vmem_shared>>
        tpu.wait_indirect_dma semaphore(%arg15 : memref<!tpu.dma_semaphore, #tpu.memory_space<semaphore_mem>>) src(%dma_wait3A_284 : memref<80x128xf32, #tpu.memory_space<vmem>>) dst(%dma_wait3A_287 : memref<10000x128xf32, #tpu.memory_space<vmem_shared>>)
      } else {
      }
      %add3A_273 = arith.constant 2 : i32
      %add3A_274 = arith.addi %scan3A_241, %add3A_273 : i32
      %lt3A = arith.constant 125 : i32
      %lt3A_275 = arith.cmpi slt, %add3A_274, %lt3A : i32
      %convert_element_type3A_276 = arith.extui %lt3A_275 : i1 to i32
      %cond3A_277 = arith.constant 0 : i32
      %cond3A_278 = arith.cmpi ne, %convert_element_type3A_276, %cond3A_277 : i32
      scf.if %cond3A_278 {
        %rem3A_280 = arith.constant 2 : i32
        %rem3A_281 = arith.remsi %scan3A_241, %rem3A_280 : i32
        %add3A_282 = arith.constant 2 : i32
        %add3A_283 = arith.addi %scan3A_241, %add3A_282 : i32
        %mul3A_284 = arith.constant 80 : i32
        %mul3A_285 = arith.muli %add3A_283, %mul3A_284 : i32
        %add3A_286 = arith.constant 0 : i32
        %add3A_287 = arith.addi %mul3A_285, %add3A_286 : i32
        %get3A_288 = arith.index_cast %add3A_287 : i32 to index
        %get3A_289 = tpu.vector_load %arg8[%get3A_288] {strides = array<i32>} : memref<10000xi32, #tpu.memory_space<vmem>>, vector<16xi32>,
        %get3A_290 = vector.shape_cast %get3A_289 : vector<16xi32> to vector<16xi32>
        %and3A_291 = arith.constant 65535 : i32
        %and3A_292 = vector.broadcast %and3A_291 : i32 to vector<16xi32>
        %and3A_293 = arith.andi %get3A_290, %and3A_292 : vector<16xi32>
        %swap3A_294 = arith.index_cast %rem3A_281 : i32 to index
        %swap3A_295 = arith.constant 0 : index
        %swap3A_296 = tpu.vector_load %arg9[%swap3A_294, %swap3A_295] {strides = array<i32>} : memref<2x80xi32, #tpu.memory_space<vmem>>, vector<1x16xi32>,
        %swap3A_297 = vector.shape_cast %swap3A_296 : vector<1x16xi32> to vector<16xi32>
        %swap3A_298 = vector.shape_cast %and3A_293 : vector<16xi32> to vector<1x16xi32>
        tpu.vector_store %arg9[%swap3A_294, %swap3A_295], %swap3A_298 {strides = array<i32>} : memref<2x80xi32, #tpu.memory_space<vmem>>, vector<1x16xi32>,
        %mul3A_299 = arith.constant 80 : i32
        %mul3A_300 = arith.muli %add3A_283, %mul3A_299 : i32
        %add3A_301 = arith.constant 16 : i32
        %add3A_302 = arith.addi %mul3A_300, %add3A_301 : i32
        %get3A_303 = arith.index_cast %add3A_302 : i32 to index
        %get3A_304 = tpu.vector_load %arg8[%get3A_303] {strides = array<i32>} : memref<10000xi32, #tpu.memory_space<vmem>>, vector<16xi32>,
        %get3A_305 = vector.shape_cast %get3A_304 : vector<16xi32> to vector<16xi32>
        %and3A_306 = arith.constant 65535 : i32
        %and3A_307 = vector.broadcast %and3A_306 : i32 to vector<16xi32>
        %and3A_308 = arith.andi %get3A_305, %and3A_307 : vector<16xi32>
        %swap3A_309 = arith.index_cast %rem3A_281 : i32 to index
        %swap3A_310 = arith.constant 16 : index
        %swap3A_311 = tpu.vector_load %arg9[%swap3A_309, %swap3A_310] {strides = array<i32>} : memref<2x80xi32, #tpu.memory_space<vmem>>, vector<1x16xi32>,
        %swap3A_312 = vector.shape_cast %swap3A_311 : vector<1x16xi32> to vector<16xi32>
        %swap3A_313 = vector.shape_cast %and3A_308 : vector<16xi32> to vector<1x16xi32>
        tpu.vector_store %arg9[%swap3A_309, %swap3A_310], %swap3A_313 {strides = array<i32>} : memref<2x80xi32, #tpu.memory_space<vmem>>, vector<1x16xi32>,
        %mul3A_314 = arith.constant 80 : i32
        %mul3A_315 = arith.muli %add3A_283, %mul3A_314 : i32
        %add3A_316 = arith.constant 32 : i32
        %add3A_317 = arith.addi %mul3A_315, %add3A_316 : i32
        %get3A_318 = arith.index_cast %add3A_317 : i32 to index
        %get3A_319 = tpu.vector_load %arg8[%get3A_318] {strides = array<i32>} : memref<10000xi32, #tpu.memory_space<vmem>>, vector<16xi32>,
        %get3A_320 = vector.shape_cast %get3A_319 : vector<16xi32> to vector<16xi32>
        %and3A_321 = arith.constant 65535 : i32
        %and3A_322 = vector.broadcast %and3A_321 : i32 to vector<16xi32>
        %and3A_323 = arith.andi %get3A_320, %and3A_322 : vector<16xi32>
        %swap3A_324 = arith.index_cast %rem3A_281 : i32 to index
        %swap3A_325 = arith.constant 32 : index
        %swap3A_326 = tpu.vector_load %arg9[%swap3A_324, %swap3A_325] {strides = array<i32>} : memref<2x80xi32, #tpu.memory_space<vmem>>, vector<1x16xi32>,
        %swap3A_327 = vector.shape_cast %swap3A_326 : vector<1x16xi32> to vector<16xi32>
        %swap3A_328 = vector.shape_cast %and3A_323 : vector<16xi32> to vector<1x16xi32>
        tpu.vector_store %arg9[%swap3A_324, %swap3A_325], %swap3A_328 {strides = array<i32>} : memref<2x80xi32, #tpu.memory_space<vmem>>, vector<1x16xi32>,
        %mul3A_329 = arith.constant 80 : i32
        %mul3A_330 = arith.muli %add3A_283, %mul3A_329 : i32
        %add3A_331 = arith.constant 48 : i32
        %add3A_332 = arith.addi %mul3A_330, %add3A_331 : i32
        %get3A_333 = arith.index_cast %add3A_332 : i32 to index
        %get3A_334 = tpu.vector_load %arg8[%get3A_333] {strides = array<i32>} : memref<10000xi32, #tpu.memory_space<vmem>>, vector<16xi32>,
        %get3A_335 = vector.shape_cast %get3A_334 : vector<16xi32> to vector<16xi32>
        %and3A_336 = arith.constant 65535 : i32
        %and3A_337 = vector.broadcast %and3A_336 : i32 to vector<16xi32>
        %and3A_338 = arith.andi %get3A_335, %and3A_337 : vector<16xi32>
        %swap3A_339 = arith.index_cast %rem3A_281 : i32 to index
        %swap3A_340 = arith.constant 48 : index
        %swap3A_341 = tpu.vector_load %arg9[%swap3A_339, %swap3A_340] {strides = array<i32>} : memref<2x80xi32, #tpu.memory_space<vmem>>, vector<1x16xi32>,
        %swap3A_342 = vector.shape_cast %swap3A_341 : vector<1x16xi32> to vector<16xi32>
        %swap3A_343 = vector.shape_cast %and3A_338 : vector<16xi32> to vector<1x16xi32>
        tpu.vector_store %arg9[%swap3A_339, %swap3A_340], %swap3A_343 {strides = array<i32>} : memref<2x80xi32, #tpu.memory_space<vmem>>, vector<1x16xi32>,
        %mul3A_344 = arith.constant 80 : i32
        %mul3A_345 = arith.muli %add3A_283, %mul3A_344 : i32
        %add3A_346 = arith.constant 64 : i32
        %add3A_347 = arith.addi %mul3A_345, %add3A_346 : i32
        %get3A_348 = arith.index_cast %add3A_347 : i32 to index
        %get3A_349 = tpu.vector_load %arg8[%get3A_348] {strides = array<i32>} : memref<10000xi32, #tpu.memory_space<vmem>>, vector<16xi32>,
        %get3A_350 = vector.shape_cast %get3A_349 : vector<16xi32> to vector<16xi32>
        %and3A_351 = arith.constant 65535 : i32
        %and3A_352 = vector.broadcast %and3A_351 : i32 to vector<16xi32>
        %and3A_353 = arith.andi %get3A_350, %and3A_352 : vector<16xi32>
        %swap3A_354 = arith.index_cast %rem3A_281 : i32 to index
        %swap3A_355 = arith.constant 64 : index
        %swap3A_356 = tpu.vector_load %arg9[%swap3A_354, %swap3A_355] {strides = array<i32>} : memref<2x80xi32, #tpu.memory_space<vmem>>, vector<1x16xi32>,
        %swap3A_357 = vector.shape_cast %swap3A_356 : vector<1x16xi32> to vector<16xi32>
        %swap3A_358 = vector.shape_cast %and3A_353 : vector<16xi32> to vector<1x16xi32>
        tpu.vector_store %arg9[%swap3A_354, %swap3A_355], %swap3A_358 {strides = array<i32>} : memref<2x80xi32, #tpu.memory_space<vmem>>, vector<1x16xi32>,
        %add3A_359 = arith.constant 2 : i32
        %add3A_360 = arith.addi %scan3A_241, %add3A_359 : i32
        %rem3A_361 = arith.constant 3 : i32
        %rem3A_362 = arith.remsi %add3A_360, %rem3A_361 : i32
        %dma_start3A_363 = arith.constant 0 : i32
        %dma_start3A_364 = arith.constant 0 : i32
        %dma_start3A_365 = tpu.memref_slice %arg13[%rem3A_362, %dma_start3A_363, %dma_start3A_364] : memref<3x80x128xf32, #tpu.memory_space<vmem>> -> memref<1x80x128xf32, #tpu.memory_space<vmem>>
        %dma_start3A_366 = tpu.memref_squeeze %dma_start3A_365 : memref<1x80x128xf32, #tpu.memory_space<vmem>> -> memref<80x128xf32, #tpu.memory_space<vmem>>
        %dma_start3A_367 = arith.constant 0 : i32
        %dma_start3A_368 = tpu.memref_slice %arg9[%rem3A_281, %dma_start3A_367] : memref<2x80xi32, #tpu.memory_space<vmem>> -> memref<1x80xi32, #tpu.memory_space<vmem>>
        %dma_start3A_369 = tpu.memref_squeeze %dma_start3A_368 : memref<1x80xi32, #tpu.memory_space<vmem>> -> memref<80xi32, #tpu.memory_space<vmem>>
        %dma_start3A_370 = arith.constant 0 : i32
        %dma_start3A_371 = arith.constant 0 : i32
        %dma_start3A_372 = tpu.memref_slice %arg2[%dma_start3A_370, %dma_start3A_371] : memref<10000x128xf32, #tpu.memory_space<hbm>> -> memref<10000x128xf32, #tpu.memory_space<hbm>>
        tpu.enqueue_indirect_dma source(%dma_start3A_372 : memref<10000x128xf32, #tpu.memory_space<hbm>>) target(%dma_start3A_366 : memref<80x128xf32, #tpu.memory_space<vmem>>) offsets(%dma_start3A_369 : memref<80xi32, #tpu.memory_space<vmem>>) semaphore(%arg14 : memref<!tpu.dma_semaphore, #tpu.memory_space<semaphore_mem>>)
      } else {
      }
      %scan3A_279 = arith.constant 0 : i32
      scf.yield %scan3A_279 : i32
    }
    %scan3A_226 = arith.constant 125 : i32
    %dma_wait3A_227 = arith.constant 0 : i32
    %dma_wait3A_228 = arith.constant 0 : i32
    %dma_wait3A_229 = arith.constant 0 : i32
    %dma_wait3A_230 = tpu.memref_slice %arg13[%dma_wait3A_227, %dma_wait3A_228, %dma_wait3A_229] : memref<3x80x128xf32, #tpu.memory_space<vmem>> -> memref<1x80x128xf32, #tpu.memory_space<vmem>>
    %dma_wait3A_231 = tpu.memref_squeeze %dma_wait3A_230 : memref<1x80x128xf32, #tpu.memory_space<vmem>> -> memref<80x128xf32, #tpu.memory_space<vmem>>
    %dma_wait3A_232 = arith.constant 0 : i32
    %dma_wait3A_233 = arith.constant 0 : i32
    %dma_wait3A_234 = tpu.memref_slice %arg6[%dma_wait3A_232, %dma_wait3A_233] : memref<10000x128xf32, #tpu.memory_space<vmem_shared>> -> memref<10000x128xf32, #tpu.memory_space<vmem_shared>>
    tpu.wait_indirect_dma semaphore(%arg15 : memref<!tpu.dma_semaphore, #tpu.memory_space<semaphore_mem>>) src(%dma_wait3A_231 : memref<80x128xf32, #tpu.memory_space<vmem>>) dst(%dma_wait3A_234 : memref<10000x128xf32, #tpu.memory_space<vmem_shared>>)
    %barrier3A_235 = arith.constant 0 : index
    tpu.barrier barrier_id(%barrier3A_235)
    "tpu.region"() ({
      %run_scoped3A_241 = tpu.sem_alloc : memref<!tpu.dma_semaphore, #tpu.memory_space<semaphore_mem>>
      %dma_start3A_242 = arith.constant 0 : i32
      %dma_start3A_243 = tpu.memref_slice %arg4[%arg0, %mul3A_2, %dma_start3A_242] : memref<2x10000x128xf32, #tpu.memory_space<hbm>> -> memref<1x624x128xf32, #tpu.memory_space<hbm>>
      %dma_start3A_244 = tpu.memref_squeeze %dma_start3A_243 : memref<1x624x128xf32, #tpu.memory_space<hbm>> -> memref<624x128xf32, #tpu.memory_space<hbm>>
      %dma_start3A_245 = arith.constant 0 : i32
      %dma_start3A_246 = tpu.memref_slice %arg6[%mul3A_2, %dma_start3A_245] : memref<10000x128xf32, #tpu.memory_space<vmem_shared>> -> memref<624x128xf32, #tpu.memory_space<vmem_shared>>
      tpu.enqueue_dma source(%dma_start3A_246 : memref<624x128xf32, #tpu.memory_space<vmem_shared>>) target(%dma_start3A_244 : memref<624x128xf32, #tpu.memory_space<hbm>>) target_semaphore(%run_scoped3A_241 : memref<!tpu.dma_semaphore, #tpu.memory_space<semaphore_mem>>)
      %dma_wait3A_247 = arith.constant 0 : i32
      %dma_wait3A_248 = tpu.memref_slice %arg4[%arg0, %mul3A_2, %dma_wait3A_247] : memref<2x10000x128xf32, #tpu.memory_space<hbm>> -> memref<1x624x128xf32, #tpu.memory_space<hbm>>
      %dma_wait3A_249 = tpu.memref_squeeze %dma_wait3A_248 : memref<1x624x128xf32, #tpu.memory_space<hbm>> -> memref<624x128xf32, #tpu.memory_space<hbm>>
      %dma_wait3A_250 = arith.constant 0 : i32
      %dma_wait3A_251 = tpu.memref_slice %arg6[%mul3A_2, %dma_wait3A_250] : memref<10000x128xf32, #tpu.memory_space<vmem_shared>> -> memref<624x128xf32, #tpu.memory_space<vmem_shared>>
      tpu.wait_dma2 semaphore(%run_scoped3A_241 : memref<!tpu.dma_semaphore, #tpu.memory_space<semaphore_mem>>) src(%dma_wait3A_251 : memref<624x128xf32, #tpu.memory_space<vmem_shared>>) dst(%dma_wait3A_249 : memref<624x128xf32, #tpu.memory_space<hbm>>)
      tpu.yield
    }) : () -> ()
    %eq3A_236 = arith.constant 15 : i32
    %eq3A_237 = arith.cmpi eq, %arg1, %eq3A_236 : i32
    %convert_element_type3A_238 = arith.extui %eq3A_237 : i1 to i32
    %cond3A_239 = arith.constant 0 : i32
    %cond3A_240 = arith.cmpi ne, %convert_element_type3A_238, %cond3A_239 : i32
    scf.if %cond3A_240 {
      "tpu.region"() ({
        %run_scoped3A_241 = tpu.sem_alloc : memref<!tpu.dma_semaphore, #tpu.memory_space<semaphore_mem>>
        %dma_start3A_242 = arith.constant 9984 : i32
        %dma_start3A_243 = arith.constant 0 : i32
        %dma_start3A_244 = tpu.memref_slice %arg4[%arg0, %dma_start3A_242, %dma_start3A_243] : memref<2x10000x128xf32, #tpu.memory_space<hbm>> -> memref<1x16x128xf32, #tpu.memory_space<hbm>>
        %dma_start3A_245 = tpu.memref_squeeze %dma_start3A_244 : memref<1x16x128xf32, #tpu.memory_space<hbm>> -> memref<16x128xf32, #tpu.memory_space<hbm>>
        %dma_start3A_246 = arith.constant 9984 : i32
        %dma_start3A_247 = arith.constant 0 : i32
        %dma_start3A_248 = tpu.memref_slice %arg6[%dma_start3A_246, %dma_start3A_247] : memref<10000x128xf32, #tpu.memory_space<vmem_shared>> -> memref<16x128xf32, #tpu.memory_space<vmem_shared>>
        tpu.enqueue_dma source(%dma_start3A_248 : memref<16x128xf32, #tpu.memory_space<vmem_shared>>) target(%dma_start3A_245 : memref<16x128xf32, #tpu.memory_space<hbm>>) target_semaphore(%run_scoped3A_241 : memref<!tpu.dma_semaphore, #tpu.memory_space<semaphore_mem>>)
        %dma_wait3A_249 = arith.constant 9984 : i32
        %dma_wait3A_250 = arith.constant 0 : i32
        %dma_wait3A_251 = tpu.memref_slice %arg4[%arg0, %dma_wait3A_249, %dma_wait3A_250] : memref<2x10000x128xf32, #tpu.memory_space<hbm>> -> memref<1x16x128xf32, #tpu.memory_space<hbm>>
        %dma_wait3A_252 = tpu.memref_squeeze %dma_wait3A_251 : memref<1x16x128xf32, #tpu.memory_space<hbm>> -> memref<16x128xf32, #tpu.memory_space<hbm>>
        %dma_wait3A_253 = arith.constant 9984 : i32
        %dma_wait3A_254 = arith.constant 0 : i32
        %dma_wait3A_255 = tpu.memref_slice %arg6[%dma_wait3A_253, %dma_wait3A_254] : memref<10000x128xf32, #tpu.memory_space<vmem_shared>> -> memref<16x128xf32, #tpu.memory_space<vmem_shared>>
        tpu.wait_dma2 semaphore(%run_scoped3A_241 : memref<!tpu.dma_semaphore, #tpu.memory_space<semaphore_mem>>) src(%dma_wait3A_255 : memref<16x128xf32, #tpu.memory_space<vmem_shared>>) dst(%dma_wait3A_252 : memref<16x128xf32, #tpu.memory_space<hbm>>)
        tpu.yield
      }) : () -> ()
    } else {
    }
    return
  }
}

#map = affine_map<(d0, d1) -> (0, 0)>
#map1 = affine_map<(d0, d1) -> (0, 0, 0)>
module attributes {stable_mosaic.version = 14 : i64} {
  func.func @body(%arg0: i32, %arg1: i32, %arg2: memref<10000x128xf32, #tpu.memory_space<hbm>>, %arg3: memref<32x1x10000xi32, #tpu.memory_space<hbm>>, %arg4: memref<2x10000x128xf32, #tpu.memory_space<hbm>>, %arg5: memref<10000x128xf32, #tpu.memory_space<vmem_shared>>, %arg6: memref<16x128xf32, #tpu.memory_space<vmem>>, %arg7: memref<10000xi32, #tpu.memory_space<vmem>>, %arg8: memref<2x80xi32, #tpu.memory_space<vmem>>, %arg9: memref<80xi32, #tpu.memory_space<vmem>>, %arg10: memref<80xi32, #tpu.memory_space<vmem>>, %arg11: memref<80xi32, #tpu.memory_space<vmem>>, %arg12: memref<3x80x128xf32, #tpu.memory_space<vmem>>, %arg13: memref<!tpu.dma_semaphore, #tpu.memory_space<semaphore_mem>>, %arg14: memref<!tpu.dma_semaphore, #tpu.memory_space<semaphore_mem>>) attributes {dimension_semantics = [#tpu.dimension_semantics<core_parallel>, #tpu.dimension_semantics<subcore_parallel>], iteration_bounds = array<i64: 2, 16>, scalar_prefetch = 0 : i64, scratch_operands = 10 : i64, tpu.core_type = #tpu.core_type<sc_vector_subcore>, window_params = [{transform_indices = #map}, {transform_indices = #map1}, {transform_indices = #map1}]} {
    %mul3A = arith.constant 2 : i32
    %mul3A_0 = arith.muli %arg1, %mul3A : i32
    %add3A = arith.addi %mul3A_0, %arg0 : i32
    %mul3A_1 = arith.constant 624 : i32
    %mul3A_2 = arith.muli %arg1, %mul3A_1 : i32
    %run_scoped3A = arith.constant 0 : i32
    "tpu.region"() ({
      %run_scoped3A_179 = tpu.sem_alloc : memref<!tpu.dma_semaphore, #tpu.memory_space<semaphore_mem>>
      %dma_start3A_180 = arith.constant 0 : i32
      %dma_start3A_181 = tpu.memref_slice %arg3[%add3A, %run_scoped3A, %dma_start3A_180] : memref<32x1x10000xi32, #tpu.memory_space<hbm>> -> memref<1x1x10000xi32, #tpu.memory_space<hbm>>
      %dma_start3A_182 = tpu.memref_squeeze %dma_start3A_181 : memref<1x1x10000xi32, #tpu.memory_space<hbm>> -> memref<10000xi32, #tpu.memory_space<hbm>>
      %dma_start3A_183 = arith.constant 0 : i32
      %dma_start3A_184 = tpu.memref_slice %arg3[%add3A, %run_scoped3A, %dma_start3A_183] : memref<32x1x10000xi32, #tpu.memory_space<hbm>> -> memref<1x1x10000xi32, #tpu.memory_space<hbm>>
      %dma_start3A_185 = tpu.memref_squeeze %dma_start3A_184 : memref<1x1x10000xi32, #tpu.memory_space<hbm>> -> memref<10000xi32, #tpu.memory_space<hbm>>
      tpu.enqueue_dma source(%dma_start3A_185 : memref<10000xi32, #tpu.memory_space<hbm>>) target(%arg7 : memref<10000xi32, #tpu.memory_space<vmem>>) target_semaphore(%run_scoped3A_179 : memref<!tpu.dma_semaphore, #tpu.memory_space<semaphore_mem>>)
      %dma_wait3A_186 = arith.constant 0 : i32
      %dma_wait3A_187 = tpu.memref_slice %arg3[%add3A, %run_scoped3A, %dma_wait3A_186] : memref<32x1x10000xi32, #tpu.memory_space<hbm>> -> memref<1x1x10000xi32, #tpu.memory_space<hbm>>
      %dma_wait3A_188 = tpu.memref_squeeze %dma_wait3A_187 : memref<1x1x10000xi32, #tpu.memory_space<hbm>> -> memref<10000xi32, #tpu.memory_space<hbm>>
      %dma_wait3A_189 = arith.constant 0 : i32
      %dma_wait3A_190 = tpu.memref_slice %arg3[%add3A, %run_scoped3A, %dma_wait3A_189] : memref<32x1x10000xi32, #tpu.memory_space<hbm>> -> memref<1x1x10000xi32, #tpu.memory_space<hbm>>
      %dma_wait3A_191 = tpu.memref_squeeze %dma_wait3A_190 : memref<1x1x10000xi32, #tpu.memory_space<hbm>> -> memref<10000xi32, #tpu.memory_space<hbm>>
      tpu.wait_dma2 semaphore(%run_scoped3A_179 : memref<!tpu.dma_semaphore, #tpu.memory_space<semaphore_mem>>) src(%dma_wait3A_191 : memref<10000xi32, #tpu.memory_space<hbm>>) dst(%arg7 : memref<10000xi32, #tpu.memory_space<vmem>>)
      tpu.yield
    }) : () -> ()
    %broadcast_in_dim3A = arith.constant 0.000000e+00 : f32
    %broadcast_in_dim3A_3 = vector.broadcast %broadcast_in_dim3A : f32 to vector<16xf32>
    %scan3A = arith.constant 0 : i32
    %scan3A_4 = arith.constant 0 : i32
    %scan3A_5 = arith.constant 16 : i32
    %scan3A_6 = arith.addi %scan3A_4, %scan3A_5 : i32
    %scan3A_7 = arith.constant 1 : i32
    %scan3A_8 = scf.for %scan3A_179 = %scan3A_4 to %scan3A_6 step %scan3A_7 iter_args(%scan3A_180 = %scan3A) -> (i32)  : i32 {
      %swap3A_181 = arith.index_cast %scan3A_179 : i32 to index
      %swap3A_182 = arith.constant 0 : index
      %swap3A_183 = tpu.vector_load %arg6[%swap3A_181, %swap3A_182] {strides = array<i32>} : memref<16x128xf32, #tpu.memory_space<vmem>>, vector<1x16xf32>,
      %swap3A_184 = vector.shape_cast %swap3A_183 : vector<1x16xf32> to vector<16xf32>
      %swap3A_185 = vector.shape_cast %broadcast_in_dim3A_3 : vector<16xf32> to vector<1x16xf32>
      tpu.vector_store %arg6[%swap3A_181, %swap3A_182], %swap3A_185 {strides = array<i32>} : memref<16x128xf32, #tpu.memory_space<vmem>>, vector<1x16xf32>,
      %swap3A_186 = arith.index_cast %scan3A_179 : i32 to index
      %swap3A_187 = arith.constant 16 : index
      %swap3A_188 = tpu.vector_load %arg6[%swap3A_186, %swap3A_187] {strides = array<i32>} : memref<16x128xf32, #tpu.memory_space<vmem>>, vector<1x16xf32>,
      %swap3A_189 = vector.shape_cast %swap3A_188 : vector<1x16xf32> to vector<16xf32>
      %swap3A_190 = vector.shape_cast %broadcast_in_dim3A_3 : vector<16xf32> to vector<1x16xf32>
      tpu.vector_store %arg6[%swap3A_186, %swap3A_187], %swap3A_190 {strides = array<i32>} : memref<16x128xf32, #tpu.memory_space<vmem>>, vector<1x16xf32>,
      %swap3A_191 = arith.index_cast %scan3A_179 : i32 to index
      %swap3A_192 = arith.constant 32 : index
      %swap3A_193 = tpu.vector_load %arg6[%swap3A_191, %swap3A_192] {strides = array<i32>} : memref<16x128xf32, #tpu.memory_space<vmem>>, vector<1x16xf32>,
      %swap3A_194 = vector.shape_cast %swap3A_193 : vector<1x16xf32> to vector<16xf32>
      %swap3A_195 = vector.shape_cast %broadcast_in_dim3A_3 : vector<16xf32> to vector<1x16xf32>
      tpu.vector_store %arg6[%swap3A_191, %swap3A_192], %swap3A_195 {strides = array<i32>} : memref<16x128xf32, #tpu.memory_space<vmem>>, vector<1x16xf32>,
      %swap3A_196 = arith.index_cast %scan3A_179 : i32 to index
      %swap3A_197 = arith.constant 48 : index
      %swap3A_198 = tpu.vector_load %arg6[%swap3A_196, %swap3A_197] {strides = array<i32>} : memref<16x128xf32, #tpu.memory_space<vmem>>, vector<1x16xf32>,
      %swap3A_199 = vector.shape_cast %swap3A_198 : vector<1x16xf32> to vector<16xf32>
      %swap3A_200 = vector.shape_cast %broadcast_in_dim3A_3 : vector<16xf32> to vector<1x16xf32>
      tpu.vector_store %arg6[%swap3A_196, %swap3A_197], %swap3A_200 {strides = array<i32>} : memref<16x128xf32, #tpu.memory_space<vmem>>, vector<1x16xf32>,
      %swap3A_201 = arith.index_cast %scan3A_179 : i32 to index
      %swap3A_202 = arith.constant 64 : index
      %swap3A_203 = tpu.vector_load %arg6[%swap3A_201, %swap3A_202] {strides = array<i32>} : memref<16x128xf32, #tpu.memory_space<vmem>>, vector<1x16xf32>,
      %swap3A_204 = vector.shape_cast %swap3A_203 : vector<1x16xf32> to vector<16xf32>
      %swap3A_205 = vector.shape_cast %broadcast_in_dim3A_3 : vector<16xf32> to vector<1x16xf32>
      tpu.vector_store %arg6[%swap3A_201, %swap3A_202], %swap3A_205 {strides = array<i32>} : memref<16x128xf32, #tpu.memory_space<vmem>>, vector<1x16xf32>,
      %swap3A_206 = arith.index_cast %scan3A_179 : i32 to index
      %swap3A_207 = arith.constant 80 : index
      %swap3A_208 = tpu.vector_load %arg6[%swap3A_206, %swap3A_207] {strides = array<i32>} : memref<16x128xf32, #tpu.memory_space<vmem>>, vector<1x16xf32>,
      %swap3A_209 = vector.shape_cast %swap3A_208 : vector<1x16xf32> to vector<16xf32>
      %swap3A_210 = vector.shape_cast %broadcast_in_dim3A_3 : vector<16xf32> to vector<1x16xf32>
      tpu.vector_store %arg6[%swap3A_206, %swap3A_207], %swap3A_210 {strides = array<i32>} : memref<16x128xf32, #tpu.memory_space<vmem>>, vector<1x16xf32>,
      %swap3A_211 = arith.index_cast %scan3A_179 : i32 to index
      %swap3A_212 = arith.constant 96 : index
      %swap3A_213 = tpu.vector_load %arg6[%swap3A_211, %swap3A_212] {strides = array<i32>} : memref<16x128xf32, #tpu.memory_space<vmem>>, vector<1x16xf32>,
      %swap3A_214 = vector.shape_cast %swap3A_213 : vector<1x16xf32> to vector<16xf32>
      %swap3A_215 = vector.shape_cast %broadcast_in_dim3A_3 : vector<16xf32> to vector<1x16xf32>
      tpu.vector_store %arg6[%swap3A_211, %swap3A_212], %swap3A_215 {strides = array<i32>} : memref<16x128xf32, #tpu.memory_space<vmem>>, vector<1x16xf32>,
      %swap3A_216 = arith.index_cast %scan3A_179 : i32 to index
      %swap3A_217 = arith.constant 112 : index
      %swap3A_218 = tpu.vector_load %arg6[%swap3A_216, %swap3A_217] {strides = array<i32>} : memref<16x128xf32, #tpu.memory_space<vmem>>, vector<1x16xf32>,
      %swap3A_219 = vector.shape_cast %swap3A_218 : vector<1x16xf32> to vector<16xf32>
      %swap3A_220 = vector.shape_cast %broadcast_in_dim3A_3 : vector<16xf32> to vector<1x16xf32>
      tpu.vector_store %arg6[%swap3A_216, %swap3A_217], %swap3A_220 {strides = array<i32>} : memref<16x128xf32, #tpu.memory_space<vmem>>, vector<1x16xf32>,
      %scan3A_221 = arith.constant 0 : i32
      scf.yield %scan3A_221 : i32
    }
    %scan3A_9 = arith.constant 16 : i32
    %scan3A_10 = arith.constant 0 : i32
    %scan3A_11 = arith.constant 0 : i32
    %scan3A_12 = arith.constant 39 : i32
    %scan3A_13 = arith.addi %scan3A_11, %scan3A_12 : i32
    %scan3A_14 = arith.constant 1 : i32
    %scan3A_15 = scf.for %scan3A_179 = %scan3A_11 to %scan3A_13 step %scan3A_14 iter_args(%scan3A_180 = %scan3A_10) -> (i32)  : i32 {
      %mul3A_181 = arith.constant 16 : i32
      %mul3A_182 = arith.muli %scan3A_179, %mul3A_181 : i32
      %add3A_183 = arith.addi %mul3A_2, %mul3A_182 : i32
      "tpu.region"() ({
        %run_scoped3A_185 = tpu.sem_alloc : memref<!tpu.dma_semaphore, #tpu.memory_space<semaphore_mem>>
        %dma_start3A_186 = arith.constant 0 : i32
        %dma_start3A_187 = tpu.memref_slice %arg5[%add3A_183, %dma_start3A_186] : memref<10000x128xf32, #tpu.memory_space<vmem_shared>> -> memref<16x128xf32, #tpu.memory_space<vmem_shared>>
        %dma_start3A_188 = arith.constant 0 : i32
        %dma_start3A_189 = tpu.memref_slice %arg5[%add3A_183, %dma_start3A_188] : memref<10000x128xf32, #tpu.memory_space<vmem_shared>> -> memref<16x128xf32, #tpu.memory_space<vmem_shared>>
        tpu.enqueue_dma source(%arg6 : memref<16x128xf32, #tpu.memory_space<vmem>>) target(%dma_start3A_189 : memref<16x128xf32, #tpu.memory_space<vmem_shared>>) target_semaphore(%run_scoped3A_185 : memref<!tpu.dma_semaphore, #tpu.memory_space<semaphore_mem>>)
        %dma_wait3A_190 = arith.constant 0 : i32
        %dma_wait3A_191 = tpu.memref_slice %arg5[%add3A_183, %dma_wait3A_190] : memref<10000x128xf32, #tpu.memory_space<vmem_shared>> -> memref<16x128xf32, #tpu.memory_space<vmem_shared>>
        %dma_wait3A_192 = arith.constant 0 : i32
        %dma_wait3A_193 = tpu.memref_slice %arg5[%add3A_183, %dma_wait3A_192] : memref<10000x128xf32, #tpu.memory_space<vmem_shared>> -> memref<16x128xf32, #tpu.memory_space<vmem_shared>>
        tpu.wait_dma2 semaphore(%run_scoped3A_185 : memref<!tpu.dma_semaphore, #tpu.memory_space<semaphore_mem>>) src(%arg6 : memref<16x128xf32, #tpu.memory_space<vmem>>) dst(%dma_wait3A_193 : memref<16x128xf32, #tpu.memory_space<vmem_shared>>)
        tpu.yield
      }) : () -> ()
      %scan3A_184 = arith.constant 0 : i32
      scf.yield %scan3A_184 : i32
    }
    %scan3A_16 = arith.constant 39 : i32
    %eq3A = arith.constant 15 : i32
    %eq3A_17 = arith.cmpi eq, %arg1, %eq3A : i32
    %convert_element_type3A = arith.extui %eq3A_17 : i1 to i32
    %cond3A = arith.constant 0 : i32
    %cond3A_18 = arith.cmpi ne, %convert_element_type3A, %cond3A : i32
    scf.if %cond3A_18 {
      "tpu.region"() ({
        %run_scoped3A_179 = tpu.sem_alloc : memref<!tpu.dma_semaphore, #tpu.memory_space<semaphore_mem>>
        %dma_start3A_180 = arith.constant 9984 : i32
        %dma_start3A_181 = arith.constant 0 : i32
        %dma_start3A_182 = tpu.memref_slice %arg5[%dma_start3A_180, %dma_start3A_181] : memref<10000x128xf32, #tpu.memory_space<vmem_shared>> -> memref<16x128xf32, #tpu.memory_space<vmem_shared>>
        %dma_start3A_183 = arith.constant 9984 : i32
        %dma_start3A_184 = arith.constant 0 : i32
        %dma_start3A_185 = tpu.memref_slice %arg5[%dma_start3A_183, %dma_start3A_184] : memref<10000x128xf32, #tpu.memory_space<vmem_shared>> -> memref<16x128xf32, #tpu.memory_space<vmem_shared>>
        tpu.enqueue_dma source(%arg6 : memref<16x128xf32, #tpu.memory_space<vmem>>) target(%dma_start3A_185 : memref<16x128xf32, #tpu.memory_space<vmem_shared>>) target_semaphore(%run_scoped3A_179 : memref<!tpu.dma_semaphore, #tpu.memory_space<semaphore_mem>>)
        %dma_wait3A_186 = arith.constant 9984 : i32
        %dma_wait3A_187 = arith.constant 0 : i32
        %dma_wait3A_188 = tpu.memref_slice %arg5[%dma_wait3A_186, %dma_wait3A_187] : memref<10000x128xf32, #tpu.memory_space<vmem_shared>> -> memref<16x128xf32, #tpu.memory_space<vmem_shared>>
        %dma_wait3A_189 = arith.constant 9984 : i32
        %dma_wait3A_190 = arith.constant 0 : i32
        %dma_wait3A_191 = tpu.memref_slice %arg5[%dma_wait3A_189, %dma_wait3A_190] : memref<10000x128xf32, #tpu.memory_space<vmem_shared>> -> memref<16x128xf32, #tpu.memory_space<vmem_shared>>
        tpu.wait_dma2 semaphore(%run_scoped3A_179 : memref<!tpu.dma_semaphore, #tpu.memory_space<semaphore_mem>>) src(%arg6 : memref<16x128xf32, #tpu.memory_space<vmem>>) dst(%dma_wait3A_191 : memref<16x128xf32, #tpu.memory_space<vmem_shared>>)
        tpu.yield
      }) : () -> ()
    } else {
    }
    %barrier3A = arith.constant 0 : index
    tpu.barrier barrier_id(%barrier3A)
    %get3A = arith.constant 0 : index
    %get3A_19 = tpu.vector_load %arg7[%get3A] {strides = array<i32>} : memref<10000xi32, #tpu.memory_space<vmem>>, vector<16xi32>,
    %get3A_20 = vector.shape_cast %get3A_19 : vector<16xi32> to vector<16xi32>
    %and3A = arith.constant 65535 : i32
    %and3A_21 = vector.broadcast %and3A : i32 to vector<16xi32>
    %and3A_22 = arith.andi %get3A_20, %and3A_21 : vector<16xi32>
    %swap3A = arith.constant 0 : i32
    %swap3A_23 = arith.index_cast %swap3A : i32 to index
    %swap3A_24 = arith.constant 0 : index
    %swap3A_25 = tpu.vector_load %arg8[%swap3A_23, %swap3A_24] {strides = array<i32>} : memref<2x80xi32, #tpu.memory_space<vmem>>, vector<1x16xi32>,
    %swap3A_26 = vector.shape_cast %swap3A_25 : vector<1x16xi32> to vector<16xi32>
    %swap3A_27 = vector.shape_cast %and3A_22 : vector<16xi32> to vector<1x16xi32>
    tpu.vector_store %arg8[%swap3A_23, %swap3A_24], %swap3A_27 {strides = array<i32>} : memref<2x80xi32, #tpu.memory_space<vmem>>, vector<1x16xi32>,
    %get3A_28 = arith.constant 16 : index
    %get3A_29 = tpu.vector_load %arg7[%get3A_28] {strides = array<i32>} : memref<10000xi32, #tpu.memory_space<vmem>>, vector<16xi32>,
    %get3A_30 = vector.shape_cast %get3A_29 : vector<16xi32> to vector<16xi32>
    %and3A_31 = arith.constant 65535 : i32
    %and3A_32 = vector.broadcast %and3A_31 : i32 to vector<16xi32>
    %and3A_33 = arith.andi %get3A_30, %and3A_32 : vector<16xi32>
    %swap3A_34 = arith.constant 0 : i32
    %swap3A_35 = arith.index_cast %swap3A_34 : i32 to index
    %swap3A_36 = arith.constant 16 : index
    %swap3A_37 = tpu.vector_load %arg8[%swap3A_35, %swap3A_36] {strides = array<i32>} : memref<2x80xi32, #tpu.memory_space<vmem>>, vector<1x16xi32>,
    %swap3A_38 = vector.shape_cast %swap3A_37 : vector<1x16xi32> to vector<16xi32>
    %swap3A_39 = vector.shape_cast %and3A_33 : vector<16xi32> to vector<1x16xi32>
    tpu.vector_store %arg8[%swap3A_35, %swap3A_36], %swap3A_39 {strides = array<i32>} : memref<2x80xi32, #tpu.memory_space<vmem>>, vector<1x16xi32>,
    %get3A_40 = arith.constant 32 : index
    %get3A_41 = tpu.vector_load %arg7[%get3A_40] {strides = array<i32>} : memref<10000xi32, #tpu.memory_space<vmem>>, vector<16xi32>,
    %get3A_42 = vector.shape_cast %get3A_41 : vector<16xi32> to vector<16xi32>
    %and3A_43 = arith.constant 65535 : i32
    %and3A_44 = vector.broadcast %and3A_43 : i32 to vector<16xi32>
    %and3A_45 = arith.andi %get3A_42, %and3A_44 : vector<16xi32>
    %swap3A_46 = arith.constant 0 : i32
    %swap3A_47 = arith.index_cast %swap3A_46 : i32 to index
    %swap3A_48 = arith.constant 32 : index
    %swap3A_49 = tpu.vector_load %arg8[%swap3A_47, %swap3A_48] {strides = array<i32>} : memref<2x80xi32, #tpu.memory_space<vmem>>, vector<1x16xi32>,
    %swap3A_50 = vector.shape_cast %swap3A_49 : vector<1x16xi32> to vector<16xi32>
    %swap3A_51 = vector.shape_cast %and3A_45 : vector<16xi32> to vector<1x16xi32>
    tpu.vector_store %arg8[%swap3A_47, %swap3A_48], %swap3A_51 {strides = array<i32>} : memref<2x80xi32, #tpu.memory_space<vmem>>, vector<1x16xi32>,
    %get3A_52 = arith.constant 48 : index
    %get3A_53 = tpu.vector_load %arg7[%get3A_52] {strides = array<i32>} : memref<10000xi32, #tpu.memory_space<vmem>>, vector<16xi32>,
    %get3A_54 = vector.shape_cast %get3A_53 : vector<16xi32> to vector<16xi32>
    %and3A_55 = arith.constant 65535 : i32
    %and3A_56 = vector.broadcast %and3A_55 : i32 to vector<16xi32>
    %and3A_57 = arith.andi %get3A_54, %and3A_56 : vector<16xi32>
    %swap3A_58 = arith.constant 0 : i32
    %swap3A_59 = arith.index_cast %swap3A_58 : i32 to index
    %swap3A_60 = arith.constant 48 : index
    %swap3A_61 = tpu.vector_load %arg8[%swap3A_59, %swap3A_60] {strides = array<i32>} : memref<2x80xi32, #tpu.memory_space<vmem>>, vector<1x16xi32>,
    %swap3A_62 = vector.shape_cast %swap3A_61 : vector<1x16xi32> to vector<16xi32>
    %swap3A_63 = vector.shape_cast %and3A_57 : vector<16xi32> to vector<1x16xi32>
    tpu.vector_store %arg8[%swap3A_59, %swap3A_60], %swap3A_63 {strides = array<i32>} : memref<2x80xi32, #tpu.memory_space<vmem>>, vector<1x16xi32>,
    %get3A_64 = arith.constant 64 : index
    %get3A_65 = tpu.vector_load %arg7[%get3A_64] {strides = array<i32>} : memref<10000xi32, #tpu.memory_space<vmem>>, vector<16xi32>,
    %get3A_66 = vector.shape_cast %get3A_65 : vector<16xi32> to vector<16xi32>
    %and3A_67 = arith.constant 65535 : i32
    %and3A_68 = vector.broadcast %and3A_67 : i32 to vector<16xi32>
    %and3A_69 = arith.andi %get3A_66, %and3A_68 : vector<16xi32>
    %swap3A_70 = arith.constant 0 : i32
    %swap3A_71 = arith.index_cast %swap3A_70 : i32 to index
    %swap3A_72 = arith.constant 64 : index
    %swap3A_73 = tpu.vector_load %arg8[%swap3A_71, %swap3A_72] {strides = array<i32>} : memref<2x80xi32, #tpu.memory_space<vmem>>, vector<1x16xi32>,
    %swap3A_74 = vector.shape_cast %swap3A_73 : vector<1x16xi32> to vector<16xi32>
    %swap3A_75 = vector.shape_cast %and3A_69 : vector<16xi32> to vector<1x16xi32>
    tpu.vector_store %arg8[%swap3A_71, %swap3A_72], %swap3A_75 {strides = array<i32>} : memref<2x80xi32, #tpu.memory_space<vmem>>, vector<1x16xi32>,
    %dma_start3A = arith.constant 0 : i32
    %dma_start3A_76 = arith.constant 0 : i32
    %dma_start3A_77 = arith.constant 0 : i32
    %dma_start3A_78 = arith.constant 0 : i32
    %dma_start3A_79 = tpu.memref_slice %arg12[%dma_start3A_76, %dma_start3A_77, %dma_start3A_78] : memref<3x80x128xf32, #tpu.memory_space<vmem>> -> memref<1x80x128xf32, #tpu.memory_space<vmem>>
    %dma_start3A_80 = tpu.memref_squeeze %dma_start3A_79 : memref<1x80x128xf32, #tpu.memory_space<vmem>> -> memref<80x128xf32, #tpu.memory_space<vmem>>
    %dma_start3A_81 = arith.constant 0 : i32
    %dma_start3A_82 = tpu.memref_slice %arg8[%dma_start3A, %dma_start3A_81] : memref<2x80xi32, #tpu.memory_space<vmem>> -> memref<1x80xi32, #tpu.memory_space<vmem>>
    %dma_start3A_83 = tpu.memref_squeeze %dma_start3A_82 : memref<1x80xi32, #tpu.memory_space<vmem>> -> memref<80xi32, #tpu.memory_space<vmem>>
    %dma_start3A_84 = arith.constant 0 : i32
    %dma_start3A_85 = arith.constant 0 : i32
    %dma_start3A_86 = tpu.memref_slice %arg2[%dma_start3A_84, %dma_start3A_85] : memref<10000x128xf32, #tpu.memory_space<hbm>> -> memref<10000x128xf32, #tpu.memory_space<hbm>>
    tpu.enqueue_indirect_dma source(%dma_start3A_86 : memref<10000x128xf32, #tpu.memory_space<hbm>>) target(%dma_start3A_80 : memref<80x128xf32, #tpu.memory_space<vmem>>) offsets(%dma_start3A_83 : memref<80xi32, #tpu.memory_space<vmem>>) semaphore(%arg13 : memref<!tpu.dma_semaphore, #tpu.memory_space<semaphore_mem>>)
    %get3A_87 = arith.constant 80 : index
    %get3A_88 = tpu.vector_load %arg7[%get3A_87] {strides = array<i32>} : memref<10000xi32, #tpu.memory_space<vmem>>, vector<16xi32>,
    %get3A_89 = vector.shape_cast %get3A_88 : vector<16xi32> to vector<16xi32>
    %and3A_90 = arith.constant 65535 : i32
    %and3A_91 = vector.broadcast %and3A_90 : i32 to vector<16xi32>
    %and3A_92 = arith.andi %get3A_89, %and3A_91 : vector<16xi32>
    %swap3A_93 = arith.constant 1 : i32
    %swap3A_94 = arith.index_cast %swap3A_93 : i32 to index
    %swap3A_95 = arith.constant 0 : index
    %swap3A_96 = tpu.vector_load %arg8[%swap3A_94, %swap3A_95] {strides = array<i32>} : memref<2x80xi32, #tpu.memory_space<vmem>>, vector<1x16xi32>,
    %swap3A_97 = vector.shape_cast %swap3A_96 : vector<1x16xi32> to vector<16xi32>
    %swap3A_98 = vector.shape_cast %and3A_92 : vector<16xi32> to vector<1x16xi32>
    tpu.vector_store %arg8[%swap3A_94, %swap3A_95], %swap3A_98 {strides = array<i32>} : memref<2x80xi32, #tpu.memory_space<vmem>>, vector<1x16xi32>,
    %get3A_99 = arith.constant 96 : index
    %get3A_100 = tpu.vector_load %arg7[%get3A_99] {strides = array<i32>} : memref<10000xi32, #tpu.memory_space<vmem>>, vector<16xi32>,
    %get3A_101 = vector.shape_cast %get3A_100 : vector<16xi32> to vector<16xi32>
    %and3A_102 = arith.constant 65535 : i32
    %and3A_103 = vector.broadcast %and3A_102 : i32 to vector<16xi32>
    %and3A_104 = arith.andi %get3A_101, %and3A_103 : vector<16xi32>
    %swap3A_105 = arith.constant 1 : i32
    %swap3A_106 = arith.index_cast %swap3A_105 : i32 to index
    %swap3A_107 = arith.constant 16 : index
    %swap3A_108 = tpu.vector_load %arg8[%swap3A_106, %swap3A_107] {strides = array<i32>} : memref<2x80xi32, #tpu.memory_space<vmem>>, vector<1x16xi32>,
    %swap3A_109 = vector.shape_cast %swap3A_108 : vector<1x16xi32> to vector<16xi32>
    %swap3A_110 = vector.shape_cast %and3A_104 : vector<16xi32> to vector<1x16xi32>
    tpu.vector_store %arg8[%swap3A_106, %swap3A_107], %swap3A_110 {strides = array<i32>} : memref<2x80xi32, #tpu.memory_space<vmem>>, vector<1x16xi32>,
    %get3A_111 = arith.constant 112 : index
    %get3A_112 = tpu.vector_load %arg7[%get3A_111] {strides = array<i32>} : memref<10000xi32, #tpu.memory_space<vmem>>, vector<16xi32>,
    %get3A_113 = vector.shape_cast %get3A_112 : vector<16xi32> to vector<16xi32>
    %and3A_114 = arith.constant 65535 : i32
    %and3A_115 = vector.broadcast %and3A_114 : i32 to vector<16xi32>
    %and3A_116 = arith.andi %get3A_113, %and3A_115 : vector<16xi32>
    %swap3A_117 = arith.constant 1 : i32
    %swap3A_118 = arith.index_cast %swap3A_117 : i32 to index
    %swap3A_119 = arith.constant 32 : index
    %swap3A_120 = tpu.vector_load %arg8[%swap3A_118, %swap3A_119] {strides = array<i32>} : memref<2x80xi32, #tpu.memory_space<vmem>>, vector<1x16xi32>,
    %swap3A_121 = vector.shape_cast %swap3A_120 : vector<1x16xi32> to vector<16xi32>
    %swap3A_122 = vector.shape_cast %and3A_116 : vector<16xi32> to vector<1x16xi32>
    tpu.vector_store %arg8[%swap3A_118, %swap3A_119], %swap3A_122 {strides = array<i32>} : memref<2x80xi32, #tpu.memory_space<vmem>>, vector<1x16xi32>,
    %get3A_123 = arith.constant 128 : index
    %get3A_124 = tpu.vector_load %arg7[%get3A_123] {strides = array<i32>} : memref<10000xi32, #tpu.memory_space<vmem>>, vector<16xi32>,
    %get3A_125 = vector.shape_cast %get3A_124 : vector<16xi32> to vector<16xi32>
    %and3A_126 = arith.constant 65535 : i32
    %and3A_127 = vector.broadcast %and3A_126 : i32 to vector<16xi32>
    %and3A_128 = arith.andi %get3A_125, %and3A_127 : vector<16xi32>
    %swap3A_129 = arith.constant 1 : i32
    %swap3A_130 = arith.index_cast %swap3A_129 : i32 to index
    %swap3A_131 = arith.constant 48 : index
    %swap3A_132 = tpu.vector_load %arg8[%swap3A_130, %swap3A_131] {strides = array<i32>} : memref<2x80xi32, #tpu.memory_space<vmem>>, vector<1x16xi32>,
    %swap3A_133 = vector.shape_cast %swap3A_132 : vector<1x16xi32> to vector<16xi32>
    %swap3A_134 = vector.shape_cast %and3A_128 : vector<16xi32> to vector<1x16xi32>
    tpu.vector_store %arg8[%swap3A_130, %swap3A_131], %swap3A_134 {strides = array<i32>} : memref<2x80xi32, #tpu.memory_space<vmem>>, vector<1x16xi32>,
    %get3A_135 = arith.constant 144 : index
    %get3A_136 = tpu.vector_load %arg7[%get3A_135] {strides = array<i32>} : memref<10000xi32, #tpu.memory_space<vmem>>, vector<16xi32>,
    %get3A_137 = vector.shape_cast %get3A_136 : vector<16xi32> to vector<16xi32>
    %and3A_138 = arith.constant 65535 : i32
    %and3A_139 = vector.broadcast %and3A_138 : i32 to vector<16xi32>
    %and3A_140 = arith.andi %get3A_137, %and3A_139 : vector<16xi32>
    %swap3A_141 = arith.constant 1 : i32
    %swap3A_142 = arith.index_cast %swap3A_141 : i32 to index
    %swap3A_143 = arith.constant 64 : index
    %swap3A_144 = tpu.vector_load %arg8[%swap3A_142, %swap3A_143] {strides = array<i32>} : memref<2x80xi32, #tpu.memory_space<vmem>>, vector<1x16xi32>,
    %swap3A_145 = vector.shape_cast %swap3A_144 : vector<1x16xi32> to vector<16xi32>
    %swap3A_146 = vector.shape_cast %and3A_140 : vector<16xi32> to vector<1x16xi32>
    tpu.vector_store %arg8[%swap3A_142, %swap3A_143], %swap3A_146 {strides = array<i32>} : memref<2x80xi32, #tpu.memory_space<vmem>>, vector<1x16xi32>,
    %dma_start3A_147 = arith.constant 1 : i32
    %dma_start3A_148 = arith.constant 1 : i32
    %dma_start3A_149 = arith.constant 0 : i32
    %dma_start3A_150 = arith.constant 0 : i32
    %dma_start3A_151 = tpu.memref_slice %arg12[%dma_start3A_148, %dma_start3A_149, %dma_start3A_150] : memref<3x80x128xf32, #tpu.memory_space<vmem>> -> memref<1x80x128xf32, #tpu.memory_space<vmem>>
    %dma_start3A_152 = tpu.memref_squeeze %dma_start3A_151 : memref<1x80x128xf32, #tpu.memory_space<vmem>> -> memref<80x128xf32, #tpu.memory_space<vmem>>
    %dma_start3A_153 = arith.constant 0 : i32
    %dma_start3A_154 = tpu.memref_slice %arg8[%dma_start3A_147, %dma_start3A_153] : memref<2x80xi32, #tpu.memory_space<vmem>> -> memref<1x80xi32, #tpu.memory_space<vmem>>
    %dma_start3A_155 = tpu.memref_squeeze %dma_start3A_154 : memref<1x80xi32, #tpu.memory_space<vmem>> -> memref<80xi32, #tpu.memory_space<vmem>>
    %dma_start3A_156 = arith.constant 0 : i32
    %dma_start3A_157 = arith.constant 0 : i32
    %dma_start3A_158 = tpu.memref_slice %arg2[%dma_start3A_156, %dma_start3A_157] : memref<10000x128xf32, #tpu.memory_space<hbm>> -> memref<10000x128xf32, #tpu.memory_space<hbm>>
    tpu.enqueue_indirect_dma source(%dma_start3A_158 : memref<10000x128xf32, #tpu.memory_space<hbm>>) target(%dma_start3A_152 : memref<80x128xf32, #tpu.memory_space<vmem>>) offsets(%dma_start3A_155 : memref<80xi32, #tpu.memory_space<vmem>>) semaphore(%arg13 : memref<!tpu.dma_semaphore, #tpu.memory_space<semaphore_mem>>)
    %scan3A_159 = arith.constant 0 : i32
    %scan3A_160 = arith.constant 0 : i32
    %scan3A_161 = arith.constant 125 : i32
    %scan3A_162 = arith.addi %scan3A_160, %scan3A_161 : i32
    %scan3A_163 = arith.constant 1 : i32
    %scan3A_164 = scf.for %scan3A_179 = %scan3A_160 to %scan3A_162 step %scan3A_163 iter_args(%scan3A_180 = %scan3A_159) -> (i32)  : i32 {
      %rem3A = arith.constant 3 : i32
      %rem3A_181 = arith.remsi %scan3A_179, %rem3A : i32
      %dma_wait3A_182 = arith.constant 0 : i32
      %dma_wait3A_183 = arith.constant 0 : i32
      %dma_wait3A_184 = arith.constant 0 : i32
      %dma_wait3A_185 = tpu.memref_slice %arg12[%rem3A_181, %dma_wait3A_183, %dma_wait3A_184] : memref<3x80x128xf32, #tpu.memory_space<vmem>> -> memref<1x80x128xf32, #tpu.memory_space<vmem>>
      %dma_wait3A_186 = tpu.memref_squeeze %dma_wait3A_185 : memref<1x80x128xf32, #tpu.memory_space<vmem>> -> memref<80x128xf32, #tpu.memory_space<vmem>>
      %dma_wait3A_187 = arith.constant 0 : i32
      %dma_wait3A_188 = tpu.memref_slice %arg8[%dma_wait3A_182, %dma_wait3A_187] : memref<2x80xi32, #tpu.memory_space<vmem>> -> memref<1x80xi32, #tpu.memory_space<vmem>>
      %dma_wait3A_189 = tpu.memref_squeeze %dma_wait3A_188 : memref<1x80xi32, #tpu.memory_space<vmem>> -> memref<80xi32, #tpu.memory_space<vmem>>
      %dma_wait3A_190 = arith.constant 0 : i32
      %dma_wait3A_191 = arith.constant 0 : i32
      %dma_wait3A_192 = tpu.memref_slice %arg2[%dma_wait3A_190, %dma_wait3A_191] : memref<10000x128xf32, #tpu.memory_space<hbm>> -> memref<10000x128xf32, #tpu.memory_space<hbm>>
      tpu.wait_indirect_dma semaphore(%arg13 : memref<!tpu.dma_semaphore, #tpu.memory_space<semaphore_mem>>) src(%dma_wait3A_192 : memref<10000x128xf32, #tpu.memory_space<hbm>>) dst(%dma_wait3A_186 : memref<80x128xf32, #tpu.memory_space<vmem>>)
      %rem3A_193 = arith.constant 2 : i32
      %rem3A_194 = arith.remsi %scan3A_179, %rem3A_193 : i32
      %eq3A_195 = arith.constant 0 : i32
      %eq3A_196 = arith.cmpi eq, %rem3A_194, %eq3A_195 : i32
      %convert_element_type3A_197 = arith.extui %eq3A_196 : i1 to i32
      %cond3A_198 = arith.constant 0 : i32
      %cond3A_199 = arith.cmpi ne, %convert_element_type3A_197, %cond3A_198 : i32
      scf.if %cond3A_199 {
        %mul3A_218 = arith.constant 80 : i32
        %mul3A_219 = arith.muli %scan3A_179, %mul3A_218 : i32
        %add3A_220 = arith.constant 0 : i32
        %add3A_221 = arith.addi %mul3A_219, %add3A_220 : i32
        %get3A_222 = arith.index_cast %add3A_221 : i32 to index
        %get3A_223 = tpu.vector_load %arg7[%get3A_222] {strides = array<i32>} : memref<10000xi32, #tpu.memory_space<vmem>>, vector<16xi32>,
        %get3A_224 = vector.shape_cast %get3A_223 : vector<16xi32> to vector<16xi32>
        %shift_right_logical3A = arith.constant 16 : i32
        %shift_right_logical3A_225 = vector.broadcast %shift_right_logical3A : i32 to vector<16xi32>
        %shift_right_logical3A_226 = arith.shrui %get3A_224, %shift_right_logical3A_225 : vector<16xi32>
        %swap3A_227 = arith.constant 0 : index
        %swap3A_228 = tpu.vector_load %arg9[%swap3A_227] {strides = array<i32>} : memref<80xi32, #tpu.memory_space<vmem>>, vector<16xi32>,
        %swap3A_229 = vector.shape_cast %swap3A_228 : vector<16xi32> to vector<16xi32>
        %swap3A_230 = vector.shape_cast %shift_right_logical3A_226 : vector<16xi32> to vector<16xi32>
        tpu.vector_store %arg9[%swap3A_227], %swap3A_230 {strides = array<i32>} : memref<80xi32, #tpu.memory_space<vmem>>, vector<16xi32>,
        %mul3A_231 = arith.constant 80 : i32
        %mul3A_232 = arith.muli %scan3A_179, %mul3A_231 : i32
        %add3A_233 = arith.constant 16 : i32
        %add3A_234 = arith.addi %mul3A_232, %add3A_233 : i32
        %get3A_235 = arith.index_cast %add3A_234 : i32 to index
        %get3A_236 = tpu.vector_load %arg7[%get3A_235] {strides = array<i32>} : memref<10000xi32, #tpu.memory_space<vmem>>, vector<16xi32>,
        %get3A_237 = vector.shape_cast %get3A_236 : vector<16xi32> to vector<16xi32>
        %shift_right_logical3A_238 = arith.constant 16 : i32
        %shift_right_logical3A_239 = vector.broadcast %shift_right_logical3A_238 : i32 to vector<16xi32>
        %shift_right_logical3A_240 = arith.shrui %get3A_237, %shift_right_logical3A_239 : vector<16xi32>
        %swap3A_241 = arith.constant 16 : index
        %swap3A_242 = tpu.vector_load %arg9[%swap3A_241] {strides = array<i32>} : memref<80xi32, #tpu.memory_space<vmem>>, vector<16xi32>,
        %swap3A_243 = vector.shape_cast %swap3A_242 : vector<16xi32> to vector<16xi32>
        %swap3A_244 = vector.shape_cast %shift_right_logical3A_240 : vector<16xi32> to vector<16xi32>
        tpu.vector_store %arg9[%swap3A_241], %swap3A_244 {strides = array<i32>} : memref<80xi32, #tpu.memory_space<vmem>>, vector<16xi32>,
        %mul3A_245 = arith.constant 80 : i32
        %mul3A_246 = arith.muli %scan3A_179, %mul3A_245 : i32
        %add3A_247 = arith.constant 32 : i32
        %add3A_248 = arith.addi %mul3A_246, %add3A_247 : i32
        %get3A_249 = arith.index_cast %add3A_248 : i32 to index
        %get3A_250 = tpu.vector_load %arg7[%get3A_249] {strides = array<i32>} : memref<10000xi32, #tpu.memory_space<vmem>>, vector<16xi32>,
        %get3A_251 = vector.shape_cast %get3A_250 : vector<16xi32> to vector<16xi32>
        %shift_right_logical3A_252 = arith.constant 16 : i32
        %shift_right_logical3A_253 = vector.broadcast %shift_right_logical3A_252 : i32 to vector<16xi32>
        %shift_right_logical3A_254 = arith.shrui %get3A_251, %shift_right_logical3A_253 : vector<16xi32>
        %swap3A_255 = arith.constant 32 : index
        %swap3A_256 = tpu.vector_load %arg9[%swap3A_255] {strides = array<i32>} : memref<80xi32, #tpu.memory_space<vmem>>, vector<16xi32>,
        %swap3A_257 = vector.shape_cast %swap3A_256 : vector<16xi32> to vector<16xi32>
        %swap3A_258 = vector.shape_cast %shift_right_logical3A_254 : vector<16xi32> to vector<16xi32>
        tpu.vector_store %arg9[%swap3A_255], %swap3A_258 {strides = array<i32>} : memref<80xi32, #tpu.memory_space<vmem>>, vector<16xi32>,
        %mul3A_259 = arith.constant 80 : i32
        %mul3A_260 = arith.muli %scan3A_179, %mul3A_259 : i32
        %add3A_261 = arith.constant 48 : i32
        %add3A_262 = arith.addi %mul3A_260, %add3A_261 : i32
        %get3A_263 = arith.index_cast %add3A_262 : i32 to index
        %get3A_264 = tpu.vector_load %arg7[%get3A_263] {strides = array<i32>} : memref<10000xi32, #tpu.memory_space<vmem>>, vector<16xi32>,
        %get3A_265 = vector.shape_cast %get3A_264 : vector<16xi32> to vector<16xi32>
        %shift_right_logical3A_266 = arith.constant 16 : i32
        %shift_right_logical3A_267 = vector.broadcast %shift_right_logical3A_266 : i32 to vector<16xi32>
        %shift_right_logical3A_268 = arith.shrui %get3A_265, %shift_right_logical3A_267 : vector<16xi32>
        %swap3A_269 = arith.constant 48 : index
        %swap3A_270 = tpu.vector_load %arg9[%swap3A_269] {strides = array<i32>} : memref<80xi32, #tpu.memory_space<vmem>>, vector<16xi32>,
        %swap3A_271 = vector.shape_cast %swap3A_270 : vector<16xi32> to vector<16xi32>
        %swap3A_272 = vector.shape_cast %shift_right_logical3A_268 : vector<16xi32> to vector<16xi32>
        tpu.vector_store %arg9[%swap3A_269], %swap3A_272 {strides = array<i32>} : memref<80xi32, #tpu.memory_space<vmem>>, vector<16xi32>,
        %mul3A_273 = arith.constant 80 : i32
        %mul3A_274 = arith.muli %scan3A_179, %mul3A_273 : i32
        %add3A_275 = arith.constant 64 : i32
        %add3A_276 = arith.addi %mul3A_274, %add3A_275 : i32
        %get3A_277 = arith.index_cast %add3A_276 : i32 to index
        %get3A_278 = tpu.vector_load %arg7[%get3A_277] {strides = array<i32>} : memref<10000xi32, #tpu.memory_space<vmem>>, vector<16xi32>,
        %get3A_279 = vector.shape_cast %get3A_278 : vector<16xi32> to vector<16xi32>
        %shift_right_logical3A_280 = arith.constant 16 : i32
        %shift_right_logical3A_281 = vector.broadcast %shift_right_logical3A_280 : i32 to vector<16xi32>
        %shift_right_logical3A_282 = arith.shrui %get3A_279, %shift_right_logical3A_281 : vector<16xi32>
        %swap3A_283 = arith.constant 64 : index
        %swap3A_284 = tpu.vector_load %arg9[%swap3A_283] {strides = array<i32>} : memref<80xi32, #tpu.memory_space<vmem>>, vector<16xi32>,
        %swap3A_285 = vector.shape_cast %swap3A_284 : vector<16xi32> to vector<16xi32>
        %swap3A_286 = vector.shape_cast %shift_right_logical3A_282 : vector<16xi32> to vector<16xi32>
        tpu.vector_store %arg9[%swap3A_283], %swap3A_286 {strides = array<i32>} : memref<80xi32, #tpu.memory_space<vmem>>, vector<16xi32>,
        %dma_start3A_287 = arith.constant 0 : i32
        %dma_start3A_288 = arith.constant 0 : i32
        %dma_start3A_289 = tpu.memref_slice %arg12[%rem3A_181, %dma_start3A_287, %dma_start3A_288] : memref<3x80x128xf32, #tpu.memory_space<vmem>> -> memref<1x80x128xf32, #tpu.memory_space<vmem>>
        %dma_start3A_290 = tpu.memref_squeeze %dma_start3A_289 : memref<1x80x128xf32, #tpu.memory_space<vmem>> -> memref<80x128xf32, #tpu.memory_space<vmem>>
        %dma_start3A_291 = arith.constant 0 : i32
        %dma_start3A_292 = arith.constant 0 : i32
        %dma_start3A_293 = tpu.memref_slice %arg5[%dma_start3A_291, %dma_start3A_292] : memref<10000x128xf32, #tpu.memory_space<vmem_shared>> -> memref<10000x128xf32, #tpu.memory_space<vmem_shared>>
        tpu.enqueue_indirect_dma source(%dma_start3A_290 : memref<80x128xf32, #tpu.memory_space<vmem>>) target(%dma_start3A_293 : memref<10000x128xf32, #tpu.memory_space<vmem_shared>>) offsets(%arg9 : memref<80xi32, #tpu.memory_space<vmem>>) semaphore(%arg14 : memref<!tpu.dma_semaphore, #tpu.memory_space<semaphore_mem>>) {add = true}
      } else {
      }
      %rem3A_200 = arith.constant 2 : i32
      %rem3A_201 = arith.remsi %scan3A_179, %rem3A_200 : i32
      %eq3A_202 = arith.constant 1 : i32
      %eq3A_203 = arith.cmpi eq, %rem3A_201, %eq3A_202 : i32
      %convert_element_type3A_204 = arith.extui %eq3A_203 : i1 to i32
      %cond3A_205 = arith.constant 0 : i32
      %cond3A_206 = arith.cmpi ne, %convert_element_type3A_204, %cond3A_205 : i32
      scf.if %cond3A_206 {
        %mul3A_218 = arith.constant 80 : i32
        %mul3A_219 = arith.muli %scan3A_179, %mul3A_218 : i32
        %add3A_220 = arith.constant 0 : i32
        %add3A_221 = arith.addi %mul3A_219, %add3A_220 : i32
        %get3A_222 = arith.index_cast %add3A_221 : i32 to index
        %get3A_223 = tpu.vector_load %arg7[%get3A_222] {strides = array<i32>} : memref<10000xi32, #tpu.memory_space<vmem>>, vector<16xi32>,
        %get3A_224 = vector.shape_cast %get3A_223 : vector<16xi32> to vector<16xi32>
        %shift_right_logical3A = arith.constant 16 : i32
        %shift_right_logical3A_225 = vector.broadcast %shift_right_logical3A : i32 to vector<16xi32>
        %shift_right_logical3A_226 = arith.shrui %get3A_224, %shift_right_logical3A_225 : vector<16xi32>
        %swap3A_227 = arith.constant 0 : index
        %swap3A_228 = tpu.vector_load %arg10[%swap3A_227] {strides = array<i32>} : memref<80xi32, #tpu.memory_space<vmem>>, vector<16xi32>,
        %swap3A_229 = vector.shape_cast %swap3A_228 : vector<16xi32> to vector<16xi32>
        %swap3A_230 = vector.shape_cast %shift_right_logical3A_226 : vector<16xi32> to vector<16xi32>
        tpu.vector_store %arg10[%swap3A_227], %swap3A_230 {strides = array<i32>} : memref<80xi32, #tpu.memory_space<vmem>>, vector<16xi32>,
        %mul3A_231 = arith.constant 80 : i32
        %mul3A_232 = arith.muli %scan3A_179, %mul3A_231 : i32
        %add3A_233 = arith.constant 16 : i32
        %add3A_234 = arith.addi %mul3A_232, %add3A_233 : i32
        %get3A_235 = arith.index_cast %add3A_234 : i32 to index
        %get3A_236 = tpu.vector_load %arg7[%get3A_235] {strides = array<i32>} : memref<10000xi32, #tpu.memory_space<vmem>>, vector<16xi32>,
        %get3A_237 = vector.shape_cast %get3A_236 : vector<16xi32> to vector<16xi32>
        %shift_right_logical3A_238 = arith.constant 16 : i32
        %shift_right_logical3A_239 = vector.broadcast %shift_right_logical3A_238 : i32 to vector<16xi32>
        %shift_right_logical3A_240 = arith.shrui %get3A_237, %shift_right_logical3A_239 : vector<16xi32>
        %swap3A_241 = arith.constant 16 : index
        %swap3A_242 = tpu.vector_load %arg10[%swap3A_241] {strides = array<i32>} : memref<80xi32, #tpu.memory_space<vmem>>, vector<16xi32>,
        %swap3A_243 = vector.shape_cast %swap3A_242 : vector<16xi32> to vector<16xi32>
        %swap3A_244 = vector.shape_cast %shift_right_logical3A_240 : vector<16xi32> to vector<16xi32>
        tpu.vector_store %arg10[%swap3A_241], %swap3A_244 {strides = array<i32>} : memref<80xi32, #tpu.memory_space<vmem>>, vector<16xi32>,
        %mul3A_245 = arith.constant 80 : i32
        %mul3A_246 = arith.muli %scan3A_179, %mul3A_245 : i32
        %add3A_247 = arith.constant 32 : i32
        %add3A_248 = arith.addi %mul3A_246, %add3A_247 : i32
        %get3A_249 = arith.index_cast %add3A_248 : i32 to index
        %get3A_250 = tpu.vector_load %arg7[%get3A_249] {strides = array<i32>} : memref<10000xi32, #tpu.memory_space<vmem>>, vector<16xi32>,
        %get3A_251 = vector.shape_cast %get3A_250 : vector<16xi32> to vector<16xi32>
        %shift_right_logical3A_252 = arith.constant 16 : i32
        %shift_right_logical3A_253 = vector.broadcast %shift_right_logical3A_252 : i32 to vector<16xi32>
        %shift_right_logical3A_254 = arith.shrui %get3A_251, %shift_right_logical3A_253 : vector<16xi32>
        %swap3A_255 = arith.constant 32 : index
        %swap3A_256 = tpu.vector_load %arg10[%swap3A_255] {strides = array<i32>} : memref<80xi32, #tpu.memory_space<vmem>>, vector<16xi32>,
        %swap3A_257 = vector.shape_cast %swap3A_256 : vector<16xi32> to vector<16xi32>
        %swap3A_258 = vector.shape_cast %shift_right_logical3A_254 : vector<16xi32> to vector<16xi32>
        tpu.vector_store %arg10[%swap3A_255], %swap3A_258 {strides = array<i32>} : memref<80xi32, #tpu.memory_space<vmem>>, vector<16xi32>,
        %mul3A_259 = arith.constant 80 : i32
        %mul3A_260 = arith.muli %scan3A_179, %mul3A_259 : i32
        %add3A_261 = arith.constant 48 : i32
        %add3A_262 = arith.addi %mul3A_260, %add3A_261 : i32
        %get3A_263 = arith.index_cast %add3A_262 : i32 to index
        %get3A_264 = tpu.vector_load %arg7[%get3A_263] {strides = array<i32>} : memref<10000xi32, #tpu.memory_space<vmem>>, vector<16xi32>,
        %get3A_265 = vector.shape_cast %get3A_264 : vector<16xi32> to vector<16xi32>
        %shift_right_logical3A_266 = arith.constant 16 : i32
        %shift_right_logical3A_267 = vector.broadcast %shift_right_logical3A_266 : i32 to vector<16xi32>
        %shift_right_logical3A_268 = arith.shrui %get3A_265, %shift_right_logical3A_267 : vector<16xi32>
        %swap3A_269 = arith.constant 48 : index
        %swap3A_270 = tpu.vector_load %arg10[%swap3A_269] {strides = array<i32>} : memref<80xi32, #tpu.memory_space<vmem>>, vector<16xi32>,
        %swap3A_271 = vector.shape_cast %swap3A_270 : vector<16xi32> to vector<16xi32>
        %swap3A_272 = vector.shape_cast %shift_right_logical3A_268 : vector<16xi32> to vector<16xi32>
        tpu.vector_store %arg10[%swap3A_269], %swap3A_272 {strides = array<i32>} : memref<80xi32, #tpu.memory_space<vmem>>, vector<16xi32>,
        %mul3A_273 = arith.constant 80 : i32
        %mul3A_274 = arith.muli %scan3A_179, %mul3A_273 : i32
        %add3A_275 = arith.constant 64 : i32
        %add3A_276 = arith.addi %mul3A_274, %add3A_275 : i32
        %get3A_277 = arith.index_cast %add3A_276 : i32 to index
        %get3A_278 = tpu.vector_load %arg7[%get3A_277] {strides = array<i32>} : memref<10000xi32, #tpu.memory_space<vmem>>, vector<16xi32>,
        %get3A_279 = vector.shape_cast %get3A_278 : vector<16xi32> to vector<16xi32>
        %shift_right_logical3A_280 = arith.constant 16 : i32
        %shift_right_logical3A_281 = vector.broadcast %shift_right_logical3A_280 : i32 to vector<16xi32>
        %shift_right_logical3A_282 = arith.shrui %get3A_279, %shift_right_logical3A_281 : vector<16xi32>
        %swap3A_283 = arith.constant 64 : index
        %swap3A_284 = tpu.vector_load %arg10[%swap3A_283] {strides = array<i32>} : memref<80xi32, #tpu.memory_space<vmem>>, vector<16xi32>,
        %swap3A_285 = vector.shape_cast %swap3A_284 : vector<16xi32> to vector<16xi32>
        %swap3A_286 = vector.shape_cast %shift_right_logical3A_282 : vector<16xi32> to vector<16xi32>
        tpu.vector_store %arg10[%swap3A_283], %swap3A_286 {strides = array<i32>} : memref<80xi32, #tpu.memory_space<vmem>>, vector<16xi32>,
        %dma_start3A_287 = arith.constant 0 : i32
        %dma_start3A_288 = arith.constant 0 : i32
        %dma_start3A_289 = tpu.memref_slice %arg12[%rem3A_181, %dma_start3A_287, %dma_start3A_288] : memref<3x80x128xf32, #tpu.memory_space<vmem>> -> memref<1x80x128xf32, #tpu.memory_space<vmem>>
        %dma_start3A_290 = tpu.memref_squeeze %dma_start3A_289 : memref<1x80x128xf32, #tpu.memory_space<vmem>> -> memref<80x128xf32, #tpu.memory_space<vmem>>
        %dma_start3A_291 = arith.constant 0 : i32
        %dma_start3A_292 = arith.constant 0 : i32
        %dma_start3A_293 = tpu.memref_slice %arg5[%dma_start3A_291, %dma_start3A_292] : memref<10000x128xf32, #tpu.memory_space<vmem_shared>> -> memref<10000x128xf32, #tpu.memory_space<vmem_shared>>
        tpu.enqueue_indirect_dma source(%dma_start3A_290 : memref<80x128xf32, #tpu.memory_space<vmem>>) target(%dma_start3A_293 : memref<10000x128xf32, #tpu.memory_space<vmem_shared>>) offsets(%arg10 : memref<80xi32, #tpu.memory_space<vmem>>) semaphore(%arg14 : memref<!tpu.dma_semaphore, #tpu.memory_space<semaphore_mem>>) {add = true}
      } else {
      }
      %ge3A = arith.constant 1 : i32
      %ge3A_207 = arith.cmpi sge, %scan3A_179, %ge3A : i32
      %convert_element_type3A_208 = arith.extui %ge3A_207 : i1 to i32
      %cond3A_209 = arith.constant 0 : i32
      %cond3A_210 = arith.cmpi ne, %convert_element_type3A_208, %cond3A_209 : i32
      scf.if %cond3A_210 {
        %dma_wait3A_218 = arith.constant 0 : i32
        %dma_wait3A_219 = arith.constant 0 : i32
        %dma_wait3A_220 = arith.constant 0 : i32
        %dma_wait3A_221 = tpu.memref_slice %arg12[%dma_wait3A_218, %dma_wait3A_219, %dma_wait3A_220] : memref<3x80x128xf32, #tpu.memory_space<vmem>> -> memref<1x80x128xf32, #tpu.memory_space<vmem>>
        %dma_wait3A_222 = tpu.memref_squeeze %dma_wait3A_221 : memref<1x80x128xf32, #tpu.memory_space<vmem>> -> memref<80x128xf32, #tpu.memory_space<vmem>>
        %dma_wait3A_223 = arith.constant 0 : i32
        %dma_wait3A_224 = arith.constant 0 : i32
        %dma_wait3A_225 = tpu.memref_slice %arg5[%dma_wait3A_223, %dma_wait3A_224] : memref<10000x128xf32, #tpu.memory_space<vmem_shared>> -> memref<10000x128xf32, #tpu.memory_space<vmem_shared>>
        tpu.wait_indirect_dma semaphore(%arg14 : memref<!tpu.dma_semaphore, #tpu.memory_space<semaphore_mem>>) src(%dma_wait3A_222 : memref<80x128xf32, #tpu.memory_space<vmem>>) dst(%dma_wait3A_225 : memref<10000x128xf32, #tpu.memory_space<vmem_shared>>)
      } else {
      }
      %add3A_211 = arith.constant 2 : i32
      %add3A_212 = arith.addi %scan3A_179, %add3A_211 : i32
      %lt3A = arith.constant 125 : i32
      %lt3A_213 = arith.cmpi slt, %add3A_212, %lt3A : i32
      %convert_element_type3A_214 = arith.extui %lt3A_213 : i1 to i32
      %cond3A_215 = arith.constant 0 : i32
      %cond3A_216 = arith.cmpi ne, %convert_element_type3A_214, %cond3A_215 : i32
      scf.if %cond3A_216 {
        %rem3A_218 = arith.constant 2 : i32
        %rem3A_219 = arith.remsi %scan3A_179, %rem3A_218 : i32
        %add3A_220 = arith.constant 2 : i32
        %add3A_221 = arith.addi %scan3A_179, %add3A_220 : i32
        %mul3A_222 = arith.constant 80 : i32
        %mul3A_223 = arith.muli %add3A_221, %mul3A_222 : i32
        %add3A_224 = arith.constant 0 : i32
        %add3A_225 = arith.addi %mul3A_223, %add3A_224 : i32
        %get3A_226 = arith.index_cast %add3A_225 : i32 to index
        %get3A_227 = tpu.vector_load %arg7[%get3A_226] {strides = array<i32>} : memref<10000xi32, #tpu.memory_space<vmem>>, vector<16xi32>,
        %get3A_228 = vector.shape_cast %get3A_227 : vector<16xi32> to vector<16xi32>
        %and3A_229 = arith.constant 65535 : i32
        %and3A_230 = vector.broadcast %and3A_229 : i32 to vector<16xi32>
        %and3A_231 = arith.andi %get3A_228, %and3A_230 : vector<16xi32>
        %swap3A_232 = arith.index_cast %rem3A_219 : i32 to index
        %swap3A_233 = arith.constant 0 : index
        %swap3A_234 = tpu.vector_load %arg8[%swap3A_232, %swap3A_233] {strides = array<i32>} : memref<2x80xi32, #tpu.memory_space<vmem>>, vector<1x16xi32>,
        %swap3A_235 = vector.shape_cast %swap3A_234 : vector<1x16xi32> to vector<16xi32>
        %swap3A_236 = vector.shape_cast %and3A_231 : vector<16xi32> to vector<1x16xi32>
        tpu.vector_store %arg8[%swap3A_232, %swap3A_233], %swap3A_236 {strides = array<i32>} : memref<2x80xi32, #tpu.memory_space<vmem>>, vector<1x16xi32>,
        %mul3A_237 = arith.constant 80 : i32
        %mul3A_238 = arith.muli %add3A_221, %mul3A_237 : i32
        %add3A_239 = arith.constant 16 : i32
        %add3A_240 = arith.addi %mul3A_238, %add3A_239 : i32
        %get3A_241 = arith.index_cast %add3A_240 : i32 to index
        %get3A_242 = tpu.vector_load %arg7[%get3A_241] {strides = array<i32>} : memref<10000xi32, #tpu.memory_space<vmem>>, vector<16xi32>,
        %get3A_243 = vector.shape_cast %get3A_242 : vector<16xi32> to vector<16xi32>
        %and3A_244 = arith.constant 65535 : i32
        %and3A_245 = vector.broadcast %and3A_244 : i32 to vector<16xi32>
        %and3A_246 = arith.andi %get3A_243, %and3A_245 : vector<16xi32>
        %swap3A_247 = arith.index_cast %rem3A_219 : i32 to index
        %swap3A_248 = arith.constant 16 : index
        %swap3A_249 = tpu.vector_load %arg8[%swap3A_247, %swap3A_248] {strides = array<i32>} : memref<2x80xi32, #tpu.memory_space<vmem>>, vector<1x16xi32>,
        %swap3A_250 = vector.shape_cast %swap3A_249 : vector<1x16xi32> to vector<16xi32>
        %swap3A_251 = vector.shape_cast %and3A_246 : vector<16xi32> to vector<1x16xi32>
        tpu.vector_store %arg8[%swap3A_247, %swap3A_248], %swap3A_251 {strides = array<i32>} : memref<2x80xi32, #tpu.memory_space<vmem>>, vector<1x16xi32>,
        %mul3A_252 = arith.constant 80 : i32
        %mul3A_253 = arith.muli %add3A_221, %mul3A_252 : i32
        %add3A_254 = arith.constant 32 : i32
        %add3A_255 = arith.addi %mul3A_253, %add3A_254 : i32
        %get3A_256 = arith.index_cast %add3A_255 : i32 to index
        %get3A_257 = tpu.vector_load %arg7[%get3A_256] {strides = array<i32>} : memref<10000xi32, #tpu.memory_space<vmem>>, vector<16xi32>,
        %get3A_258 = vector.shape_cast %get3A_257 : vector<16xi32> to vector<16xi32>
        %and3A_259 = arith.constant 65535 : i32
        %and3A_260 = vector.broadcast %and3A_259 : i32 to vector<16xi32>
        %and3A_261 = arith.andi %get3A_258, %and3A_260 : vector<16xi32>
        %swap3A_262 = arith.index_cast %rem3A_219 : i32 to index
        %swap3A_263 = arith.constant 32 : index
        %swap3A_264 = tpu.vector_load %arg8[%swap3A_262, %swap3A_263] {strides = array<i32>} : memref<2x80xi32, #tpu.memory_space<vmem>>, vector<1x16xi32>,
        %swap3A_265 = vector.shape_cast %swap3A_264 : vector<1x16xi32> to vector<16xi32>
        %swap3A_266 = vector.shape_cast %and3A_261 : vector<16xi32> to vector<1x16xi32>
        tpu.vector_store %arg8[%swap3A_262, %swap3A_263], %swap3A_266 {strides = array<i32>} : memref<2x80xi32, #tpu.memory_space<vmem>>, vector<1x16xi32>,
        %mul3A_267 = arith.constant 80 : i32
        %mul3A_268 = arith.muli %add3A_221, %mul3A_267 : i32
        %add3A_269 = arith.constant 48 : i32
        %add3A_270 = arith.addi %mul3A_268, %add3A_269 : i32
        %get3A_271 = arith.index_cast %add3A_270 : i32 to index
        %get3A_272 = tpu.vector_load %arg7[%get3A_271] {strides = array<i32>} : memref<10000xi32, #tpu.memory_space<vmem>>, vector<16xi32>,
        %get3A_273 = vector.shape_cast %get3A_272 : vector<16xi32> to vector<16xi32>
        %and3A_274 = arith.constant 65535 : i32
        %and3A_275 = vector.broadcast %and3A_274 : i32 to vector<16xi32>
        %and3A_276 = arith.andi %get3A_273, %and3A_275 : vector<16xi32>
        %swap3A_277 = arith.index_cast %rem3A_219 : i32 to index
        %swap3A_278 = arith.constant 48 : index
        %swap3A_279 = tpu.vector_load %arg8[%swap3A_277, %swap3A_278] {strides = array<i32>} : memref<2x80xi32, #tpu.memory_space<vmem>>, vector<1x16xi32>,
        %swap3A_280 = vector.shape_cast %swap3A_279 : vector<1x16xi32> to vector<16xi32>
        %swap3A_281 = vector.shape_cast %and3A_276 : vector<16xi32> to vector<1x16xi32>
        tpu.vector_store %arg8[%swap3A_277, %swap3A_278], %swap3A_281 {strides = array<i32>} : memref<2x80xi32, #tpu.memory_space<vmem>>, vector<1x16xi32>,
        %mul3A_282 = arith.constant 80 : i32
        %mul3A_283 = arith.muli %add3A_221, %mul3A_282 : i32
        %add3A_284 = arith.constant 64 : i32
        %add3A_285 = arith.addi %mul3A_283, %add3A_284 : i32
        %get3A_286 = arith.index_cast %add3A_285 : i32 to index
        %get3A_287 = tpu.vector_load %arg7[%get3A_286] {strides = array<i32>} : memref<10000xi32, #tpu.memory_space<vmem>>, vector<16xi32>,
        %get3A_288 = vector.shape_cast %get3A_287 : vector<16xi32> to vector<16xi32>
        %and3A_289 = arith.constant 65535 : i32
        %and3A_290 = vector.broadcast %and3A_289 : i32 to vector<16xi32>
        %and3A_291 = arith.andi %get3A_288, %and3A_290 : vector<16xi32>
        %swap3A_292 = arith.index_cast %rem3A_219 : i32 to index
        %swap3A_293 = arith.constant 64 : index
        %swap3A_294 = tpu.vector_load %arg8[%swap3A_292, %swap3A_293] {strides = array<i32>} : memref<2x80xi32, #tpu.memory_space<vmem>>, vector<1x16xi32>,
        %swap3A_295 = vector.shape_cast %swap3A_294 : vector<1x16xi32> to vector<16xi32>
        %swap3A_296 = vector.shape_cast %and3A_291 : vector<16xi32> to vector<1x16xi32>
        tpu.vector_store %arg8[%swap3A_292, %swap3A_293], %swap3A_296 {strides = array<i32>} : memref<2x80xi32, #tpu.memory_space<vmem>>, vector<1x16xi32>,
        %add3A_297 = arith.constant 2 : i32
        %add3A_298 = arith.addi %scan3A_179, %add3A_297 : i32
        %rem3A_299 = arith.constant 3 : i32
        %rem3A_300 = arith.remsi %add3A_298, %rem3A_299 : i32
        %dma_start3A_301 = arith.constant 0 : i32
        %dma_start3A_302 = arith.constant 0 : i32
        %dma_start3A_303 = tpu.memref_slice %arg12[%rem3A_300, %dma_start3A_301, %dma_start3A_302] : memref<3x80x128xf32, #tpu.memory_space<vmem>> -> memref<1x80x128xf32, #tpu.memory_space<vmem>>
        %dma_start3A_304 = tpu.memref_squeeze %dma_start3A_303 : memref<1x80x128xf32, #tpu.memory_space<vmem>> -> memref<80x128xf32, #tpu.memory_space<vmem>>
        %dma_start3A_305 = arith.constant 0 : i32
        %dma_start3A_306 = tpu.memref_slice %arg8[%rem3A_219, %dma_start3A_305] : memref<2x80xi32, #tpu.memory_space<vmem>> -> memref<1x80xi32, #tpu.memory_space<vmem>>
        %dma_start3A_307 = tpu.memref_squeeze %dma_start3A_306 : memref<1x80xi32, #tpu.memory_space<vmem>> -> memref<80xi32, #tpu.memory_space<vmem>>
        %dma_start3A_308 = arith.constant 0 : i32
        %dma_start3A_309 = arith.constant 0 : i32
        %dma_start3A_310 = tpu.memref_slice %arg2[%dma_start3A_308, %dma_start3A_309] : memref<10000x128xf32, #tpu.memory_space<hbm>> -> memref<10000x128xf32, #tpu.memory_space<hbm>>
        tpu.enqueue_indirect_dma source(%dma_start3A_310 : memref<10000x128xf32, #tpu.memory_space<hbm>>) target(%dma_start3A_304 : memref<80x128xf32, #tpu.memory_space<vmem>>) offsets(%dma_start3A_307 : memref<80xi32, #tpu.memory_space<vmem>>) semaphore(%arg13 : memref<!tpu.dma_semaphore, #tpu.memory_space<semaphore_mem>>)
      } else {
      }
      %scan3A_217 = arith.constant 0 : i32
      scf.yield %scan3A_217 : i32
    }
    %scan3A_165 = arith.constant 125 : i32
    %dma_wait3A = arith.constant 0 : i32
    %dma_wait3A_166 = arith.constant 0 : i32
    %dma_wait3A_167 = arith.constant 0 : i32
    %dma_wait3A_168 = tpu.memref_slice %arg12[%dma_wait3A, %dma_wait3A_166, %dma_wait3A_167] : memref<3x80x128xf32, #tpu.memory_space<vmem>> -> memref<1x80x128xf32, #tpu.memory_space<vmem>>
    %dma_wait3A_169 = tpu.memref_squeeze %dma_wait3A_168 : memref<1x80x128xf32, #tpu.memory_space<vmem>> -> memref<80x128xf32, #tpu.memory_space<vmem>>
    %dma_wait3A_170 = arith.constant 0 : i32
    %dma_wait3A_171 = arith.constant 0 : i32
    %dma_wait3A_172 = tpu.memref_slice %arg5[%dma_wait3A_170, %dma_wait3A_171] : memref<10000x128xf32, #tpu.memory_space<vmem_shared>> -> memref<10000x128xf32, #tpu.memory_space<vmem_shared>>
    tpu.wait_indirect_dma semaphore(%arg14 : memref<!tpu.dma_semaphore, #tpu.memory_space<semaphore_mem>>) src(%dma_wait3A_169 : memref<80x128xf32, #tpu.memory_space<vmem>>) dst(%dma_wait3A_172 : memref<10000x128xf32, #tpu.memory_space<vmem_shared>>)
    %barrier3A_173 = arith.constant 0 : index
    tpu.barrier barrier_id(%barrier3A_173)
    "tpu.region"() ({
      %run_scoped3A_179 = tpu.sem_alloc : memref<!tpu.dma_semaphore, #tpu.memory_space<semaphore_mem>>
      %dma_start3A_180 = arith.constant 0 : i32
      %dma_start3A_181 = tpu.memref_slice %arg4[%arg0, %mul3A_2, %dma_start3A_180] : memref<2x10000x128xf32, #tpu.memory_space<hbm>> -> memref<1x624x128xf32, #tpu.memory_space<hbm>>
      %dma_start3A_182 = tpu.memref_squeeze %dma_start3A_181 : memref<1x624x128xf32, #tpu.memory_space<hbm>> -> memref<624x128xf32, #tpu.memory_space<hbm>>
      %dma_start3A_183 = arith.constant 0 : i32
      %dma_start3A_184 = tpu.memref_slice %arg5[%mul3A_2, %dma_start3A_183] : memref<10000x128xf32, #tpu.memory_space<vmem_shared>> -> memref<624x128xf32, #tpu.memory_space<vmem_shared>>
      tpu.enqueue_dma source(%dma_start3A_184 : memref<624x128xf32, #tpu.memory_space<vmem_shared>>) target(%dma_start3A_182 : memref<624x128xf32, #tpu.memory_space<hbm>>) target_semaphore(%run_scoped3A_179 : memref<!tpu.dma_semaphore, #tpu.memory_space<semaphore_mem>>)
      %dma_wait3A_185 = arith.constant 0 : i32
      %dma_wait3A_186 = tpu.memref_slice %arg4[%arg0, %mul3A_2, %dma_wait3A_185] : memref<2x10000x128xf32, #tpu.memory_space<hbm>> -> memref<1x624x128xf32, #tpu.memory_space<hbm>>
      %dma_wait3A_187 = tpu.memref_squeeze %dma_wait3A_186 : memref<1x624x128xf32, #tpu.memory_space<hbm>> -> memref<624x128xf32, #tpu.memory_space<hbm>>
      %dma_wait3A_188 = arith.constant 0 : i32
      %dma_wait3A_189 = tpu.memref_slice %arg5[%mul3A_2, %dma_wait3A_188] : memref<10000x128xf32, #tpu.memory_space<vmem_shared>> -> memref<624x128xf32, #tpu.memory_space<vmem_shared>>
      tpu.wait_dma2 semaphore(%run_scoped3A_179 : memref<!tpu.dma_semaphore, #tpu.memory_space<semaphore_mem>>) src(%dma_wait3A_189 : memref<624x128xf32, #tpu.memory_space<vmem_shared>>) dst(%dma_wait3A_187 : memref<624x128xf32, #tpu.memory_space<hbm>>)
      tpu.yield
    }) : () -> ()
    %eq3A_174 = arith.constant 15 : i32
    %eq3A_175 = arith.cmpi eq, %arg1, %eq3A_174 : i32
    %convert_element_type3A_176 = arith.extui %eq3A_175 : i1 to i32
    %cond3A_177 = arith.constant 0 : i32
    %cond3A_178 = arith.cmpi ne, %convert_element_type3A_176, %cond3A_177 : i32
    scf.if %cond3A_178 {
      "tpu.region"() ({
        %run_scoped3A_179 = tpu.sem_alloc : memref<!tpu.dma_semaphore, #tpu.memory_space<semaphore_mem>>
        %dma_start3A_180 = arith.constant 9984 : i32
        %dma_start3A_181 = arith.constant 0 : i32
        %dma_start3A_182 = tpu.memref_slice %arg4[%arg0, %dma_start3A_180, %dma_start3A_181] : memref<2x10000x128xf32, #tpu.memory_space<hbm>> -> memref<1x16x128xf32, #tpu.memory_space<hbm>>
        %dma_start3A_183 = tpu.memref_squeeze %dma_start3A_182 : memref<1x16x128xf32, #tpu.memory_space<hbm>> -> memref<16x128xf32, #tpu.memory_space<hbm>>
        %dma_start3A_184 = arith.constant 9984 : i32
        %dma_start3A_185 = arith.constant 0 : i32
        %dma_start3A_186 = tpu.memref_slice %arg5[%dma_start3A_184, %dma_start3A_185] : memref<10000x128xf32, #tpu.memory_space<vmem_shared>> -> memref<16x128xf32, #tpu.memory_space<vmem_shared>>
        tpu.enqueue_dma source(%dma_start3A_186 : memref<16x128xf32, #tpu.memory_space<vmem_shared>>) target(%dma_start3A_183 : memref<16x128xf32, #tpu.memory_space<hbm>>) target_semaphore(%run_scoped3A_179 : memref<!tpu.dma_semaphore, #tpu.memory_space<semaphore_mem>>)
        %dma_wait3A_187 = arith.constant 9984 : i32
        %dma_wait3A_188 = arith.constant 0 : i32
        %dma_wait3A_189 = tpu.memref_slice %arg4[%arg0, %dma_wait3A_187, %dma_wait3A_188] : memref<2x10000x128xf32, #tpu.memory_space<hbm>> -> memref<1x16x128xf32, #tpu.memory_space<hbm>>
        %dma_wait3A_190 = tpu.memref_squeeze %dma_wait3A_189 : memref<1x16x128xf32, #tpu.memory_space<hbm>> -> memref<16x128xf32, #tpu.memory_space<hbm>>
        %dma_wait3A_191 = arith.constant 9984 : i32
        %dma_wait3A_192 = arith.constant 0 : i32
        %dma_wait3A_193 = tpu.memref_slice %arg5[%dma_wait3A_191, %dma_wait3A_192] : memref<10000x128xf32, #tpu.memory_space<vmem_shared>> -> memref<16x128xf32, #tpu.memory_space<vmem_shared>>
        tpu.wait_dma2 semaphore(%run_scoped3A_179 : memref<!tpu.dma_semaphore, #tpu.memory_space<semaphore_mem>>) src(%dma_wait3A_193 : memref<16x128xf32, #tpu.memory_space<vmem_shared>>) dst(%dma_wait3A_190 : memref<16x128xf32, #tpu.memory_space<hbm>>)
        tpu.yield
      }) : () -> ()
    } else {
    }
    return
  }
}

module attributes {stable_mosaic.version = 14 : i64} {
  func.func @_tc0_body(%arg0: i32, %arg1: i32, %arg2: memref<2x2000x128xf32, #tpu.memory_space<vmem>>, %arg3: memref<2x2000x128xf32, #tpu.memory_space<vmem>>, %arg4: memref<2000x128xf32, #tpu.memory_space<vmem>>, %arg5: memref<128x128xf32, #tpu.memory_space<vmem>>, %arg6: memref<1x128xf32, #tpu.memory_space<vmem>>, %arg7: memref<128x128xf32, #tpu.memory_space<vmem>>, %arg8: memref<1x128xf32, #tpu.memory_space<vmem>>, %arg9: memref<1x128xf32, #tpu.memory_space<vmem>>, %arg10: memref<2000x128xf32, #tpu.memory_space<vmem>>, %arg11: memref<2000x1xf32, #tpu.memory_space<vmem>>, %arg12: memref<10000x128xf32, #tpu.memory_space<vmem>>, %arg13: memref<2x128xf32, #tpu.memory_space<vmem>>) attributes {dimension_semantics = [#tpu.dimension_semantics<arbitrary>, #tpu.dimension_semantics<arbitrary>], iteration_bounds = array<i64: 2, 5>, scalar_prefetch = 0 : i64, scratch_operands = 2 : i64, tpu.core_type = #tpu.core_type<tc>, window_params = [{transform_indices = @transform_0, window_bounds = array<i64: 2, 2000, 128>}, {transform_indices = @transform_1, window_bounds = array<i64: 2, 2000, 128>}, {transform_indices = @transform_2, window_bounds = array<i64: 2000, 128>}, {pipeline_mode = #tpu.pipeline_mode<synchronous>, transform_indices = @transform_3, window_bounds = array<i64: 128, 128>}, {pipeline_mode = #tpu.pipeline_mode<synchronous>, transform_indices = @transform_4, window_bounds = array<i64: 1, 128>}, {pipeline_mode = #tpu.pipeline_mode<synchronous>, transform_indices = @transform_5, window_bounds = array<i64: 128, 128>}, {pipeline_mode = #tpu.pipeline_mode<synchronous>, transform_indices = @transform_6, window_bounds = array<i64: 1, 128>}, {pipeline_mode = #tpu.pipeline_mode<synchronous>, transform_indices = @transform_7, window_bounds = array<i64: 1, 128>}, {transform_indices = @transform_8, window_bounds = array<i64: 2000, 128>}, {transform_indices = @transform_9, window_bounds = array<i64: 2000, 1>}]} {
    %eq3A = arith.constant 0 : i32
    %eq3A_0 = arith.cmpi eq, %arg0, %eq3A : i32
    %convert_element_type3A = arith.extui %eq3A_0 : i1 to i32
    %cond3A = arith.constant 0 : i32
    %cond3A_1 = arith.cmpi ne, %convert_element_type3A, %cond3A : i32
    scf.if %cond3A_1 {
      %get3A = arith.constant 0 : index
      %get3A_7 = arith.constant 0 : index
      %get3A_8 = arith.constant 0 : index
      %get3A_9 = vector.load %arg2[%get3A, %get3A_7, %get3A_8] : memref<2x2000x128xf32, #tpu.memory_space<vmem>>, vector<1x2000x128xf32>
      %get3A_10 = vector.shape_cast %get3A_9 : vector<1x2000x128xf32> to vector<2000x128xf32>
      %get3A_11 = arith.constant 1 : index
      %get3A_12 = arith.constant 0 : index
      %get3A_13 = arith.constant 0 : index
      %get3A_14 = vector.load %arg2[%get3A_11, %get3A_12, %get3A_13] : memref<2x2000x128xf32, #tpu.memory_space<vmem>>, vector<1x2000x128xf32>
      %get3A_15 = vector.shape_cast %get3A_14 : vector<1x2000x128xf32> to vector<2000x128xf32>
      %add3A = arith.addf %get3A_10, %get3A_15 : vector<2000x128xf32>
      %get3A_16 = arith.constant 0 : index
      %get3A_17 = arith.constant 0 : index
      %get3A_18 = arith.constant 0 : index
      %get3A_19 = vector.load %arg3[%get3A_16, %get3A_17, %get3A_18] : memref<2x2000x128xf32, #tpu.memory_space<vmem>>, vector<1x2000x1xf32>
      %get3A_20 = vector.shape_cast %get3A_19 : vector<1x2000x1xf32> to vector<2000x1xf32>
      %get3A_21 = arith.constant 1 : index
      %get3A_22 = arith.constant 0 : index
      %get3A_23 = arith.constant 0 : index
      %get3A_24 = vector.load %arg3[%get3A_21, %get3A_22, %get3A_23] : memref<2x2000x128xf32, #tpu.memory_space<vmem>>, vector<1x2000x1xf32>
      %get3A_25 = vector.shape_cast %get3A_24 : vector<1x2000x1xf32> to vector<2000x1xf32>
      %add3A_26 = arith.addf %get3A_20, %get3A_25 : vector<2000x1xf32>
      %max3A = arith.constant 1.000000e+00 : f32
      %max3A_27 = vector.broadcast %max3A : f32 to vector<2000x1xf32>
      %max3A_28 = arith.maximumf %add3A_26, %max3A_27 : vector<2000x1xf32>
      %div3A = arith.constant 1.000000e+00 : f32
      %div3A_29 = vector.broadcast %div3A : f32 to vector<2000x1xf32>
      %div3A_30 = arith.divf %div3A_29, %max3A_28 : vector<2000x1xf32>
      %swap3A = arith.constant 0 : index
      %swap3A_31 = arith.constant 0 : index
      %swap3A_32 = vector.load %arg11[%swap3A, %swap3A_31] : memref<2000x1xf32, #tpu.memory_space<vmem>>, vector<2000x1xf32>
      tpu.vector_store %arg11[%swap3A, %swap3A_31], %div3A_30 {strides = array<i32>} : memref<2000x1xf32, #tpu.memory_space<vmem>>, vector<2000x1xf32>,
      %mul3A = vector.broadcast %div3A_30 : vector<2000x1xf32> to vector<2000x128xf32>
      %mul3A_33 = arith.mulf %add3A, %mul3A : vector<2000x128xf32>
      %get3A_34 = arith.constant 0 : index
      %get3A_35 = arith.constant 0 : index
      %get3A_36 = vector.load %arg5[%get3A_34, %get3A_35] : memref<128x128xf32, #tpu.memory_space<vmem>>, vector<128x128xf32>
      %dot_general3A = arith.constant dense<0.000000e+00> : vector<2000x128xf32>
      %dot_general3A_37 = tpu.matmul %mul3A_33, %get3A_36, %dot_general3A {dimension_numbers = #tpu.dot_dimension_numbers<[1], [0], [0], [1], [0, 0, 1, 1], [], []>, transpose_lhs_hint = false} : vector<2000x128xf32>, vector<128x128xf32>, vector<2000x128xf32> -> vector<2000x128xf32>
      %get3A_38 = arith.constant 0 : index
      %get3A_39 = arith.constant 0 : index
      %get3A_40 = vector.load %arg6[%get3A_38, %get3A_39] : memref<1x128xf32, #tpu.memory_space<vmem>>, vector<1x128xf32>
      %add3A_41 = vector.broadcast %get3A_40 : vector<1x128xf32> to vector<2000x128xf32>
      %add3A_42 = arith.addf %dot_general3A_37, %add3A_41 : vector<2000x128xf32>
      %get3A_43 = arith.constant 0 : index
      %get3A_44 = arith.constant 0 : index
      %get3A_45 = vector.load %arg4[%get3A_43, %get3A_44] : memref<2000x128xf32, #tpu.memory_space<vmem>>, vector<2000x128xf32>
      %get3A_46 = arith.constant 0 : index
      %get3A_47 = arith.constant 0 : index
      %get3A_48 = vector.load %arg7[%get3A_46, %get3A_47] : memref<128x128xf32, #tpu.memory_space<vmem>>, vector<128x128xf32>
      %dot_general3A_49 = arith.constant dense<0.000000e+00> : vector<2000x128xf32>
      %dot_general3A_50 = tpu.matmul %get3A_45, %get3A_48, %dot_general3A_49 {dimension_numbers = #tpu.dot_dimension_numbers<[1], [0], [0], [1], [0, 0, 1, 1], [], []>, transpose_lhs_hint = false} : vector<2000x128xf32>, vector<128x128xf32>, vector<2000x128xf32> -> vector<2000x128xf32>
      %add3A_51 = arith.addf %add3A_42, %dot_general3A_50 : vector<2000x128xf32>
      %mul3A_52 = arith.constant 2000 : i32
      %mul3A_53 = arith.muli %arg1, %mul3A_52 : i32
      %swap3A_54 = arith.index_cast %mul3A_53 : i32 to index
      %swap3A_55 = arith.constant 0 : index
      %swap3A_56 = vector.load %arg12[%swap3A_54, %swap3A_55] : memref<10000x128xf32, #tpu.memory_space<vmem>>, vector<2000x128xf32>
      tpu.vector_store %arg12[%swap3A_54, %swap3A_55], %add3A_51 {strides = array<i32>} : memref<10000x128xf32, #tpu.memory_space<vmem>>, vector<2000x128xf32>,
      %eq3A_57 = arith.constant 0 : i32
      %eq3A_58 = arith.cmpi eq, %arg1, %eq3A_57 : i32
      %convert_element_type3A_59 = arith.extui %eq3A_58 : i1 to i32
      %cond3A_60 = arith.constant 0 : i32
      %cond3A_61 = arith.cmpi ne, %convert_element_type3A_59, %cond3A_60 : i32
      scf.if %cond3A_61 {
        %broadcast_in_dim3A_81 = arith.constant 0.000000e+00 : f32
        %broadcast_in_dim3A_82 = vector.broadcast %broadcast_in_dim3A_81 : f32 to vector<2x128xf32>
        %swap3A_83 = arith.constant 0 : index
        %swap3A_84 = arith.constant 0 : index
        %swap3A_85 = vector.load %arg13[%swap3A_83, %swap3A_84] : memref<2x128xf32, #tpu.memory_space<vmem>>, vector<2x128xf32>
        tpu.vector_store %arg13[%swap3A_83, %swap3A_84], %broadcast_in_dim3A_82 {strides = array<i32>} : memref<2x128xf32, #tpu.memory_space<vmem>>, vector<2x128xf32>,
      } else {
      }
      %get3A_62 = arith.constant 0 : index
      %get3A_63 = arith.constant 0 : index
      %get3A_64 = vector.load %arg13[%get3A_62, %get3A_63] : memref<2x128xf32, #tpu.memory_space<vmem>>, vector<1x128xf32>
      %reduce_sum3A = arith.constant dense<0.000000e+00> : vector<128xf32>
      %reduce_sum3A_65 = vector.multi_reduction <add>, %add3A_51, %reduce_sum3A [0] : vector<2000x128xf32> to vector<128xf32>
      %broadcast_in_dim3A = vector.shape_cast %reduce_sum3A_65 : vector<128xf32> to vector<1x128xf32>
      %add3A_66 = arith.addf %get3A_64, %broadcast_in_dim3A : vector<1x128xf32>
      %swap3A_67 = arith.constant 0 : index
      %swap3A_68 = arith.constant 0 : index
      %swap3A_69 = vector.load %arg13[%swap3A_67, %swap3A_68] : memref<2x128xf32, #tpu.memory_space<vmem>>, vector<1x128xf32>
      tpu.vector_store %arg13[%swap3A_67, %swap3A_68], %add3A_66 {strides = array<i32>} : memref<2x128xf32, #tpu.memory_space<vmem>>, vector<1x128xf32>,
      %get3A_70 = arith.constant 1 : index
      %get3A_71 = arith.constant 0 : index
      %get3A_72 = vector.load %arg13[%get3A_70, %get3A_71] : memref<2x128xf32, #tpu.memory_space<vmem>>, vector<1x128xf32>
      %mul3A_73 = arith.mulf %add3A_51, %add3A_51 : vector<2000x128xf32>
      %reduce_sum3A_74 = arith.constant dense<0.000000e+00> : vector<128xf32>
      %reduce_sum3A_75 = vector.multi_reduction <add>, %mul3A_73, %reduce_sum3A_74 [0] : vector<2000x128xf32> to vector<128xf32>
      %broadcast_in_dim3A_76 = vector.shape_cast %reduce_sum3A_75 : vector<128xf32> to vector<1x128xf32>
      %add3A_77 = arith.addf %get3A_72, %broadcast_in_dim3A_76 : vector<1x128xf32>
      %swap3A_78 = arith.constant 1 : index
      %swap3A_79 = arith.constant 0 : index
      %swap3A_80 = vector.load %arg13[%swap3A_78, %swap3A_79] : memref<2x128xf32, #tpu.memory_space<vmem>>, vector<1x128xf32>
      tpu.vector_store %arg13[%swap3A_78, %swap3A_79], %add3A_77 {strides = array<i32>} : memref<2x128xf32, #tpu.memory_space<vmem>>, vector<1x128xf32>,
    } else {
    }
    %eq3A_2 = arith.constant 1 : i32
    %eq3A_3 = arith.cmpi eq, %arg0, %eq3A_2 : i32
    %convert_element_type3A_4 = arith.extui %eq3A_3 : i1 to i32
    %cond3A_5 = arith.constant 0 : i32
    %cond3A_6 = arith.cmpi ne, %convert_element_type3A_4, %cond3A_5 : i32
    scf.if %cond3A_6 {
      %get3A = arith.constant 0 : index
      %get3A_7 = arith.constant 0 : index
      %get3A_8 = vector.load %arg13[%get3A, %get3A_7] : memref<2x128xf32, #tpu.memory_space<vmem>>, vector<1x128xf32>
      %mul3A = arith.constant 9.99999974E-5 : f32
      %mul3A_9 = vector.broadcast %mul3A : f32 to vector<1x128xf32>
      %mul3A_10 = arith.mulf %get3A_8, %mul3A_9 : vector<1x128xf32>
      %get3A_11 = arith.constant 1 : index
      %get3A_12 = arith.constant 0 : index
      %get3A_13 = vector.load %arg13[%get3A_11, %get3A_12] : memref<2x128xf32, #tpu.memory_space<vmem>>, vector<1x128xf32>
      %mul3A_14 = arith.constant 9.99999974E-5 : f32
      %mul3A_15 = vector.broadcast %mul3A_14 : f32 to vector<1x128xf32>
      %mul3A_16 = arith.mulf %get3A_13, %mul3A_15 : vector<1x128xf32>
      %mul3A_17 = arith.mulf %mul3A_10, %mul3A_10 : vector<1x128xf32>
      %sub3A = arith.subf %mul3A_16, %mul3A_17 : vector<1x128xf32>
      %mul3A_18 = arith.constant 2000 : i32
      %mul3A_19 = arith.muli %arg1, %mul3A_18 : i32
      %get3A_20 = arith.index_cast %mul3A_19 : i32 to index
      %get3A_21 = arith.constant 0 : index
      %get3A_22 = vector.load %arg12[%get3A_20, %get3A_21] : memref<10000x128xf32, #tpu.memory_space<vmem>>, vector<2000x128xf32>
      %sub3A_23 = vector.broadcast %mul3A_10 : vector<1x128xf32> to vector<2000x128xf32>
      %sub3A_24 = arith.subf %get3A_22, %sub3A_23 : vector<2000x128xf32>
      %add3A = arith.constant 9.99999974E-6 : f32
      %add3A_25 = vector.broadcast %add3A : f32 to vector<1x128xf32>
      %add3A_26 = arith.addf %sub3A, %add3A_25 : vector<1x128xf32>
      %rsqrt3A = math.rsqrt %add3A_26 : vector<1x128xf32>
      %mul3A_27 = vector.broadcast %rsqrt3A : vector<1x128xf32> to vector<2000x128xf32>
      %mul3A_28 = arith.mulf %sub3A_24, %mul3A_27 : vector<2000x128xf32>
      %get3A_29 = arith.constant 0 : index
      %get3A_30 = arith.constant 0 : index
      %get3A_31 = vector.load %arg8[%get3A_29, %get3A_30] : memref<1x128xf32, #tpu.memory_space<vmem>>, vector<1x128xf32>
      %mul3A_32 = vector.broadcast %get3A_31 : vector<1x128xf32> to vector<2000x128xf32>
      %mul3A_33 = arith.mulf %mul3A_28, %mul3A_32 : vector<2000x128xf32>
      %get3A_34 = arith.constant 0 : index
      %get3A_35 = arith.constant 0 : index
      %get3A_36 = vector.load %arg9[%get3A_34, %get3A_35] : memref<1x128xf32, #tpu.memory_space<vmem>>, vector<1x128xf32>
      %add3A_37 = vector.broadcast %get3A_36 : vector<1x128xf32> to vector<2000x128xf32>
      %add3A_38 = arith.addf %mul3A_33, %add3A_37 : vector<2000x128xf32>
      %max3A = arith.constant 0.000000e+00 : f32
      %max3A_39 = vector.broadcast %max3A : f32 to vector<2000x128xf32>
      %max3A_40 = arith.maximumf %add3A_38, %max3A_39 : vector<2000x128xf32>
      %swap3A = arith.constant 0 : index
      %swap3A_41 = arith.constant 0 : index
      %swap3A_42 = vector.load %arg10[%swap3A, %swap3A_41] : memref<2000x128xf32, #tpu.memory_space<vmem>>, vector<2000x128xf32>
      tpu.vector_store %arg10[%swap3A, %swap3A_41], %max3A_40 {strides = array<i32>} : memref<2000x128xf32, #tpu.memory_space<vmem>>, vector<2000x128xf32>,
    } else {
    }
    return
  }
  func.func @transform_0(%arg0: i32, %arg1: i32) -> (i32, i32, i32) {
    %eq3A = arith.constant 0 : i32
    %eq3A_0 = arith.cmpi eq, %arg0, %eq3A : i32
    %jit3A = arith.constant 4 : i32
    %select_n3A = arith.select %eq3A_0, %arg1, %jit3A : i32
    %c0_i32 = arith.constant 0 : i32
    %c0_i32_1 = arith.constant 0 : i32
    %c0_i32_2 = arith.constant 0 : i32
    return %c0_i32, %select_n3A, %c0_i32_1 : i32, i32, i32
  }
  func.func @transform_1(%arg0: i32, %arg1: i32) -> (i32, i32, i32) {
    %eq3A = arith.constant 0 : i32
    %eq3A_0 = arith.cmpi eq, %arg0, %eq3A : i32
    %jit3A = arith.constant 4 : i32
    %select_n3A = arith.select %eq3A_0, %arg1, %jit3A : i32
    %c0_i32 = arith.constant 0 : i32
    %c0_i32_1 = arith.constant 0 : i32
    %c0_i32_2 = arith.constant 0 : i32
    return %c0_i32, %select_n3A, %c0_i32_1 : i32, i32, i32
  }
  func.func @transform_2(%arg0: i32, %arg1: i32) -> (i32, i32) {
    %eq3A = arith.constant 0 : i32
    %eq3A_0 = arith.cmpi eq, %arg0, %eq3A : i32
    %jit3A = arith.constant 4 : i32
    %select_n3A = arith.select %eq3A_0, %arg1, %jit3A : i32
    %c0_i32 = arith.constant 0 : i32
    %c0_i32_1 = arith.constant 0 : i32
    return %select_n3A, %c0_i32 : i32, i32
  }
  func.func @transform_3(%arg0: i32, %arg1: i32) -> (i32, i32) {
    %c0_i32 = arith.constant 0 : i32
    %c0_i32_0 = arith.constant 0 : i32
    %c0_i32_1 = arith.constant 0 : i32
    return %c0_i32, %c0_i32_0 : i32, i32
  }
  func.func @transform_4(%arg0: i32, %arg1: i32) -> (i32, i32) {
    %c0_i32 = arith.constant 0 : i32
    %c0_i32_0 = arith.constant 0 : i32
    %c0_i32_1 = arith.constant 0 : i32
    return %c0_i32, %c0_i32_0 : i32, i32
  }
  func.func @transform_5(%arg0: i32, %arg1: i32) -> (i32, i32) {
    %c0_i32 = arith.constant 0 : i32
    %c0_i32_0 = arith.constant 0 : i32
    %c0_i32_1 = arith.constant 0 : i32
    return %c0_i32, %c0_i32_0 : i32, i32
  }
  func.func @transform_6(%arg0: i32, %arg1: i32) -> (i32, i32) {
    %c0_i32 = arith.constant 0 : i32
    %c0_i32_0 = arith.constant 0 : i32
    %c0_i32_1 = arith.constant 0 : i32
    return %c0_i32, %c0_i32_0 : i32, i32
  }
  func.func @transform_7(%arg0: i32, %arg1: i32) -> (i32, i32) {
    %c0_i32 = arith.constant 0 : i32
    %c0_i32_0 = arith.constant 0 : i32
    %c0_i32_1 = arith.constant 0 : i32
    return %c0_i32, %c0_i32_0 : i32, i32
  }
  func.func @transform_8(%arg0: i32, %arg1: i32) -> (i32, i32) {
    %eq3A = arith.constant 0 : i32
    %eq3A_0 = arith.cmpi eq, %arg0, %eq3A : i32
    %jit3A = arith.constant 0 : i32
    %select_n3A = arith.select %eq3A_0, %jit3A, %arg1 : i32
    %c0_i32 = arith.constant 0 : i32
    %c0_i32_1 = arith.constant 0 : i32
    return %select_n3A, %c0_i32 : i32, i32
  }
  func.func @transform_9(%arg0: i32, %arg1: i32) -> (i32, i32) {
    %eq3A = arith.constant 0 : i32
    %eq3A_0 = arith.cmpi eq, %arg0, %eq3A : i32
    %jit3A = arith.constant 4 : i32
    %select_n3A = arith.select %eq3A_0, %arg1, %jit3A : i32
    %c0_i32 = arith.constant 0 : i32
    %c0_i32_1 = arith.constant 0 : i32
    return %select_n3A, %c0_i32 : i32, i32
  }
}

module attributes {stable_mosaic.version = 14 : i64} {
  func.func @_tc1a_body(%arg0: i32, %arg1: memref<2000x128xf32, #tpu.memory_space<vmem>>, %arg2: memref<128x64xf32, #tpu.memory_space<vmem>>, %arg3: memref<1x64xf32, #tpu.memory_space<vmem>>, %arg4: memref<2000x64xf32, #tpu.memory_space<vmem>>) attributes {dimension_semantics = [#tpu.dimension_semantics<arbitrary>], iteration_bounds = array<i64: 5>, scalar_prefetch = 0 : i64, scratch_operands = 0 : i64, tpu.core_type = #tpu.core_type<tc>, window_params = [{transform_indices = @transform_0, window_bounds = array<i64: 2000, 128>}, {pipeline_mode = #tpu.pipeline_mode<synchronous>, transform_indices = @transform_1, window_bounds = array<i64: 128, 64>}, {pipeline_mode = #tpu.pipeline_mode<synchronous>, transform_indices = @transform_2, window_bounds = array<i64: 1, 64>}, {transform_indices = @transform_3, window_bounds = array<i64: 2000, 64>}]} {
    %get3A = arith.constant 0 : index
    %get3A_0 = arith.constant 0 : index
    %get3A_1 = vector.load %arg1[%get3A, %get3A_0] : memref<2000x128xf32, #tpu.memory_space<vmem>>, vector<2000x128xf32>
    %get3A_2 = arith.constant 0 : index
    %get3A_3 = arith.constant 0 : index
    %get3A_4 = vector.load %arg2[%get3A_2, %get3A_3] : memref<128x64xf32, #tpu.memory_space<vmem>>, vector<128x64xf32>
    %dot_general3A = arith.constant dense<0.000000e+00> : vector<2000x64xf32>
    %dot_general3A_5 = tpu.matmul %get3A_1, %get3A_4, %dot_general3A {dimension_numbers = #tpu.dot_dimension_numbers<[1], [0], [0], [1], [0, 0, 1, 1], [], []>, transpose_lhs_hint = false} : vector<2000x128xf32>, vector<128x64xf32>, vector<2000x64xf32> -> vector<2000x64xf32>
    %get3A_6 = arith.constant 0 : index
    %get3A_7 = arith.constant 0 : index
    %get3A_8 = vector.load %arg3[%get3A_6, %get3A_7] : memref<1x64xf32, #tpu.memory_space<vmem>>, vector<1x64xf32>
    %add3A = vector.broadcast %get3A_8 : vector<1x64xf32> to vector<2000x64xf32>
    %add3A_9 = arith.addf %dot_general3A_5, %add3A : vector<2000x64xf32>
    %swap3A = arith.constant 0 : index
    %swap3A_10 = arith.constant 0 : index
    %swap3A_11 = vector.load %arg4[%swap3A, %swap3A_10] : memref<2000x64xf32, #tpu.memory_space<vmem>>, vector<2000x64xf32>
    tpu.vector_store %arg4[%swap3A, %swap3A_10], %add3A_9 {strides = array<i32>} : memref<2000x64xf32, #tpu.memory_space<vmem>>, vector<2000x64xf32>,
    return
  }
  func.func @transform_0(%arg0: i32) -> (i32, i32) {
    %c0_i32 = arith.constant 0 : i32
    %c0_i32_0 = arith.constant 0 : i32
    return %arg0, %c0_i32 : i32, i32
  }
  func.func @transform_1(%arg0: i32) -> (i32, i32) {
    %c0_i32 = arith.constant 0 : i32
    %c0_i32_0 = arith.constant 0 : i32
    %c0_i32_1 = arith.constant 0 : i32
    return %c0_i32, %c0_i32_0 : i32, i32
  }
  func.func @transform_2(%arg0: i32) -> (i32, i32) {
    %c0_i32 = arith.constant 0 : i32
    %c0_i32_0 = arith.constant 0 : i32
    %c0_i32_1 = arith.constant 0 : i32
    return %c0_i32, %c0_i32_0 : i32, i32
  }
  func.func @transform_3(%arg0: i32) -> (i32, i32) {
    %c0_i32 = arith.constant 0 : i32
    %c0_i32_0 = arith.constant 0 : i32
    return %arg0, %c0_i32 : i32, i32
  }
}

module attributes {stable_mosaic.version = 14 : i64} {
  func.func @_tc1_body(%arg0: i32, %arg1: memref<2x2000x128xf32, #tpu.memory_space<vmem>>, %arg2: memref<2000x1xf32, #tpu.memory_space<vmem>>, %arg3: memref<2000x64xf32, #tpu.memory_space<vmem>>, %arg4: memref<128x64xf32, #tpu.memory_space<vmem>>, %arg5: memref<2000x64xf32, #tpu.memory_space<vmem>>) attributes {dimension_semantics = [#tpu.dimension_semantics<arbitrary>], iteration_bounds = array<i64: 5>, scalar_prefetch = 0 : i64, scratch_operands = 0 : i64, tpu.core_type = #tpu.core_type<tc>, window_params = [{transform_indices = @transform_0, window_bounds = array<i64: 2, 2000, 128>}, {transform_indices = @transform_1, window_bounds = array<i64: 2000, 1>}, {transform_indices = @transform_2, window_bounds = array<i64: 2000, 64>}, {pipeline_mode = #tpu.pipeline_mode<synchronous>, transform_indices = @transform_3, window_bounds = array<i64: 128, 64>}, {transform_indices = @transform_4, window_bounds = array<i64: 2000, 64>}]} {
    %get3A = arith.constant 0 : index
    %get3A_0 = arith.constant 0 : index
    %get3A_1 = arith.constant 0 : index
    %get3A_2 = vector.load %arg1[%get3A, %get3A_0, %get3A_1] : memref<2x2000x128xf32, #tpu.memory_space<vmem>>, vector<1x2000x128xf32>
    %get3A_3 = vector.shape_cast %get3A_2 : vector<1x2000x128xf32> to vector<2000x128xf32>
    %get3A_4 = arith.constant 1 : index
    %get3A_5 = arith.constant 0 : index
    %get3A_6 = arith.constant 0 : index
    %get3A_7 = vector.load %arg1[%get3A_4, %get3A_5, %get3A_6] : memref<2x2000x128xf32, #tpu.memory_space<vmem>>, vector<1x2000x128xf32>
    %get3A_8 = vector.shape_cast %get3A_7 : vector<1x2000x128xf32> to vector<2000x128xf32>
    %add3A = arith.addf %get3A_3, %get3A_8 : vector<2000x128xf32>
    %get3A_9 = arith.constant 0 : index
    %get3A_10 = arith.constant 0 : index
    %get3A_11 = vector.load %arg2[%get3A_9, %get3A_10] : memref<2000x1xf32, #tpu.memory_space<vmem>>, vector<2000x1xf32>
    %mul3A = vector.broadcast %get3A_11 : vector<2000x1xf32> to vector<2000x128xf32>
    %mul3A_12 = arith.mulf %add3A, %mul3A : vector<2000x128xf32>
    %get3A_13 = arith.constant 0 : index
    %get3A_14 = arith.constant 0 : index
    %get3A_15 = vector.load %arg4[%get3A_13, %get3A_14] : memref<128x64xf32, #tpu.memory_space<vmem>>, vector<128x64xf32>
    %dot_general3A = arith.constant dense<0.000000e+00> : vector<2000x64xf32>
    %dot_general3A_16 = tpu.matmul %mul3A_12, %get3A_15, %dot_general3A {dimension_numbers = #tpu.dot_dimension_numbers<[1], [0], [0], [1], [0, 0, 1, 1], [], []>, transpose_lhs_hint = false} : vector<2000x128xf32>, vector<128x64xf32>, vector<2000x64xf32> -> vector<2000x64xf32>
    %get3A_17 = arith.constant 0 : index
    %get3A_18 = arith.constant 0 : index
    %get3A_19 = vector.load %arg3[%get3A_17, %get3A_18] : memref<2000x64xf32, #tpu.memory_space<vmem>>, vector<2000x64xf32>
    %add3A_20 = arith.addf %dot_general3A_16, %get3A_19 : vector<2000x64xf32>
    %reduce_max3A = arith.constant dense<0xFF800000> : vector<2000xf32>
    %reduce_max3A_21 = vector.multi_reduction <maximumf>, %add3A_20, %reduce_max3A [1] : vector<2000x64xf32> to vector<2000xf32>
    %broadcast_in_dim3A = vector.shape_cast %reduce_max3A_21 : vector<2000xf32> to vector<2000x1xf32>
    %sub3A = vector.broadcast %broadcast_in_dim3A : vector<2000x1xf32> to vector<2000x64xf32>
    %sub3A_22 = arith.subf %add3A_20, %sub3A : vector<2000x64xf32>
    %exp3A = math.exp %sub3A_22 : vector<2000x64xf32>
    %reduce_sum3A = arith.constant dense<0.000000e+00> : vector<2000xf32>
    %reduce_sum3A_23 = vector.multi_reduction <add>, %exp3A, %reduce_sum3A [1] : vector<2000x64xf32> to vector<2000xf32>
    %broadcast_in_dim3A_24 = vector.shape_cast %reduce_sum3A_23 : vector<2000xf32> to vector<2000x1xf32>
    %log3A = math.log %broadcast_in_dim3A_24 : vector<2000x1xf32>
    %sub3A_25 = vector.broadcast %log3A : vector<2000x1xf32> to vector<2000x64xf32>
    %sub3A_26 = arith.subf %sub3A_22, %sub3A_25 : vector<2000x64xf32>
    %swap3A = arith.constant 0 : index
    %swap3A_27 = arith.constant 0 : index
    %swap3A_28 = vector.load %arg5[%swap3A, %swap3A_27] : memref<2000x64xf32, #tpu.memory_space<vmem>>, vector<2000x64xf32>
    tpu.vector_store %arg5[%swap3A, %swap3A_27], %sub3A_26 {strides = array<i32>} : memref<2000x64xf32, #tpu.memory_space<vmem>>, vector<2000x64xf32>,
    return
  }
  func.func @transform_0(%arg0: i32) -> (i32, i32, i32) {
    %c0_i32 = arith.constant 0 : i32
    %c0_i32_0 = arith.constant 0 : i32
    %c0_i32_1 = arith.constant 0 : i32
    return %c0_i32, %arg0, %c0_i32_0 : i32, i32, i32
  }
  func.func @transform_1(%arg0: i32) -> (i32, i32) {
    %c0_i32 = arith.constant 0 : i32
    %c0_i32_0 = arith.constant 0 : i32
    return %arg0, %c0_i32 : i32, i32
  }
  func.func @transform_2(%arg0: i32) -> (i32, i32) {
    %c0_i32 = arith.constant 0 : i32
    %c0_i32_0 = arith.constant 0 : i32
    return %arg0, %c0_i32 : i32, i32
  }
  func.func @transform_3(%arg0: i32) -> (i32, i32) {
    %c0_i32 = arith.constant 0 : i32
    %c0_i32_0 = arith.constant 0 : i32
    %c0_i32_1 = arith.constant 0 : i32
    return %c0_i32, %c0_i32_0 : i32, i32
  }
  func.func @transform_4(%arg0: i32) -> (i32, i32) {
    %c0_i32 = arith.constant 0 : i32
    %c0_i32_0 = arith.constant 0 : i32
    return %arg0, %c0_i32 : i32, i32
  }
}

</mosaic_0001>

<sc_bundles>
// kernel: kernel.10.cloned.1.call-start
scs
__scs_entry_jumppad:
0x0: {  	(pc) =	sbr.rel $0x88, $3  }
0x1: {  	(tag) =	ssettag $0x0;
	lr =	simm.s32 $0x1  }
0x2: {  	[smem:$0x3F97] =	sst lr;
	_ =	strace $0xD0000000  }
0x3: {  	_ = 	snop  }
0x4: {  	_ = 	snop  }
0x5: {  	_ = 	snop  }
0x6: {  	_ = 	snop  }
0x7: {  	_ = 	snop  }
__scs_overlays_trampoline_lowered:
0x8: {  	[smem:$0x3FA6] =	sst s0  }
0x9: {  	[smem:$0x3FA7] =	sst s1  }
0xa: {  	[smem:$0x3FA8] =	sst s2  }
0xb: {  	[smem:$0x3FA9] =	sst s3  }
0xc: {  	[smem:$0x3FAA] =	sst s4  }
0xd: {  	[smem:$0x3FAB] =	sst s5  }
0xe: {  	[smem:$0x3FAC] =	sst s6  }
0xf: {  	[smem:$0x3FAD] =	sst s7  }
0x10: {  	[smem:$0x3FAE] =	sst s8  }
0x11: {  	[smem:$0x3FAF] =	sst s9;
	s0 =	simm.s32 @!p0 $0x0  }
0x12: {  	s1 =	sld [smem:$0x3F95];
	s0 =	simm.s32 @p0 $0x1  }
0x13: {  	[smem:$0x3FB0] =	sst s0;
	s0 =	simm.s32 @!p1 $0x0  }
0x14: {  	s2 =	sld [smem:$0x3F94];
	s0 =	simm.s32 @p1 $0x1  }
0x15: {  	[smem:$0x3FB1] =	sst s0;
	s0 =	simm.s32 @!p2 $0x0  }
0x16: {  	s3 =	sld [smem:$0x3FDB];
	s0 =	simm.s32 @p2 $0x1  }
0x17: {  	s4 =	simm.s32 $0x1BF5;
	[smem:$0x3FB3] =	sst s0  }
0x18: {  	s0 =	sld [smem:$0x3F96];
	_ =	swait.ge [sflag:s4], $0x0  }
0x19: {  	s7 =	sld [smem:$0x3F97]  }
0x1a: {  	s8 =	sadd.s32 $0xFFFFE003, lr  }
0x1b: {  	s9 =	sadd.s32 $0xFFFFFEF7, lr;
	s5 =	simm.s32 $0xFFFFFFFF;
	p2 =	slt.u32 s8, $0xFFFFF086  }
0x1c: {  	p1 =	slt.u32 s9, $0xF7A;
	s5 =	simm.s32 @!p2 $0x0  }
0x1d: {  	s5 =	simm.s32 @p1 $0x1;
	p0 =	seq.s32 s7, s2  }
0x1e: {  	s7 =	smul.u32 @!p0 $0xF7A, s2;
	p2 =	seq.s32 @!p0 s5, $0x0  }
0x1f: {  	s9 =	smul.u32 $0xF7A, s1;
	s8 =	simm.s32 @!p0 $0x1BF5;
	p2 =	por !p2, p0  }
0x20: {  	[sflag:s8] =	ssyncset.s32 @!p0 $0xFFFFF086;
	s6 =	sadd.s32 @!p0 s3, s7;
	s7 =	simm.s32 @!p0 $0x108  }
0x21: {  	s3 =	sadd.s32 s3, s9;
	s6 =	sadd.s32 @!p0 $0x88, s6;
	s7 =	simm.s32 @p2 $0x1082  }
0x22: {  	[simem:s7], [sflag:s8] =	dma.local @!p0 [hbm:s6], $0xF7A  }
0x23: {  	s9 =	sor.u32 $0xD0000000, s2;
	s6 =	simm.s32 $0x108;
	_ =	swait.ge @!p0 [sflag:s8], $0x0  }
0x24: {  	s3 =	sadd.s32 $0x88, s3;
	s6 =	simm.s32 @!p1 $0x1082;
	[sflag:s4] =	ssyncset.s32 $0xFFFFF086  }
0x25: {  	[simem:s6], [sflag:s4] =	dma.local [hbm:s3], $0xF7A  }
0x26: {  	[smem:$0x3F97] =	sst s1;
	(tag) =	ssettag s2;
	_ =	strace s9  }
0x27: {  	s1 =	sld [smem:$0x3FA7]  }
0x28: {  	s2 =	sld [smem:$0x3FA8]  }
0x29: {  	s4 =	sld [smem:$0x3FAA]  }
0x2a: {  	p0 =	seq.s32 s5, $0x0;
	s5 =	sld [smem:$0x3FAB]  }
0x2b: {  	s6 =	sld [smem:$0x3FAC]  }
0x2c: {  	s7 =	sld [smem:$0x3FAD]  }
0x2d: {  	s3 =	simm.s32 $0x108;
	s8 =	sld [smem:$0x3FAE]  }
0x2e: {  	s3 =	simm.s32 @!p0 $0x1082;
	s9 =	sld [smem:$0x3FAF]  }
0x2f: {  	lr =	sadd.s32 s0, s3;
	s0 =	sld [smem:$0x3FA6]  }
0x30: {  	s3 =	sld [smem:$0x3FA9]  }
0x31: {  	[smem:$0x3FB2] =	sst s10  }
0x32: {  	s10 =	sld [smem:$0x3FB0];
	_ =	sdelay $0x3  }
0x33: {  	p0 =	seq.s32 s10, $0x1;
	s10 =	sld [smem:$0x3FB2];
	_ =	sdelay $0x3  }
0x34: {  	[smem:$0x3FB2] =	sst s10  }
0x35: {  	s10 =	sld [smem:$0x3FB1];
	_ =	sdelay $0x3  }
0x36: {  	p1 =	seq.s32 s10, $0x1;
	s10 =	sld [smem:$0x3FB2];
	_ =	sdelay $0x3  }
0x37: {  	[smem:$0x3FB2] =	sst s10  }
0x38: {  	s10 =	sld [smem:$0x3FB3]  }
0x39: {  	_ = 	snop;
	(pc) =	sbr.ind lr, $3  }
0x3a: {  	_ = 	snop  }
0x3b: {  	_ = 	snop  }
0x3c: {  	p2 =	seq.s32 s10, $0x1;
	s10 =	sld [smem:$0x3FB2]  }
0x3d: {  	_ =	shalt  }
0x3e: {  	_ =	shalt  }
0x3f: {  	_ =	shalt  }
0x40: {  	_ =	shalt  }
0x41: {  	_ =	shalt  }
0x42: {  	_ =	shalt  }
0x43: {  	_ =	shalt  }
0x44: {  	_ =	shalt  }
0x45: {  	_ =	shalt  }
0x46: {  	_ =	shalt  }
0x47: {  	_ =	shalt  }
0x48: {  	_ =	shalt  }
0x49: {  	_ =	shalt  }
0x4a: {  	_ =	shalt  }
0x4b: {  	_ =	shalt  }
0x4c: {  	_ =	shalt  }
0x4d: {  	_ =	shalt  }
0x4e: {  	_ =	shalt  }
0x4f: {  	_ =	shalt  }
0x50: {  	_ =	shalt  }
0x51: {  	_ =	shalt  }
0x52: {  	_ =	shalt  }
0x53: {  	_ =	shalt  }
0x54: {  	_ =	shalt  }
0x55: {  	_ =	shalt  }
0x56: {  	_ =	shalt  }
0x57: {  	_ =	shalt  }
0x58: {  	_ =	shalt  }
0x59: {  	_ =	shalt  }
0x5a: {  	_ =	shalt  }
0x5b: {  	_ =	shalt  }
0x5c: {  	_ =	shalt  }
0x5d: {  	_ =	shalt  }
0x5e: {  	_ =	shalt  }
0x5f: {  	_ =	shalt  }
0x60: {  	_ =	shalt  }
0x61: {  	_ =	shalt  }
0x62: {  	_ =	shalt  }
0x63: {  	_ =	shalt  }
0x64: {  	_ =	shalt  }
0x65: {  	_ =	shalt  }
0x66: {  	_ =	shalt  }
0x67: {  	_ =	shalt  }
0x68: {  	_ =	shalt  }
0x69: {  	_ =	shalt  }
0x6a: {  	_ =	shalt  }
0x6b: {  	_ =	shalt  }
0x6c: {  	_ =	shalt  }
0x6d: {  	_ =	shalt  }
0x6e: {  	_ =	shalt  }
0x6f: {  	_ =	shalt  }
0x70: {  	_ =	shalt  }
0x71: {  	_ =	shalt  }
0x72: {  	_ =	shalt  }
0x73: {  	_ =	shalt  }
0x74: {  	_ =	shalt  }
0x75: {  	_ =	shalt  }
0x76: {  	_ =	shalt  }
0x77: {  	_ =	shalt  }
0x78: {  	_ =	shalt  }
0x79: {  	_ =	shalt  }
0x7a: {  	_ =	shalt  }
0x7b: {  	_ =	shalt  }
0x7c: {  	_ =	shalt  }
0x7d: {  	_ =	shalt  }
0x7e: {  	_ =	shalt  }
0x7f: {  	_ =	shalt  }
0x80: {  	_ =	shalt  }
0x81: {  	_ =	shalt  }
0x82: {  	_ =	shalt  }
0x83: {  	_ =	shalt  }
0x84: {  	_ =	shalt  }
0x85: {  	_ =	shalt  }
0x86: {  	_ =	shalt  }
0x87: {  	_ =	shalt  }
.Lfunc_end0:
.L_simem_size_0:
called_computation.1_lowered:
.L_overlay_start_0:
0x88: {  	s2 =	sld [smem:$0x3FD9]  }
0x89: {  	s3 =	sld [smem:$0x3FFE];
	_ =	sdelay $0x1  }
0x8a: {  	s1 =	srdreg.scid  }
0x8b: {  	s0 =	sand.u32 $0x1, s1  }
0x8c: {  	s17 =	sshll.u32 s0, $0xA;
	s2 =	sadd.s32 s3, s2  }
0x8d: {  	s2 =	sadd.s32 s2, s17  }
0x8e: {  	[smem:$0x3FBE] =	sst s2  }
0x8f: {  	_ = 	snop  }
0x90: {  	s2 =	sld [smem:$0x3FD0];
	(tm) =	ssettm $0x1  }
0x91: {  	s18 =	sld [smem:$0x3FFB];
	_ =	sdelay $0x3  }
0x92: {  	_ =	strace s18  }
0x93: {  	s3 =	sld [smem:$0x3FFC];
	_ =	sdelay $0x3  }
0x94: {  	_ =	strace s3  }
0x95: {  	s3 =	sld [smem:$0x3FFD];
	_ =	sdelay $0x3  }
0x96: {  	_ =	strace s3  }
0x97: {  	_ =	strace $0x8FFFFFFF  }
0x98: {  	s19 =	sld [smem:$0x3FDB];
	_ =	sdelay $0x1  }
0x99: {  	s4 =	simm.s32 $_scs_section_size  }
0x9a: {  	s5 =	simm.s32 $_size__tile_overlayer_lowered;
	s6 =	simm.s32 $_tile_overlayer_lowered  }
0x9b: {  	s22 =	simm.s32 $0x1BFF;
	s21 =	sshll.u32 s6, $0x1;
	s3 =	sadd.s32 s4, s19  }
0x9c: {  	s7 =	simm.s32 $0x0;
	s20 =	sshll.u32 s5, $0x1;
	s5 =	sadd.s32 s21, s3  }
0x9d: {  	[timem:s7], [sflag:s22] =	dma.local [hbm:s5], s20  }
0x9e: {  	_ =	swait.ge [sflag:s22], s20  }
0x9f: {  	s4 =	ssub.s32 $0x0, s20;
	[sflag:s22] =	ssyncset.done $0x0  }
0xa0: {  	[sflag:s22] =	ssyncadd.s32 s4;
	_ =	sdelay $0x1  }
0xa1: {  	s23 =	simm.s32 $0x1B8B  }
0xa2: {  	_ =	swait.ge [sflag:s23], $0x1  }
0xa3: {  	[sflag:s23] =	ssyncset.done $0x0  }
0xa4: {  	s25 =	simm.s32 $0x1B8E;
	s24 =	sld [smem:$0x3FFE];
	[sflag:s23] =	ssyncadd.s32 $0xFFFFFFFF  }
0xa5: {  	s26 =	simm.s32 $execute0_lowered;
	[smem:$0x3FD2] =	sst s25  }
0xa6: {  	s5 =	sshll.u32 s26, $0x1;
	_ =	strace $0x80000049;
	[dreg:$0x1] =	wrdreg $0xFFFFFFFF  }
0xa7: {  	s28 =	simm.s32 $_size_execute0_lowered;
	s3 =	sadd.s32 s3, s5;
	[dreg:$0x0] =	wrdreg $0x0  }
0xa8: {  	s5 =	sshll.u32 s28, $0x1;
	[dreg:$0x2] =	wrdreg s3  }
0xa9: {  	[dreg:$0x3] =	wrdreg s5  }
0xaa: {  	[dreg:$0x4] =	wrdreg $0xC0  }
0xab: {  	_ =	task [dreg:s7], $0x5FFFF  }
0xac: {  	[dreg:$0x1] =	wrdreg $0xFFFFFFFF  }
0xad: {  	[dreg:$0x0] =	wrdreg $0x60  }
0xae: {  	[dreg:$0x2] =	wrdreg s24  }
0xaf: {  	[dreg:$0x3] =	wrdreg s2  }
0xb0: {  	[dreg:$0x4] =	wrdreg $0x0  }
0xb1: {  	[dreg:$0x5] =	wrdreg $0x9  }
0xb2: {  	_ =	task.clear_ibuf [dreg:s7], $0x6FFFF;
	_ =	strace $0x90000049  }
0xb3: {  	s29 =	simm.s32 $0x9;
	_ =	strace $0x8000004B  }
0xb4: {  	_ =	swait.ge [sflag:s29], $0x1  }
0xb5: {  	[sflag:s29] =	ssyncadd.s32 $0xFFFFFFFF  }
0xb6: {  	_ =	strace $0x9000004B  }
0xb7: {  	_ =	sfence  }
0xb8: {  	s30 =	sld [smem:$0x0];
	_ =	sdelay $0x2  }
0xb9: {  	s31 =	sshll.u32 s1, $0xD;
	s1 =	sshrl.u32 s1, $0x2  }
0xba: {  	s3 =	sand.u32 $0x4000, s31;
	s1 =	sadd.s32 s1, s30  }
0xbb: {  	s0 =	sor.u32 s3, s0;
	s1 =	sshll.u32 s1, $0x11  }
0xbc: {  	s0 =	sor.u32 s1, s0  }
0xbd: {  	s0 =	sadd.s32 $0x8F2B, s0  }
0xbe: {  	[sflag:s0] =	ssyncadd.remote.s32 $0x1  }
0xbf: {  	_ =	sfence.sel $0xFFFF  }
0xc0: {  	[dreg:$0x0] =	wrdreg $0xFFFFFFFF;
	(pc) =	sbr.abs _section_cstart, $3  }
0xc1: {  	[dreg:$0x1] =	wrdreg $0xFFFFFFFF  }
0xc2: {  	_ =	task.clear_ibuf [dreg:s7], $0x2FFFF;
	_ =	strace $0x9FFFFFFF  }
0xc3: {  	(tm) =	ssettm $0x7FFFFFFF  }
tec
execute0_lowered:
.L_overlay_start_1:
0x0: {  	(tag) =	ssettag $0x1  }
0x1: {  	s5 =	rddreg [dreg:$0x0]  }
0x2: {  	s1 =	srdreg.scid;
	s6 =	rddreg [dreg:$0x1]  }
0x3: {  	s0 =	stileid.u32;
	s2 =	rddreg [dreg:$0x2]  }
0x4: {  	s3 =	simm.s32 $0x0;
	s14 =	simm.s32 $0x50;
	s15 =	simm.s32 $0x16800  }
0x5: {  	s16 =	simm.s32 $0x16A00;
	s17 =	simm.s32 $0x16880;
	s18 =	simm.s32 $0x19200  }
0x6: {  	s19 =	simm.s32 $0x1;
	s20 =	simm.s32 $0x16980;
	s21 =	simm.s32 $0x2  }
0x7: {  	s22 =	simm.s32 $0x16900;
	s23 =	simm.s32 $0x0;
	s4 =	sand.u32 $0x1, s1  }
0x8: {  	s26 =	sshll.u32 s0, $0x1;
	s1 =	rddreg [dreg:$0x3];
	s8 =	smul.u32 $0x4E000, s0  }
0x9: {  	[smem:$0x7FF] =	sst s3;
	s12 =	smul.u32 $0x13800, s0;
	s13 =	sadd.s32 $0x29E00, s5  }
0xa: {  	p0 =	sne.s32 s0, $0xF;
	s7 =	sor.u32 s4, s26;
	_ =	strace $0x8000004A  }
0xb: {  	s9 =	ssub.s32 $0x2, s4;
	s10 =	smul.u32 $0x138800, s4;
	s4 =	sadd.s32 $0x2C00, s5  }
0xc: {  	s7 =	smul.u32 $0x4F0, s7;
	s11 =	sshrl.u32 s9, $0x1;
	s28 =	sshrl.u32 s8, $0x2  }
.Ltmp0:
0xd: {  	s11 =	ssub.s32 s9, s11;
	s29 =	sadd.s32 s12, s10;
	(pc) =	sbr.rel .LBB2_1-.Ltmp0, $4  }
0xe: {  	s30 =	sshrl.u32 s10, $0x3;
	s12 =	simm.s32 $0x3;
	s5 =	sadd.s32 s6, s7  }
0xf: {  	s6 =	sadd.s32 s28, s2;
	s31 =	sshrl.u32 s29, $0x3;
	s10 =	sadd.s32 s13, s30  }
0x10: {  	s7 =	sadd.s32 $0x138000, s2;
	s8 =	sadd.s32 s13, s31;
	s9 =	sadd.s32 $0x27000, s10  }
0x11: {  	v0 =	vimm.f32 $0.0e+00;
	s10 =	smax.u32 s11, $0x1;
	s11 =	simm.s32 $0x14080;
	s13 =	simm.s32 $0x13880  }
.LBB2_12:
0x12: {  	_ =	swait.ge [sflag:s21], $0x2800  }
0x13: {  	[sflag:s21] =	ssyncset.done $0x0  }
0x14: {  	s24 =	sshll.u32 s0, $0x6;
	[sflag:s21] =	ssyncadd.s32 $0xFFFFD800  }
0x15: {  	s25 =	sshrl.u32 s6, $0x3;
	s24 =	sor.u32 $0x1C03, s24;
	[bflag:$0x0] =	sbarrier.arrive $0xFFFF  }
0x16: {  	[hbm:s8], [sflag:s24] =	dma.local [spmem:s25], $0x2700  }
0x17: {  	_ =	swait.ge [sflag:s12], $0x2700  }
0x18: {  	s23 =	sadd.s32 $0x1, s23;
	[sflag:s12] =	ssyncset.done $0x0  }
0x19: {  	p1 =	sne.s32 s23, s10;
	s25 =	sshrl.u32 @!p0 s7, $0x3;
	[sflag:s12] =	ssyncadd.s32 $0xFFFFD900  }
0x1a: {  	[hbm:s9], [sflag:s24] =	dma.local @!p0 [spmem:s25], $0x100  }
.Ltmp1:
0x1b: {  	_ = 	snop;
	(pc) =	sbr.rel @!p1 .LBB2_13-.Ltmp1, $4  }
0x1c: {  	s24 =	simm.s32 @!p0 $0x3  }
0x1d: {  	_ =	swait.ge @!p0 [sflag:s24], $0x100  }
0x1e: {  	[sflag:s24] =	ssyncset.done @!p0 $0x0  }
0x1f: {  	[sflag:s24] =	ssyncadd.s32 @!p0 $0xFFFFFF00  }
.LBB2_1:
0x20: {  	[tilespmem:s11], [sflag:$0x3] =	stream.linear.gather [hbm4b:s5+s3], $0x2780, $0x38;
	[tilespmem:$0x1E200] =	vst v63  }
0x21: {  	_ =	swait.ge [sflag:s12], $0x2780  }
0x22: {  	[sflag:s12] =	ssyncset.done $0x0  }
0x23: {  	s24 =	simm.s32 $0x0;
	s25 =	simm.s32 $0x200;
	[sflag:s12] =	ssyncadd.s32 $0xFFFFD880  }
.LBB2_2:
0x24: {  	p1 =	sne.s32 s25, $0x1E00;
	[tilespmem:s24+$0x138F0] =	vst v0  }
0x25: {  	[tilespmem:s24+$0x13880] =	vst v0  }
0x26: {  	[tilespmem:s24+$0x13890] =	vst v0  }
.Ltmp2:
0x27: {  	[tilespmem:s24+$0x138A0] =	vst v0;
	(pc) =	sbr.rel @p1 .LBB2_2-.Ltmp2, $4  }
0x28: {  	[tilespmem:s24+$0x138B0] =	vst v0  }
0x29: {  	[tilespmem:s24+$0x138C0] =	vst v0  }
0x2a: {  	[tilespmem:s24+$0x138D0] =	vst v0  }
0x2b: {  	[tilespmem:s24+$0x138E0] =	vst v0;
	s24 =	sshra.s32 s25, $0x2;
	s25 =	sadd.s32 $0x200, s25  }
0x2c: {  	[tilespmem:s24+$0x138F0] =	vst v0  }
0x2d: {  	[tilespmem:s24+$0x13880] =	vst v0  }
0x2e: {  	[tilespmem:s24+$0x13890] =	vst v0  }
0x2f: {  	[tilespmem:s24+$0x138A0] =	vst v0  }
0x30: {  	[tilespmem:s24+$0x138B0] =	vst v0  }
0x31: {  	[tilespmem:s24+$0x138C0] =	vst v0  }
0x32: {  	[tilespmem:s24+$0x138D0] =	vst v0  }
0x33: {  	[tilespmem:s24+$0x138E0] =	vst v0;
	s31 =	sadd.s32 $0x0, s6  }
0x34: {  	[spmem:s31] =	stream.linear.scatter [tilespmem:s13], [sflag:$0x3], $0x800, $0x38;
	[tilespmem:$0x1E200] =	vst v63  }
0x35: {  	s24 =	simm.s32 $0x2000;
	_ =	swait.ge [sflag:s12], $0x800  }
.LBB2_4:
0x36: {  	s25 =	sshra.s32 s24, $0x2;
	[sflag:s12] =	ssyncset.done $0x0;
	p1 =	sne.s32 s24, $0x4C000  }
.Ltmp3:
0x37: {  	s25 =	sadd.s32 s25, s6;
	[sflag:s12] =	ssyncadd.s32 $0xFFFFF800;
	(pc) =	sbr.rel @p1 .LBB2_4-.Ltmp3, $3  }
0x38: {  	[spmem:s25] =	stream.linear.scatter [tilespmem:s13], [sflag:$0x3], $0x800, $0x38;
	[tilespmem:$0x1E200] =	vst v63  }
0x39: {  	s24 =	sadd.s32 $0x2000, s24;
	_ =	sdelay $0x1  }
0x3a: {  	_ =	swait.ge [sflag:s12], $0x800  }
0x3b: {  	[sflag:s12] =	ssyncset.done $0x0  }
0x3c: {  	s24 =	simm.s32 @!p0 $0x13880;
	[sflag:s12] =	ssyncadd.s32 $0xFFFFF800  }
0x3d: {  	[spmem:s7] =	stream.linear.scatter @!p0 [tilespmem:s24], [sflag:$0x3], $0x800, $0x38;
	[tilespmem:$0x1E200] =	vst v63  }
0x3e: {  	s24 =	simm.s32 @!p0 $0x3  }
0x3f: {  	_ =	swait.ge @!p0 [sflag:s24], $0x800  }
0x40: {  	[sflag:s24] =	ssyncset.done @!p0 $0x0  }
0x41: {  	[sflag:s24] =	ssyncadd.s32 @!p0 $0xFFFFF800  }
0x42: {  	[bflag:$0x0] =	sbarrier.arrive $0xFFFF  }
0x43: {  	v1 =	vld [tilespmem:$0x14080]  }
0x44: {  	v2 =	vld [tilespmem:$0x14090]  }
0x45: {  	v3 =	vld [tilespmem:$0x140A0]  }
0x46: {  	v4 =	vld [tilespmem:$0x140B0]  }
0x47: {  	v5 =	vld [tilespmem:$0x140C0]  }
0x48: {  	v1 =	vand.u32 $0xFFFF, v1  }
0x49: {  	[tilespmem:$0x16800] =	vst v1;
	v1 =	vand.u32 $0xFFFF, v2  }
0x4a: {  	[tilespmem:$0x16810] =	vst v1;
	v1 =	vand.u32 $0xFFFF, v3  }
0x4b: {  	[tilespmem:$0x16820] =	vst v1;
	v1 =	vand.u32 $0xFFFF, v4  }
0x4c: {  	[tilespmem:$0x16830] =	vst v1;
	v1 =	vand.u32 $0xFFFF, v5  }
0x4d: {  	[tilespmem:$0x16840] =	vst v1  }
0x4e: {  	[tilespmem:s16], [sflag:$0x1] =	stream.indirect.gather [hbm4b:s4+s14], $0x80, s15, s14, $0xb8;
	[tilespmem:$0x1E200] =	vst v63  }
0x4f: {  	v1 =	vld [tilespmem:$0x140D0]  }
0x50: {  	v2 =	vld [tilespmem:$0x140E0]  }
0x51: {  	v3 =	vld [tilespmem:$0x140F0]  }
0x52: {  	v62 =	vld [tilespmem:$0x14100]  }
0x53: {  	v63 =	vld [tilespmem:$0x14110]  }
0x54: {  	v1 =	vand.u32 $0xFFFF, v1  }
0x55: {  	[tilespmem:$0x16880] =	vst v1;
	v1 =	vand.u32 $0xFFFF, v2  }
.Ltmp4:
0x56: {  	[tilespmem:$0x16890] =	vst v1;
	v1 =	vand.u32 $0xFFFF, v3;
	(pc) =	sbr.rel .LBB2_6-.Ltmp4, $4  }
0x57: {  	[tilespmem:$0x168A0] =	vst v1;
	v1 =	vand.u32 $0xFFFF, v62  }
0x58: {  	[tilespmem:$0x168B0] =	vst v1;
	v1 =	vand.u32 $0xFFFF, v63  }
0x59: {  	s25 =	simm.s32 $0x14080;
	s26 =	simm.s32 $0x0;
	s24 =	simm.s32 $0x0;
	[tilespmem:$0x168C0] =	vst v1  }
0x5a: {  	[tilespmem:s18], [sflag:$0x1] =	stream.indirect.gather [hbm4b:s4+s14], $0x80, s17, s14, $0xb8;
	[tilespmem:$0x1E200] =	vst v63  }
.LBB2_10:
0x5b: {  	v1 =	vld [tilespmem:s25+$0xA0];
	_ =	sdelay $0x4  }
0x5c: {  	s28 =	sand.u32 $0x80, s24;
	v1 =	vand.u32 $0xFFFF, v1  }
0x5d: {  	[tilespmem:s28+$0x16800] =	vst v1  }
0x5e: {  	v1 =	vld [tilespmem:s25+$0xB0];
	_ =	sdelay $0x4  }
0x5f: {  	v1 =	vand.u32 $0xFFFF, v1  }
0x60: {  	[tilespmem:s28+$0x16810] =	vst v1  }
0x61: {  	v1 =	vld [tilespmem:s25+$0xC0];
	_ =	sdelay $0x4  }
0x62: {  	v1 =	vand.u32 $0xFFFF, v1  }
0x63: {  	[tilespmem:s28+$0x16820] =	vst v1  }
0x64: {  	v1 =	vld [tilespmem:s25+$0xD0]  }
0x65: {  	s29 =	sadd.s32 $0x2, s26  }
0x66: {  	s30 =	smul.u32 $0xAB, s29;
	_ =	sdelay $0x1  }
0x67: {  	s30 =	sshrl.u32 s30, $0x9  }
0x68: {  	s30 =	sand.u32 $0x7F, s30;
	v1 =	vand.u32 $0xFFFF, v1  }
0x69: {  	s30 =	smul.u32 $0x3, s30;
	[tilespmem:s28+$0x16830] =	vst v1  }
0x6a: {  	v1 =	vld [tilespmem:s25+$0xE0]  }
0x6b: {  	s29 =	ssub.s32 s29, s30  }
0x6c: {  	s29 =	sand.u32 $0xFF, s29  }
0x6d: {  	s29 =	smul.u32 $0xA000, s29;
	_ =	sdelay $0x1  }
0x6e: {  	s29 =	sshrl.u32 s29, $0x2;
	v1 =	vand.u32 $0xFFFF, v1  }
0x6f: {  	s30 =	sor.u32 $0x16800, s28;
	s31 =	sadd.s32 $0x16A00, s29;
	[tilespmem:s28+$0x16840] =	vst v1  }
0x70: {  	[tilespmem:s31], [sflag:$0x1] =	stream.indirect.gather [hbm4b:s4+s14], $0x80, s30, s14, $0xb8;
	[tilespmem:$0x1E200] =	vst v63  }
.LBB2_11:
0x71: {  	s24 =	sadd.s32 $0x80, s24  }
0x72: {  	p1 =	sne.s32 s24, $0x3E80  }
.Ltmp5:
0x73: {  	_ = 	snop;
	(pc) =	sbr.rel @!p1 .LBB2_12-.Ltmp5, $2  }
0x74: {  	_ =	sdelay $0x2  }
0x75: {  	s26 =	sadd.s32 $0x1, s26;
	s25 =	sadd.s32 $0x50, s25  }
.LBB2_6:
0x76: {  	s28 =	smul.u32 $0xAB, s26;
	_ =	sdelay $0x1  }
0x77: {  	s28 =	sshrl.u32 s28, $0x9  }
0x78: {  	_ =	swait.ge [sflag:s19], $0x2800;
	s28 =	sand.u32 $0x7F, s28  }
0x79: {  	[sflag:s19] =	ssyncset.done $0x0;
	s28 =	smul.u32 $0x3, s28  }
0x7a: {  	s29 =	sand.u32 $0x1, s26;
	[sflag:s19] =	ssyncadd.s32 $0xFFFFD800  }
0x7b: {  	p1 =	seq.s32 s29, $0x0;
	v1 =	vld [tilespmem:s25+$0x0];
	s28 =	ssub.s32 s26, s28  }
.Ltmp6:
0x7c: {  	s28 =	sand.u32 $0xFF, s28;
	(pc) =	sbr.rel @p1 .LBB2_8-.Ltmp6, $3  }
0x7d: {  	s28 =	smul.u32 $0xA000, s28;
	_ =	sdelay $0x1  }
0x7e: {  	s28 =	sshrl.u32 s28, $0x2  }
0x7f: {  	v1 =	vshrl.u32 v1, $0x10;
	s28 =	sadd.s32 $0x16A00, s28  }
0x80: {  	[tilespmem:$0x16980] =	vst v1  }
0x81: {  	v1 =	vld [tilespmem:s25+$0x10];
	_ =	sdelay $0x4  }
0x82: {  	v1 =	vshrl.u32 v1, $0x10  }
0x83: {  	[tilespmem:$0x16990] =	vst v1  }
0x84: {  	v1 =	vld [tilespmem:s25+$0x20];
	_ =	sdelay $0x4  }
0x85: {  	v1 =	vshrl.u32 v1, $0x10  }
0x86: {  	[tilespmem:$0x169A0] =	vst v1  }
0x87: {  	v1 =	vld [tilespmem:s25+$0x30];
	_ =	sdelay $0x4  }
0x88: {  	v1 =	vshrl.u32 v1, $0x10  }
0x89: {  	[tilespmem:$0x169B0] =	vst v1  }
0x8a: {  	v1 =	vld [tilespmem:s25+$0x40];
	_ =	sdelay $0x2  }
.Ltmp7:
0x8b: {  	_ = 	snop;
	(pc) =	sbr.rel .LBB2_9-.Ltmp7, $4  }
0x8c: {  	_ = 	snop  }
0x8d: {  	v1 =	vshrl.u32 v1, $0x10  }
0x8e: {  	[tilespmem:$0x169C0] =	vst v1  }
0x8f: {  	[spmem:s2] =	stream.indirect.scatter.add.f32 [tilespmem:s28], [sflag:$0x2], $0x80, s20, s14, $0xb8;
	[tilespmem:$0x1E200] =	vst v63  }
.LBB2_8:
0x90: {  	[tilespmem:$0x16900] =	vst v1  }
0x91: {  	v1 =	vld [tilespmem:s25+$0x10];
	_ =	sdelay $0x4  }
0x92: {  	v1 =	vshrl.u32 v1, $0x10  }
0x93: {  	[tilespmem:$0x16910] =	vst v1  }
0x94: {  	v1 =	vld [tilespmem:s25+$0x20];
	_ =	sdelay $0x4  }
0x95: {  	v1 =	vshrl.u32 v1, $0x10  }
0x96: {  	[tilespmem:$0x16920] =	vst v1  }
0x97: {  	v1 =	vld [tilespmem:s25+$0x30];
	_ =	sdelay $0x4  }
0x98: {  	v1 =	vshrl.u32 v1, $0x10  }
0x99: {  	[tilespmem:$0x16930] =	vst v1  }
0x9a: {  	v1 =	vld [tilespmem:s25+$0x40];
	_ =	sdelay $0x1  }
0x9b: {  	p1 =	seq.s32 s24, $0x0  }
.Ltmp8:
0x9c: {  	_ = 	snop;
	(pc) =	sbr.rel @p1 .LBB2_10-.Ltmp8, $4  }
0x9d: {  	_ = 	snop  }
0x9e: {  	v1 =	vshrl.u32 v1, $0x10  }
0x9f: {  	[tilespmem:$0x16940] =	vst v1  }
0xa0: {  	[spmem:s2] =	stream.indirect.scatter.add.f32 [tilespmem:s28], [sflag:$0x2], $0x80, s22, s14, $0xb8;
	[tilespmem:$0x1E200] =	vst v63  }
.LBB2_9:
0xa1: {  	p1 =	sgt.u32 s26, $0x7A  }
.Ltmp9:
0xa2: {  	_ = 	snop;
	(pc) =	sbr.rel @p1 .LBB2_11-.Ltmp9, $4  }
.Ltmp10:
0xa3: {  	_ = 	snop;
	(pc) =	sbr.rel @!p1 .LBB2_10-.Ltmp10, $4  }
0xa4: {  	_ =	swait.ge [sflag:s21], $0x2800  }
0xa5: {  	[sflag:s21] =	ssyncset.done $0x0  }
0xa6: {  	[sflag:s21] =	ssyncadd.s32 $0xFFFFD800  }
0xa7: {  	_ = 	snop  }
.LBB2_13:
0xa8: {  	_ =	sfence.sel $0x180000  }
0xa9: {  	[bflag:$0x0] =	sbarrier.arrive $0xFFFF  }
0xaa: {  	p0 =	sne.s32 s0, $0x0;
	_ =	strace $0x9000004A  }
0xab: {  	s0 =	sadd.s32 @!p0 $0x100000, s1;
	[bflag:$0x2] =	sbarrier.arrive $0xFFFF  }
0xac: {  	[sflag:s0] =	ssyncadd.tile.s32 @!p0 $0x1;
	_ =	shalt  }
.Lfunc_end2:
_tile_overlayer_lowered:
.L_overlay_start_2:
0xad: {  	(tag) =	ssettag $0x2  }
0xae: {  	s0 =	rddreg [dreg:$0x0];
	s2 =	stileid.u32  }
0xaf: {  	s1 =	rddreg [dreg:$0x1];
	p0 =	sne.s32 s2, $0x0  }
0xb0: {  	s3 =	rddreg [dreg:$0x2];
	[bflag:$0x3] =	sbarrier.arrive $0xFFFF;
	s2 =	simm.s32 @!p0 $0x1C03  }
0xb1: {  	[timem:s3], [sflag:s2] =	dma.local @!p0 [hbm:s0], s1  }
0xb2: {  	s0 =	simm.s32 @!p0 $0x3  }
0xb3: {  	_ =	swait.ge @!p0 [sflag:s0], s1  }
0xb4: {  	s1 =	ssub.s32 @!p0 $0x0, s1;
	[sflag:s0] =	ssyncset.done @!p0 $0x0  }
0xb5: {  	[sflag:s0] =	ssyncadd.s32 @!p0 s1  }
0xb6: {  	[bflag:$0x3] =	sbarrier.arrive $0xFFFF  }
0xb7: {  	_ =	shalt  }

// kernel: kernel.7.cloned.1.call-start
scs
__scs_entry_jumppad:
0x0: {  	(pc) =	sbr.rel $0x88, $3  }
0x1: {  	(tag) =	ssettag $0x0;
	lr =	simm.s32 $0x1  }
0x2: {  	[smem:$0x3F97] =	sst lr;
	_ =	strace $0xD0000000  }
0x3: {  	_ = 	snop  }
0x4: {  	_ = 	snop  }
0x5: {  	_ = 	snop  }
0x6: {  	_ = 	snop  }
0x7: {  	_ = 	snop  }
__scs_overlays_trampoline_lowered:
0x8: {  	[smem:$0x3FA6] =	sst s0  }
0x9: {  	[smem:$0x3FA7] =	sst s1  }
0xa: {  	[smem:$0x3FA8] =	sst s2  }
0xb: {  	[smem:$0x3FA9] =	sst s3  }
0xc: {  	[smem:$0x3FAA] =	sst s4  }
0xd: {  	[smem:$0x3FAB] =	sst s5  }
0xe: {  	[smem:$0x3FAC] =	sst s6  }
0xf: {  	[smem:$0x3FAD] =	sst s7  }
0x10: {  	[smem:$0x3FAE] =	sst s8  }
0x11: {  	[smem:$0x3FAF] =	sst s9;
	s0 =	simm.s32 @!p0 $0x0  }
0x12: {  	s1 =	sld [smem:$0x3F95];
	s0 =	simm.s32 @p0 $0x1  }
0x13: {  	[smem:$0x3FB0] =	sst s0;
	s0 =	simm.s32 @!p1 $0x0  }
0x14: {  	s2 =	sld [smem:$0x3F94];
	s0 =	simm.s32 @p1 $0x1  }
0x15: {  	[smem:$0x3FB1] =	sst s0;
	s0 =	simm.s32 @!p2 $0x0  }
0x16: {  	s3 =	sld [smem:$0x3FDB];
	s0 =	simm.s32 @p2 $0x1  }
0x17: {  	s4 =	simm.s32 $0x1BF5;
	[smem:$0x3FB3] =	sst s0  }
0x18: {  	s0 =	sld [smem:$0x3F96];
	_ =	swait.ge [sflag:s4], $0x0  }
0x19: {  	s7 =	sld [smem:$0x3F97]  }
0x1a: {  	s8 =	sadd.s32 $0xFFFFE003, lr  }
0x1b: {  	s9 =	sadd.s32 $0xFFFFFEF7, lr;
	s5 =	simm.s32 $0xFFFFFFFF;
	p2 =	slt.u32 s8, $0xFFFFF086  }
0x1c: {  	p1 =	slt.u32 s9, $0xF7A;
	s5 =	simm.s32 @!p2 $0x0  }
0x1d: {  	s5 =	simm.s32 @p1 $0x1;
	p0 =	seq.s32 s7, s2  }
0x1e: {  	s7 =	smul.u32 @!p0 $0xF7A, s2;
	p2 =	seq.s32 @!p0 s5, $0x0  }
0x1f: {  	s9 =	smul.u32 $0xF7A, s1;
	s8 =	simm.s32 @!p0 $0x1BF5;
	p2 =	por !p2, p0  }
0x20: {  	[sflag:s8] =	ssyncset.s32 @!p0 $0xFFFFF086;
	s6 =	sadd.s32 @!p0 s3, s7;
	s7 =	simm.s32 @!p0 $0x108  }
0x21: {  	s3 =	sadd.s32 s3, s9;
	s6 =	sadd.s32 @!p0 $0x88, s6;
	s7 =	simm.s32 @p2 $0x1082  }
0x22: {  	[simem:s7], [sflag:s8] =	dma.local @!p0 [hbm:s6], $0xF7A  }
0x23: {  	s9 =	sor.u32 $0xD0000000, s2;
	s6 =	simm.s32 $0x108;
	_ =	swait.ge @!p0 [sflag:s8], $0x0  }
0x24: {  	s3 =	sadd.s32 $0x88, s3;
	s6 =	simm.s32 @!p1 $0x1082;
	[sflag:s4] =	ssyncset.s32 $0xFFFFF086  }
0x25: {  	[simem:s6], [sflag:s4] =	dma.local [hbm:s3], $0xF7A  }
0x26: {  	[smem:$0x3F97] =	sst s1;
	(tag) =	ssettag s2;
	_ =	strace s9  }
0x27: {  	s1 =	sld [smem:$0x3FA7]  }
0x28: {  	s2 =	sld [smem:$0x3FA8]  }
0x29: {  	s4 =	sld [smem:$0x3FAA]  }
0x2a: {  	p0 =	seq.s32 s5, $0x0;
	s5 =	sld [smem:$0x3FAB]  }
0x2b: {  	s6 =	sld [smem:$0x3FAC]  }
0x2c: {  	s7 =	sld [smem:$0x3FAD]  }
0x2d: {  	s3 =	simm.s32 $0x108;
	s8 =	sld [smem:$0x3FAE]  }
0x2e: {  	s3 =	simm.s32 @!p0 $0x1082;
	s9 =	sld [smem:$0x3FAF]  }
0x2f: {  	lr =	sadd.s32 s0, s3;
	s0 =	sld [smem:$0x3FA6]  }
0x30: {  	s3 =	sld [smem:$0x3FA9]  }
0x31: {  	[smem:$0x3FB2] =	sst s10  }
0x32: {  	s10 =	sld [smem:$0x3FB0];
	_ =	sdelay $0x3  }
0x33: {  	p0 =	seq.s32 s10, $0x1;
	s10 =	sld [smem:$0x3FB2];
	_ =	sdelay $0x3  }
0x34: {  	[smem:$0x3FB2] =	sst s10  }
0x35: {  	s10 =	sld [smem:$0x3FB1];
	_ =	sdelay $0x3  }
0x36: {  	p1 =	seq.s32 s10, $0x1;
	s10 =	sld [smem:$0x3FB2];
	_ =	sdelay $0x3  }
0x37: {  	[smem:$0x3FB2] =	sst s10  }
0x38: {  	s10 =	sld [smem:$0x3FB3]  }
0x39: {  	_ = 	snop;
	(pc) =	sbr.ind lr, $3  }
0x3a: {  	_ = 	snop  }
0x3b: {  	_ = 	snop  }
0x3c: {  	p2 =	seq.s32 s10, $0x1;
	s10 =	sld [smem:$0x3FB2]  }
0x3d: {  	_ =	shalt  }
0x3e: {  	_ =	shalt  }
0x3f: {  	_ =	shalt  }
0x40: {  	_ =	shalt  }
0x41: {  	_ =	shalt  }
0x42: {  	_ =	shalt  }
0x43: {  	_ =	shalt  }
0x44: {  	_ =	shalt  }
0x45: {  	_ =	shalt  }
0x46: {  	_ =	shalt  }
0x47: {  	_ =	shalt  }
0x48: {  	_ =	shalt  }
0x49: {  	_ =	shalt  }
0x4a: {  	_ =	shalt  }
0x4b: {  	_ =	shalt  }
0x4c: {  	_ =	shalt  }
0x4d: {  	_ =	shalt  }
0x4e: {  	_ =	shalt  }
0x4f: {  	_ =	shalt  }
0x50: {  	_ =	shalt  }
0x51: {  	_ =	shalt  }
0x52: {  	_ =	shalt  }
0x53: {  	_ =	shalt  }
0x54: {  	_ =	shalt  }
0x55: {  	_ =	shalt  }
0x56: {  	_ =	shalt  }
0x57: {  	_ =	shalt  }
0x58: {  	_ =	shalt  }
0x59: {  	_ =	shalt  }
0x5a: {  	_ =	shalt  }
0x5b: {  	_ =	shalt  }
0x5c: {  	_ =	shalt  }
0x5d: {  	_ =	shalt  }
0x5e: {  	_ =	shalt  }
0x5f: {  	_ =	shalt  }
0x60: {  	_ =	shalt  }
0x61: {  	_ =	shalt  }
0x62: {  	_ =	shalt  }
0x63: {  	_ =	shalt  }
0x64: {  	_ =	shalt  }
0x65: {  	_ =	shalt  }
0x66: {  	_ =	shalt  }
0x67: {  	_ =	shalt  }
0x68: {  	_ =	shalt  }
0x69: {  	_ =	shalt  }
0x6a: {  	_ =	shalt  }
0x6b: {  	_ =	shalt  }
0x6c: {  	_ =	shalt  }
0x6d: {  	_ =	shalt  }
0x6e: {  	_ =	shalt  }
0x6f: {  	_ =	shalt  }
0x70: {  	_ =	shalt  }
0x71: {  	_ =	shalt  }
0x72: {  	_ =	shalt  }
0x73: {  	_ =	shalt  }
0x74: {  	_ =	shalt  }
0x75: {  	_ =	shalt  }
0x76: {  	_ =	shalt  }
0x77: {  	_ =	shalt  }
0x78: {  	_ =	shalt  }
0x79: {  	_ =	shalt  }
0x7a: {  	_ =	shalt  }
0x7b: {  	_ =	shalt  }
0x7c: {  	_ =	shalt  }
0x7d: {  	_ =	shalt  }
0x7e: {  	_ =	shalt  }
0x7f: {  	_ =	shalt  }
0x80: {  	_ =	shalt  }
0x81: {  	_ =	shalt  }
0x82: {  	_ =	shalt  }
0x83: {  	_ =	shalt  }
0x84: {  	_ =	shalt  }
0x85: {  	_ =	shalt  }
0x86: {  	_ =	shalt  }
0x87: {  	_ =	shalt  }
.Lfunc_end0:
.L_simem_size_0:
called_computation_lowered:
.L_overlay_start_0:
0x88: {  	s2 =	sld [smem:$0x3FD9]  }
0x89: {  	s3 =	sld [smem:$0x3FFE];
	_ =	sdelay $0x1  }
0x8a: {  	s1 =	srdreg.scid  }
0x8b: {  	s0 =	sand.u32 $0x1, s1  }
0x8c: {  	s17 =	sshll.u32 s0, $0xA;
	s2 =	sadd.s32 s3, s2  }
0x8d: {  	s2 =	sadd.s32 s2, s17  }
0x8e: {  	[smem:$0x3FBE] =	sst s2  }
0x8f: {  	_ = 	snop  }
0x90: {  	s2 =	sld [smem:$0x3FC9]  }
0x91: {  	s18 =	sld [smem:$0x3FD0];
	(tm) =	ssettm $0x1  }
0x92: {  	s4 =	sld [smem:$0x3FFB];
	_ =	sdelay $0x3  }
0x93: {  	_ =	strace s4  }
0x94: {  	s4 =	sld [smem:$0x3FFC];
	_ =	sdelay $0x3  }
0x95: {  	_ =	strace s4  }
0x96: {  	s4 =	sld [smem:$0x3FFD];
	_ =	sdelay $0x3  }
0x97: {  	_ =	strace s4  }
0x98: {  	_ =	strace $0x8FFFFFFF  }
0x99: {  	s19 =	sld [smem:$0x3FDB];
	_ =	sdelay $0x1  }
0x9a: {  	s5 =	simm.s32 $_scs_section_size  }
0x9b: {  	s6 =	simm.s32 $_size__tile_overlayer_lowered;
	s7 =	simm.s32 $_tile_overlayer_lowered  }
0x9c: {  	s22 =	simm.s32 $0x1BFF;
	s21 =	sshll.u32 s7, $0x1;
	s4 =	sadd.s32 s5, s19  }
0x9d: {  	s8 =	simm.s32 $0x0;
	s20 =	sshll.u32 s6, $0x1;
	s6 =	sadd.s32 s21, s4  }
0x9e: {  	[timem:s8], [sflag:s22] =	dma.local [hbm:s6], s20  }
0x9f: {  	_ =	swait.ge [sflag:s22], s20  }
0xa0: {  	s5 =	ssub.s32 $0x0, s20;
	[sflag:s22] =	ssyncset.done $0x0  }
0xa1: {  	[sflag:s22] =	ssyncadd.s32 s5;
	_ =	sdelay $0x1  }
0xa2: {  	s23 =	simm.s32 $0x1B8B  }
0xa3: {  	_ =	swait.ge [sflag:s23], $0x1  }
0xa4: {  	[sflag:s23] =	ssyncset.done $0x0  }
0xa5: {  	s25 =	simm.s32 $0x1B8E;
	s24 =	sld [smem:$0x3FFE];
	[sflag:s23] =	ssyncadd.s32 $0xFFFFFFFF  }
0xa6: {  	s26 =	simm.s32 $execute0_lowered;
	[smem:$0x3FD2] =	sst s25  }
0xa7: {  	s6 =	sshll.u32 s26, $0x1;
	_ =	strace $0x80000046;
	[dreg:$0x1] =	wrdreg $0xFFFFFFFF  }
0xa8: {  	s28 =	simm.s32 $_size_execute0_lowered;
	s4 =	sadd.s32 s4, s6;
	[dreg:$0x0] =	wrdreg $0x0  }
0xa9: {  	s6 =	sshll.u32 s28, $0x1;
	[dreg:$0x2] =	wrdreg s4  }
0xaa: {  	[dreg:$0x3] =	wrdreg s6  }
0xab: {  	[dreg:$0x4] =	wrdreg $0xC0  }
0xac: {  	_ =	task [dreg:s8], $0x5FFFF  }
0xad: {  	[dreg:$0x1] =	wrdreg $0xFFFFFFFF  }
0xae: {  	[dreg:$0x0] =	wrdreg $0x60  }
0xaf: {  	[dreg:$0x2] =	wrdreg s2  }
0xb0: {  	[dreg:$0x3] =	wrdreg s18  }
0xb1: {  	[dreg:$0x4] =	wrdreg s24  }
0xb2: {  	[dreg:$0x5] =	wrdreg $0x0  }
0xb3: {  	[dreg:$0x6] =	wrdreg $0x9  }
0xb4: {  	_ =	task.clear_ibuf [dreg:s8], $0x7FFFF;
	_ =	strace $0x90000046  }
0xb5: {  	s29 =	simm.s32 $0x9;
	_ =	strace $0x80000048  }
0xb6: {  	_ =	swait.ge [sflag:s29], $0x1  }
0xb7: {  	[sflag:s29] =	ssyncadd.s32 $0xFFFFFFFF  }
0xb8: {  	_ =	strace $0x90000048  }
0xb9: {  	_ =	sfence  }
0xba: {  	s30 =	sld [smem:$0x0];
	_ =	sdelay $0x2  }
0xbb: {  	s31 =	sshll.u32 s1, $0xD;
	s1 =	sshrl.u32 s1, $0x2  }
0xbc: {  	s3 =	sand.u32 $0x4000, s31;
	s1 =	sadd.s32 s1, s30  }
0xbd: {  	s0 =	sor.u32 s3, s0;
	s1 =	sshll.u32 s1, $0x11  }
0xbe: {  	s0 =	sor.u32 s1, s0  }
0xbf: {  	s0 =	sadd.s32 $0x8F2B, s0  }
0xc0: {  	[sflag:s0] =	ssyncadd.remote.s32 $0x1  }
0xc1: {  	_ =	sfence.sel $0xFFFF  }
0xc2: {  	[dreg:$0x0] =	wrdreg $0xFFFFFFFF;
	(pc) =	sbr.abs _section_cstart, $3  }
0xc3: {  	[dreg:$0x1] =	wrdreg $0xFFFFFFFF  }
0xc4: {  	_ =	task.clear_ibuf [dreg:s8], $0x2FFFF;
	_ =	strace $0x9FFFFFFF  }
0xc5: {  	(tm) =	ssettm $0x7FFFFFFF  }
tec
execute0_lowered:
.L_overlay_start_1:
0x0: {  	(tag) =	ssettag $0x1  }
0x1: {  	s1 =	rddreg [dreg:$0x0]  }
0x2: {  	s2 =	rddreg [dreg:$0x1];
	s3 =	srdreg.scid  }
0x3: {  	s0 =	stileid.u32;
	s4 =	rddreg [dreg:$0x2]  }
0x4: {  	s7 =	simm.s32 $0x0;
	s14 =	simm.s32 $0x3;
	s15 =	simm.s32 $0x13880  }
0x5: {  	s16 =	simm.s32 $0x50;
	s17 =	simm.s32 $0x1BA80;
	s18 =	simm.s32 $0x2  }
0x6: {  	s21 =	simm.s32 $0x16880;
	s22 =	simm.s32 $0x19280;
	s23 =	simm.s32 $0x1  }
0x7: {  	s24 =	simm.s32 $0x16980;
	s5 =	sand.u32 $0x1, s3;
	s3 =	rddreg [dreg:$0x3]  }
0x8: {  	s6 =	sshll.u32 s0, $0x1;
	[smem:$0x7FF] =	sst s7;
	s25 =	smul.u32 $0x4E000, s0  }
0x9: {  	s11 =	sadd.s32 $0x2C00, s4;
	s10 =	smul.u32 $0x13800, s0;
	s4 =	sadd.s32 $0x50E00, s4  }
0xa: {  	p0 =	sne.s32 s0, $0xF;
	s6 =	sor.u32 s5, s6;
	_ =	strace $0x80000047  }
0xb: {  	s8 =	ssub.s32 $0x2, s5;
	s9 =	smul.u32 $0x138800, s5;
	s7 =	sadd.s32 $0x138000, s3  }
0xc: {  	s6 =	smul.u32 $0x4F0, s6;
	s26 =	sshrl.u32 s8, $0x1;
	s28 =	sshrl.u32 s25, $0x2  }
.Ltmp0:
0xd: {  	s25 =	simm.s32 $0x16900;
	s12 =	ssub.s32 s8, s26;
	(pc) =	sbr.rel .LBB2_1-.Ltmp0, $4  }
0xe: {  	s29 =	sadd.s32 s10, s9;
	s30 =	sshrl.u32 s9, $0x3;
	s26 =	simm.s32 $0x0  }
0xf: {  	s5 =	sadd.s32 s2, s6;
	s6 =	sadd.s32 s28, s3;
	s31 =	sshrl.u32 s29, $0x3  }
0x10: {  	s13 =	sadd.s32 $0x27000, s30;
	s12 =	smax.u32 s12, $0x1;
	s8 =	sadd.s32 s4, s31  }
0x11: {  	v0 =	vimm.f32 $0.0e+00;
	v1 =	vimm.f32 $1.000000000e+00;
	s9 =	sadd.s32 s4, s13;
	s10 =	sadd.s32 s11, s31;
	s11 =	sadd.s32 s11, s13  }
.LBB2_23:
0x12: {  	_ =	swait.ge [sflag:s18], $0x2800  }
0x13: {  	[sflag:s18] =	ssyncset.done $0x0  }
0x14: {  	[sflag:s18] =	ssyncadd.s32 $0xFFFFD800  }
0x15: {  	[bflag:$0x0] =	sbarrier.arrive $0xFFFF  }
0x16: {  	[hbm:s10], [sflag:s28] =	dma.local [spmem:s29], $0x2700  }
0x17: {  	s26 =	sadd.s32 $0x1, s26;
	_ =	swait.ge [sflag:s14], $0x2700  }
0x18: {  	p1 =	sne.s32 s26, s12;
	[sflag:s14] =	ssyncset.done $0x0  }
.Ltmp1:
0x19: {  	s2 =	simm.s32 @!p0 $0x3;
	[sflag:s14] =	ssyncadd.s32 $0xFFFFD900;
	(pc) =	sbr.rel @!p1 .LBB2_24-.Ltmp1, $4  }
0x1a: {  	[hbm:s11], [sflag:s28] =	dma.local @!p0 [spmem:s30], $0x100  }
0x1b: {  	_ =	swait.ge @!p0 [sflag:s2], $0x100  }
0x1c: {  	[sflag:s2] =	ssyncset.done @!p0 $0x0  }
0x1d: {  	[sflag:s2] =	ssyncadd.s32 @!p0 $0xFFFFFF00  }
.LBB2_1:
0x1e: {  	s2 =	simm.s32 $0x0;
	s4 =	simm.s32 $0x14080  }
0x1f: {  	[tilespmem:s4], [sflag:$0x3] =	stream.linear.gather [hbm4b:s5+s2], $0x2780, $0x38;
	[tilespmem:$0x1E280] =	vst v63  }
0x20: {  	_ =	swait.ge [sflag:s14], $0x2780  }
0x21: {  	[sflag:s14] =	ssyncset.done $0x0  }
0x22: {  	s2 =	simm.s32 $0x0;
	s4 =	simm.s32 $0x200;
	[sflag:s14] =	ssyncadd.s32 $0xFFFFD880  }
.LBB2_2:
0x23: {  	p1 =	sne.s32 s4, $0x1E00;
	[tilespmem:s2+$0x138F0] =	vst v0  }
0x24: {  	[tilespmem:s2+$0x13880] =	vst v0  }
0x25: {  	[tilespmem:s2+$0x13890] =	vst v0  }
.Ltmp2:
0x26: {  	[tilespmem:s2+$0x138A0] =	vst v0;
	(pc) =	sbr.rel @p1 .LBB2_2-.Ltmp2, $4  }
0x27: {  	[tilespmem:s2+$0x138B0] =	vst v0  }
0x28: {  	[tilespmem:s2+$0x138C0] =	vst v0  }
0x29: {  	[tilespmem:s2+$0x138D0] =	vst v0  }
0x2a: {  	[tilespmem:s2+$0x138E0] =	vst v0;
	s2 =	sshra.s32 s4, $0x2;
	s4 =	sadd.s32 $0x200, s4  }
0x2b: {  	[tilespmem:s2+$0x138F0] =	vst v0  }
0x2c: {  	[tilespmem:s2+$0x13880] =	vst v0  }
0x2d: {  	[tilespmem:s2+$0x13890] =	vst v0  }
0x2e: {  	[tilespmem:s2+$0x138A0] =	vst v0  }
0x2f: {  	[tilespmem:s2+$0x138B0] =	vst v0  }
0x30: {  	[tilespmem:s2+$0x138C0] =	vst v0  }
0x31: {  	[tilespmem:s2+$0x138D0] =	vst v0  }
0x32: {  	[tilespmem:s2+$0x138E0] =	vst v0;
	s31 =	sadd.s32 $0x0, s6  }
0x33: {  	[spmem:s31] =	stream.linear.scatter [tilespmem:s15], [sflag:$0x3], $0x800, $0x38;
	[tilespmem:$0x1E280] =	vst v63  }
0x34: {  	s2 =	simm.s32 $0x2000;
	_ =	swait.ge [sflag:s14], $0x800  }
.LBB2_4:
0x35: {  	s4 =	sshra.s32 s2, $0x2;
	[sflag:s14] =	ssyncset.done $0x0;
	p1 =	sne.s32 s2, $0x4C000  }
.Ltmp3:
0x36: {  	s4 =	sadd.s32 s4, s6;
	[sflag:s14] =	ssyncadd.s32 $0xFFFFF800;
	(pc) =	sbr.rel @p1 .LBB2_4-.Ltmp3, $3  }
0x37: {  	[spmem:s4] =	stream.linear.scatter [tilespmem:s15], [sflag:$0x3], $0x800, $0x38;
	[tilespmem:$0x1E280] =	vst v63  }
0x38: {  	s2 =	sadd.s32 $0x2000, s2;
	_ =	sdelay $0x1  }
0x39: {  	_ =	swait.ge [sflag:s14], $0x800  }
0x3a: {  	[sflag:s14] =	ssyncset.done $0x0  }
0x3b: {  	s2 =	simm.s32 @!p0 $0x13880;
	[sflag:s14] =	ssyncadd.s32 $0xFFFFF800  }
0x3c: {  	[spmem:s7] =	stream.linear.scatter @!p0 [tilespmem:s2], [sflag:$0x3], $0x800, $0x38;
	[tilespmem:$0x1E280] =	vst v63  }
0x3d: {  	s2 =	simm.s32 @!p0 $0x3  }
0x3e: {  	_ =	swait.ge @!p0 [sflag:s2], $0x800  }
0x3f: {  	[sflag:s2] =	ssyncset.done @!p0 $0x0  }
0x40: {  	s4 =	simm.s32 $0x200;
	[sflag:s2] =	ssyncadd.s32 @!p0 $0xFFFFF800;
	s2 =	simm.s32 $0x0  }
.LBB2_6:
0x41: {  	p1 =	sne.s32 s4, $0x9E00;
	[tilespmem:s2+$0x1BAF0] =	vst v1  }
0x42: {  	[tilespmem:s2+$0x1BA80] =	vst v1  }
0x43: {  	[tilespmem:s2+$0x1BA90] =	vst v1  }
.Ltmp4:
0x44: {  	[tilespmem:s2+$0x1BAA0] =	vst v1;
	(pc) =	sbr.rel @p1 .LBB2_6-.Ltmp4, $4  }
0x45: {  	[tilespmem:s2+$0x1BAB0] =	vst v1  }
0x46: {  	[tilespmem:s2+$0x1BAC0] =	vst v1  }
0x47: {  	[tilespmem:s2+$0x1BAD0] =	vst v1  }
0x48: {  	[tilespmem:s2+$0x1BAE0] =	vst v1;
	s2 =	sshra.s32 s4, $0x2;
	s4 =	sadd.s32 $0x200, s4  }
0x49: {  	[tilespmem:s2+$0x1BAF0] =	vst v1  }
0x4a: {  	[tilespmem:s2+$0x1BA80] =	vst v1  }
0x4b: {  	[tilespmem:s2+$0x1BA90] =	vst v1  }
0x4c: {  	[tilespmem:s2+$0x1BAA0] =	vst v1  }
0x4d: {  	[tilespmem:s2+$0x1BAB0] =	vst v1  }
.Ltmp5:
0x4e: {  	[tilespmem:s2+$0x1BAC0] =	vst v1;
	(pc) =	sbr.rel .LBB2_8-.Ltmp5, $4  }
0x4f: {  	[tilespmem:s2+$0x1BAD0] =	vst v1  }
0x50: {  	[tilespmem:s2+$0x1BAE0] =	vst v1  }
0x51: {  	[bflag:$0x0] =	sbarrier.arrive $0xFFFF  }
0x52: {  	s2 =	simm.s32 $0x0;
	s4 =	simm.s32 $0x140A0  }
.LBB2_10:
0x53: {  	[tilespmem:$0x16A00] =	vst v2  }
0x54: {  	v2 =	vld [tilespmem:s4+$0xFFFFFFF0];
	_ =	sdelay $0x4  }
0x55: {  	v2 =	vshrl.u32 v2, $0x10  }
0x56: {  	[tilespmem:$0x16A10] =	vst v2  }
0x57: {  	v2 =	vld [tilespmem:s4+$0x0];
	_ =	sdelay $0x4  }
0x58: {  	v2 =	vshrl.u32 v2, $0x10  }
0x59: {  	[tilespmem:$0x16A20] =	vst v2  }
0x5a: {  	v2 =	vld [tilespmem:s4+$0x10];
	_ =	sdelay $0x4  }
0x5b: {  	v2 =	vshrl.u32 v2, $0x10  }
0x5c: {  	[tilespmem:$0x16A30] =	vst v2  }
0x5d: {  	v2 =	vld [tilespmem:s4+$0x20];
	_ =	sdelay $0x4  }
0x5e: {  	v2 =	vshrl.u32 v2, $0x10  }
0x5f: {  	s13 =	simm.s32 $0x16A00;
	[tilespmem:$0x16A40] =	vst v2  }
.LBB2_11:
0x60: {  	[spmem:s3] =	stream.indirect.scatter.add.f32 [tilespmem:s17], [sflag:$0x2], $0x80, s13, s16, $0xb8;
	[tilespmem:$0x1E280] =	vst v63  }
0x61: {  	p1 =	slt.u32 s2, $0x2;
	s2 =	sadd.s32 $0x1, s2  }
0x62: {  	p2 =	sne.s32 s2, $0x7D  }
.Ltmp6:
0x63: {  	_ = 	snop;
	(pc) =	sbr.rel @!p2 .LBB2_12-.Ltmp6, $4  }
0x64: {  	s13 =	simm.s32 @!p1 $0x2  }
0x65: {  	_ =	swait.ge @!p1 [sflag:s13], $0x2800  }
0x66: {  	[sflag:s13] =	ssyncset.done @!p1 $0x0  }
0x67: {  	s4 =	sadd.s32 $0x50, s4;
	[sflag:s13] =	ssyncadd.s32 @!p1 $0xFFFFD800  }
.LBB2_8:
0x68: {  	s13 =	smul.u32 $0xAB, s2;
	_ =	sdelay $0x1  }
0x69: {  	s13 =	sshrl.u32 s13, $0x9  }
0x6a: {  	s13 =	sand.u32 $0x7F, s13  }
0x6b: {  	s13 =	smul.u32 $0x3, s13;
	_ =	sdelay $0x1  }
0x6c: {  	s13 =	ssub.s32 s2, s13  }
0x6d: {  	s13 =	sand.u32 $0xFF, s13  }
0x6e: {  	v2 =	vld [tilespmem:s4+$0xFFFFFFE0];
	p1 =	seq.s32 s13, $0x2  }
.Ltmp7:
0x6f: {  	_ = 	snop;
	(pc) =	sbr.rel @p1 .LBB2_10-.Ltmp7, $2  }
0x70: {  	_ =	sdelay $0x2  }
0x71: {  	v2 =	vshrl.u32 v2, $0x10  }
0x72: {  	p1 =	seq.s32 s13, $0x1  }
0x73: {  	[tilespmem:$0x16980] =	vst @p1 v2  }
0x74: {  	v2 =	vld @p1 [tilespmem:s4+$0xFFFFFFF0];
	_ =	sdelay $0x4  }
0x75: {  	v2 =	vshrl.u32 @p1 v2, $0x10  }
0x76: {  	[tilespmem:$0x16990] =	vst @p1 v2  }
0x77: {  	v2 =	vld @p1 [tilespmem:s4+$0x0];
	_ =	sdelay $0x4  }
0x78: {  	v2 =	vshrl.u32 @p1 v2, $0x10  }
0x79: {  	[tilespmem:$0x169A0] =	vst @p1 v2  }
0x7a: {  	v2 =	vld @p1 [tilespmem:s4+$0x10];
	_ =	sdelay $0x4  }
0x7b: {  	v2 =	vshrl.u32 @p1 v2, $0x10  }
0x7c: {  	[tilespmem:$0x169B0] =	vst @p1 v2  }
0x7d: {  	v2 =	vld @p1 [tilespmem:s4+$0x20];
	_ =	sdelay $0x4  }
0x7e: {  	v2 =	vshrl.u32 @p1 v2, $0x10  }
0x7f: {  	[tilespmem:$0x169C0] =	vst @p1 v2  }
0x80: {  	[tilespmem:$0x16900] =	vst @!p1 v2  }
0x81: {  	v2 =	vld @!p1 [tilespmem:s4+$0xFFFFFFF0];
	_ =	sdelay $0x4  }
0x82: {  	v2 =	vshrl.u32 @!p1 v2, $0x10  }
0x83: {  	[tilespmem:$0x16910] =	vst @!p1 v2  }
0x84: {  	v2 =	vld @!p1 [tilespmem:s4+$0x0];
	_ =	sdelay $0x4  }
0x85: {  	v2 =	vshrl.u32 @!p1 v2, $0x10  }
0x86: {  	[tilespmem:$0x16920] =	vst @!p1 v2  }
0x87: {  	v2 =	vld @!p1 [tilespmem:s4+$0x10];
	_ =	sdelay $0x4  }
0x88: {  	v2 =	vshrl.u32 @!p1 v2, $0x10  }
0x89: {  	[tilespmem:$0x16930] =	vst @!p1 v2  }
0x8a: {  	v2 =	vld @!p1 [tilespmem:s4+$0x20];
	_ =	sdelay $0x1  }
.Ltmp8:
0x8b: {  	_ = 	snop;
	(pc) =	sbr.rel .LBB2_11-.Ltmp8, $3  }
0x8c: {  	_ =	sdelay $0x1  }
0x8d: {  	s13 =	simm.s32 @p1 $0x16980;
	v2 =	vshrl.u32 @!p1 v2, $0x10  }
0x8e: {  	s13 =	simm.s32 @!p1 $0x16900;
	[tilespmem:$0x16940] =	vst @!p1 v2  }
.LBB2_12:
0x8f: {  	_ =	swait.ge [sflag:s18], $0x2800  }
0x90: {  	[sflag:s18] =	ssyncset.done $0x0  }
0x91: {  	[sflag:s18] =	ssyncadd.s32 $0xFFFFD800  }
0x92: {  	_ =	swait.ge [sflag:s18], $0x2800  }
0x93: {  	[sflag:s18] =	ssyncset.done $0x0  }
0x94: {  	s2 =	sshll.u32 s0, $0x6;
	[sflag:s18] =	ssyncadd.s32 $0xFFFFD800  }
0x95: {  	s29 =	sshrl.u32 s6, $0x3;
	s28 =	sor.u32 $0x1C03, s2;
	[bflag:$0x0] =	sbarrier.arrive $0xFFFF  }
0x96: {  	[hbm:s8], [sflag:s28] =	dma.local [spmem:s29], $0x2700  }
0x97: {  	_ =	swait.ge [sflag:s14], $0x2700  }
0x98: {  	[sflag:s14] =	ssyncset.done $0x0  }
0x99: {  	s30 =	sshrl.u32 @!p0 s7, $0x3;
	s2 =	simm.s32 @!p0 $0x3;
	[sflag:s14] =	ssyncadd.s32 $0xFFFFD900  }
0x9a: {  	[hbm:s9], [sflag:s28] =	dma.local @!p0 [spmem:s30], $0x100  }
0x9b: {  	_ =	swait.ge @!p0 [sflag:s2], $0x100  }
0x9c: {  	[sflag:s2] =	ssyncset.done @!p0 $0x0  }
0x9d: {  	s4 =	simm.s32 $0x200;
	[sflag:s2] =	ssyncadd.s32 @!p0 $0xFFFFFF00;
	s2 =	simm.s32 $0x0  }
.LBB2_13:
0x9e: {  	p1 =	sne.s32 s4, $0x1E00;
	[tilespmem:s2+$0x138F0] =	vst v0  }
0x9f: {  	[tilespmem:s2+$0x13880] =	vst v0  }
0xa0: {  	[tilespmem:s2+$0x13890] =	vst v0  }
.Ltmp9:
0xa1: {  	[tilespmem:s2+$0x138A0] =	vst v0;
	(pc) =	sbr.rel @p1 .LBB2_13-.Ltmp9, $4  }
0xa2: {  	[tilespmem:s2+$0x138B0] =	vst v0  }
0xa3: {  	[tilespmem:s2+$0x138C0] =	vst v0  }
0xa4: {  	[tilespmem:s2+$0x138D0] =	vst v0  }
0xa5: {  	[tilespmem:s2+$0x138E0] =	vst v0;
	s2 =	sshra.s32 s4, $0x2;
	s4 =	sadd.s32 $0x200, s4  }
0xa6: {  	[tilespmem:s2+$0x138F0] =	vst v0  }
0xa7: {  	[tilespmem:s2+$0x13880] =	vst v0  }
0xa8: {  	[tilespmem:s2+$0x13890] =	vst v0  }
0xa9: {  	[tilespmem:s2+$0x138A0] =	vst v0  }
0xaa: {  	[tilespmem:s2+$0x138B0] =	vst v0  }
0xab: {  	[tilespmem:s2+$0x138C0] =	vst v0  }
0xac: {  	[tilespmem:s2+$0x138D0] =	vst v0  }
0xad: {  	[tilespmem:s2+$0x138E0] =	vst v0;
	s31 =	sadd.s32 $0x0, s6  }
0xae: {  	[spmem:s31] =	stream.linear.scatter [tilespmem:s15], [sflag:$0x3], $0x800, $0x38;
	[tilespmem:$0x1E280] =	vst v63  }
0xaf: {  	s2 =	simm.s32 $0x2000;
	_ =	swait.ge [sflag:s14], $0x800  }
.LBB2_15:
0xb0: {  	s4 =	sshra.s32 s2, $0x2;
	[sflag:s14] =	ssyncset.done $0x0;
	p1 =	sne.s32 s2, $0x4C000  }
.Ltmp10:
0xb1: {  	s4 =	sadd.s32 s4, s6;
	[sflag:s14] =	ssyncadd.s32 $0xFFFFF800;
	(pc) =	sbr.rel @p1 .LBB2_15-.Ltmp10, $3  }
0xb2: {  	[spmem:s4] =	stream.linear.scatter [tilespmem:s15], [sflag:$0x3], $0x800, $0x38;
	[tilespmem:$0x1E280] =	vst v63  }
0xb3: {  	s2 =	sadd.s32 $0x2000, s2;
	_ =	sdelay $0x1  }
0xb4: {  	_ =	swait.ge [sflag:s14], $0x800  }
0xb5: {  	[sflag:s14] =	ssyncset.done $0x0  }
0xb6: {  	s2 =	simm.s32 @!p0 $0x13880;
	[sflag:s14] =	ssyncadd.s32 $0xFFFFF800  }
0xb7: {  	[spmem:s7] =	stream.linear.scatter @!p0 [tilespmem:s2], [sflag:$0x3], $0x800, $0x38;
	[tilespmem:$0x1E280] =	vst v63  }
0xb8: {  	s2 =	simm.s32 @!p0 $0x3  }
0xb9: {  	_ =	swait.ge @!p0 [sflag:s2], $0x800  }
0xba: {  	[sflag:s2] =	ssyncset.done @!p0 $0x0  }
0xbb: {  	[sflag:s2] =	ssyncadd.s32 @!p0 $0xFFFFF800  }
0xbc: {  	[bflag:$0x0] =	sbarrier.arrive $0xFFFF  }
0xbd: {  	v2 =	vld [tilespmem:$0x14080]  }
0xbe: {  	v3 =	vld [tilespmem:$0x14090]  }
0xbf: {  	v4 =	vld [tilespmem:$0x140A0]  }
0xc0: {  	v5 =	vld [tilespmem:$0x140B0]  }
0xc1: {  	v6 =	vld [tilespmem:$0x140C0]  }
0xc2: {  	v2 =	vand.u32 $0xFFFF, v2  }
0xc3: {  	[tilespmem:$0x16800] =	vst v2;
	v2 =	vand.u32 $0xFFFF, v3  }
0xc4: {  	[tilespmem:$0x16810] =	vst v2;
	v2 =	vand.u32 $0xFFFF, v4  }
0xc5: {  	[tilespmem:$0x16820] =	vst v2;
	v2 =	vand.u32 $0xFFFF, v5  }
0xc6: {  	[tilespmem:$0x16830] =	vst v2;
	v2 =	vand.u32 $0xFFFF, v6  }
0xc7: {  	s20 =	simm.s32 $0x16800;
	s4 =	simm.s32 $0x16A80;
	[tilespmem:$0x16840] =	vst v2  }
0xc8: {  	[tilespmem:s4], [sflag:$0x1] =	stream.indirect.gather [hbm4b:s1+s16], $0x80, s20, s16, $0xb8;
	[tilespmem:$0x1E280] =	vst v63  }
0xc9: {  	v2 =	vld [tilespmem:$0x140D0]  }
0xca: {  	v3 =	vld [tilespmem:$0x140E0]  }
0xcb: {  	v61 =	vld [tilespmem:$0x140F0]  }
0xcc: {  	v62 =	vld [tilespmem:$0x14100]  }
0xcd: {  	v63 =	vld [tilespmem:$0x14110]  }
0xce: {  	v2 =	vand.u32 $0xFFFF, v2  }
0xcf: {  	[tilespmem:$0x16880] =	vst v2;
	v2 =	vand.u32 $0xFFFF, v3  }
.Ltmp11:
0xd0: {  	[tilespmem:$0x16890] =	vst v2;
	v2 =	vand.u32 $0xFFFF, v61;
	(pc) =	sbr.rel .LBB2_17-.Ltmp11, $4  }
0xd1: {  	[tilespmem:$0x168A0] =	vst v2;
	v2 =	vand.u32 $0xFFFF, v62  }
0xd2: {  	[tilespmem:$0x168B0] =	vst v2;
	v2 =	vand.u32 $0xFFFF, v63  }
0xd3: {  	s31 =	simm.s32 $0x0;
	s2 =	simm.s32 $0x14080;
	s4 =	simm.s32 $0x0;
	[tilespmem:$0x168C0] =	vst v2  }
0xd4: {  	[tilespmem:s22], [sflag:$0x1] =	stream.indirect.gather [hbm4b:s1+s16], $0x80, s21, s16, $0xb8;
	[tilespmem:$0x1E280] =	vst v63  }
.LBB2_21:
0xd5: {  	v2 =	vld [tilespmem:s2+$0xA0];
	_ =	sdelay $0x4  }
0xd6: {  	s13 =	sand.u32 $0x80, s31;
	v2 =	vand.u32 $0xFFFF, v2  }
0xd7: {  	[tilespmem:s13+$0x16800] =	vst v2  }
0xd8: {  	v2 =	vld [tilespmem:s2+$0xB0];
	_ =	sdelay $0x4  }
0xd9: {  	v2 =	vand.u32 $0xFFFF, v2  }
0xda: {  	[tilespmem:s13+$0x16810] =	vst v2  }
0xdb: {  	v2 =	vld [tilespmem:s2+$0xC0];
	_ =	sdelay $0x4  }
0xdc: {  	v2 =	vand.u32 $0xFFFF, v2  }
0xdd: {  	[tilespmem:s13+$0x16820] =	vst v2  }
0xde: {  	v2 =	vld [tilespmem:s2+$0xD0]  }
0xdf: {  	s19 =	sadd.s32 $0x2, s4  }
0xe0: {  	s20 =	smul.u32 $0xAB, s19;
	_ =	sdelay $0x1  }
0xe1: {  	s20 =	sshrl.u32 s20, $0x9  }
0xe2: {  	s20 =	sand.u32 $0x7F, s20;
	v2 =	vand.u32 $0xFFFF, v2  }
0xe3: {  	s20 =	smul.u32 $0x3, s20;
	[tilespmem:s13+$0x16830] =	vst v2  }
0xe4: {  	v2 =	vld [tilespmem:s2+$0xE0]  }
0xe5: {  	s19 =	ssub.s32 s19, s20  }
0xe6: {  	s19 =	sand.u32 $0xFF, s19  }
0xe7: {  	s19 =	smul.u32 $0xA000, s19;
	_ =	sdelay $0x1  }
0xe8: {  	s19 =	sshrl.u32 s19, $0x2;
	v2 =	vand.u32 $0xFFFF, v2  }
0xe9: {  	s20 =	sor.u32 $0x16800, s13;
	s19 =	sadd.s32 $0x16A80, s19;
	[tilespmem:s13+$0x16840] =	vst v2  }
0xea: {  	[tilespmem:s19], [sflag:$0x1] =	stream.indirect.gather [hbm4b:s1+s16], $0x80, s20, s16, $0xb8;
	[tilespmem:$0x1E280] =	vst v63  }
.LBB2_22:
0xeb: {  	s31 =	sadd.s32 $0x80, s31  }
0xec: {  	p1 =	sne.s32 s31, $0x3E80  }
.Ltmp12:
0xed: {  	_ = 	snop;
	(pc) =	sbr.rel @!p1 .LBB2_23-.Ltmp12, $2  }
0xee: {  	_ =	sdelay $0x2  }
0xef: {  	s4 =	sadd.s32 $0x1, s4;
	s2 =	sadd.s32 $0x50, s2  }
.LBB2_17:
0xf0: {  	s13 =	smul.u32 $0xAB, s4;
	_ =	sdelay $0x1  }
0xf1: {  	s13 =	sshrl.u32 s13, $0x9  }
0xf2: {  	_ =	swait.ge [sflag:s23], $0x2800;
	s13 =	sand.u32 $0x7F, s13  }
0xf3: {  	[sflag:s23] =	ssyncset.done $0x0;
	s13 =	smul.u32 $0x3, s13  }
0xf4: {  	s19 =	sand.u32 $0x1, s4;
	[sflag:s23] =	ssyncadd.s32 $0xFFFFD800  }
0xf5: {  	p1 =	seq.s32 s19, $0x0;
	v2 =	vld [tilespmem:s2+$0x0];
	s13 =	ssub.s32 s4, s13  }
.Ltmp13:
0xf6: {  	s13 =	sand.u32 $0xFF, s13;
	(pc) =	sbr.rel @p1 .LBB2_19-.Ltmp13, $3  }
0xf7: {  	s13 =	smul.u32 $0xA000, s13;
	_ =	sdelay $0x1  }
0xf8: {  	s13 =	sshrl.u32 s13, $0x2  }
0xf9: {  	v2 =	vshrl.u32 v2, $0x10;
	s13 =	sadd.s32 $0x16A80, s13  }
0xfa: {  	[tilespmem:$0x16980] =	vst v2  }
0xfb: {  	v2 =	vld [tilespmem:s2+$0x10];
	_ =	sdelay $0x4  }
0xfc: {  	v2 =	vshrl.u32 v2, $0x10  }
0xfd: {  	[tilespmem:$0x16990] =	vst v2  }
0xfe: {  	v2 =	vld [tilespmem:s2+$0x20];
	_ =	sdelay $0x4  }
0xff: {  	v2 =	vshrl.u32 v2, $0x10  }
0x100: {  	[tilespmem:$0x169A0] =	vst v2  }
0x101: {  	v2 =	vld [tilespmem:s2+$0x30];
	_ =	sdelay $0x4  }
0x102: {  	v2 =	vshrl.u32 v2, $0x10  }
0x103: {  	[tilespmem:$0x169B0] =	vst v2  }
0x104: {  	v2 =	vld [tilespmem:s2+$0x40];
	_ =	sdelay $0x2  }
.Ltmp14:
0x105: {  	_ = 	snop;
	(pc) =	sbr.rel .LBB2_20-.Ltmp14, $4  }
0x106: {  	_ = 	snop  }
0x107: {  	v2 =	vshrl.u32 v2, $0x10  }
0x108: {  	[tilespmem:$0x169C0] =	vst v2  }
0x109: {  	[spmem:s3] =	stream.indirect.scatter.add.f32 [tilespmem:s13], [sflag:$0x2], $0x80, s24, s16, $0xb8;
	[tilespmem:$0x1E280] =	vst v63  }
.LBB2_19:
0x10a: {  	[tilespmem:$0x16900] =	vst v2  }
0x10b: {  	v2 =	vld [tilespmem:s2+$0x10];
	_ =	sdelay $0x4  }
0x10c: {  	v2 =	vshrl.u32 v2, $0x10  }
0x10d: {  	[tilespmem:$0x16910] =	vst v2  }
0x10e: {  	v2 =	vld [tilespmem:s2+$0x20];
	_ =	sdelay $0x4  }
0x10f: {  	v2 =	vshrl.u32 v2, $0x10  }
0x110: {  	[tilespmem:$0x16920] =	vst v2  }
0x111: {  	v2 =	vld [tilespmem:s2+$0x30];
	_ =	sdelay $0x4  }
0x112: {  	v2 =	vshrl.u32 v2, $0x10  }
0x113: {  	[tilespmem:$0x16930] =	vst v2  }
0x114: {  	v2 =	vld [tilespmem:s2+$0x40];
	_ =	sdelay $0x1  }
0x115: {  	p1 =	seq.s32 s31, $0x0  }
.Ltmp15:
0x116: {  	_ = 	snop;
	(pc) =	sbr.rel @p1 .LBB2_21-.Ltmp15, $4  }
0x117: {  	_ = 	snop  }
0x118: {  	v2 =	vshrl.u32 v2, $0x10  }
0x119: {  	[tilespmem:$0x16940] =	vst v2  }
0x11a: {  	[spmem:s3] =	stream.indirect.scatter.add.f32 [tilespmem:s13], [sflag:$0x2], $0x80, s25, s16, $0xb8;
	[tilespmem:$0x1E280] =	vst v63  }
.LBB2_20:
0x11b: {  	p1 =	sgt.u32 s4, $0x7A  }
.Ltmp16:
0x11c: {  	_ = 	snop;
	(pc) =	sbr.rel @p1 .LBB2_22-.Ltmp16, $4  }
.Ltmp17:
0x11d: {  	_ = 	snop;
	(pc) =	sbr.rel @!p1 .LBB2_21-.Ltmp17, $4  }
0x11e: {  	_ =	swait.ge [sflag:s18], $0x2800  }
0x11f: {  	[sflag:s18] =	ssyncset.done $0x0  }
0x120: {  	[sflag:s18] =	ssyncadd.s32 $0xFFFFD800  }
0x121: {  	_ = 	snop  }
.LBB2_24:
0x122: {  	_ =	sfence.sel $0x180000  }
0x123: {  	[bflag:$0x0] =	sbarrier.arrive $0xFFFF  }
0x124: {  	_ =	strace $0x90000047  }
0x125: {  	[bflag:$0x2] =	sbarrier.arrive $0xFFFF  }
0x126: {  	p0 =	sne.s32 s0, $0x0;
	s0 =	rddreg [dreg:$0x4]  }
0x127: {  	s0 =	sadd.s32 @!p0 $0x100000, s0  }
0x128: {  	[sflag:s0] =	ssyncadd.tile.s32 @!p0 $0x1;
	_ =	shalt  }
.Lfunc_end2:
_tile_overlayer_lowered:
.L_overlay_start_2:
0x129: {  	(tag) =	ssettag $0x2  }
0x12a: {  	s0 =	rddreg [dreg:$0x0];
	s2 =	stileid.u32  }
0x12b: {  	s1 =	rddreg [dreg:$0x1];
	p0 =	sne.s32 s2, $0x0  }
0x12c: {  	s3 =	rddreg [dreg:$0x2];
	[bflag:$0x3] =	sbarrier.arrive $0xFFFF;
	s2 =	simm.s32 @!p0 $0x1C03  }
0x12d: {  	[timem:s3], [sflag:s2] =	dma.local @!p0 [hbm:s0], s1  }
0x12e: {  	s0 =	simm.s32 @!p0 $0x3  }
0x12f: {  	_ =	swait.ge @!p0 [sflag:s0], s1  }
0x130: {  	s1 =	ssub.s32 @!p0 $0x0, s1;
	[sflag:s0] =	ssyncset.done @!p0 $0x0  }
0x131: {  	[sflag:s0] =	ssyncadd.s32 @!p0 s1  }
0x132: {  	[bflag:$0x3] =	sbarrier.arrive $0xFFFF  }
0x133: {  	_ =	shalt  }

</sc_bundles>
